<compile_context>
chip_gen: v7x
topology: tpu7x:2x2x1
jax: 0.10.2.dev20260603
libtpu: 0.0.44.dev20260713+nightly
codegen_flags: <defaults>
</compile_context>

<pallas_src>
import jax
import jax.numpy as jnp
from jax import lax
from jax.experimental import pallas as pl
from jax.experimental.pallas import tpu as pltpu
from jax.experimental.pallas import tpu_sc as plsc

N = 10000
E = 320000
H = 8
D = 16
F = 128
HH = 4
FH = 64
FW = 80

NC = 2
NS = 16
EPS = E // NS
G = 200
NCHUNK = EPS // G

ROWS_PER_SUB = 624
TAIL_ROW0 = ROWS_PER_SUB * NS
TAIL = N - TAIL_ROW0


def _front_body(x_ref, w_ref, al_ref, ar_ref, fa_ref, fb_ref, r_ref):
    f = jnp.dot(x_ref[...], w_ref[...], preferred_element_type=jnp.float32)
    ltab = jnp.dot(f, al_ref[...], preferred_element_type=jnp.float32)
    fa_ref[...] = jnp.concatenate([f[:, :FH], ltab], axis=1)
    fb_ref[...] = jnp.concatenate([f[:, FH:], ltab], axis=1)
    r_ref[...] = jnp.dot(f, ar_ref[...], preferred_element_type=jnp.float32)


def _front(x, W, al16, ar16):
    blk = 1000
    return pl.pallas_call(
        _front_body,
        grid=(N // blk,),
        in_specs=[
            pl.BlockSpec((blk, F), lambda i: (i, 0)),
            pl.BlockSpec((F, F), lambda i: (0, 0)),
            pl.BlockSpec((F, D), lambda i: (0, 0)),
            pl.BlockSpec((F, D), lambda i: (0, 0)),
        ],
        out_specs=[
            pl.BlockSpec((blk, FW), lambda i: (i, 0)),
            pl.BlockSpec((blk, FW), lambda i: (i, 0)),
            pl.BlockSpec((blk, D), lambda i: (i, 0)),
        ],
        out_shape=[
            jax.ShapeDtypeStruct((N, FW), jnp.float32),
            jax.ShapeDtypeStruct((N, FW), jnp.float32),
            jax.ShapeDtypeStruct((N, D), jnp.float32),
        ],
    )(x, W, al16, ar16)


def _lane_bcast(vec, h):
    idx = jnp.full((D, 1), h, jnp.int32)
    dnums = lax.GatherDimensionNumbers(
        offset_dims=(), collapsed_slice_dims=(0,), start_index_map=(0,))
    return lax.gather(vec, idx, dnums, (1,),
                      mode=lax.GatherScatterMode.PROMISE_IN_BOUNDS)


def _sc_edge_body(src_hbm, dst_hbm, r_hbm, fa_hbm, fb_hbm,
                  accp_hbm,
                  srcv0, dstv0, rg0, fg0,
                  srcv1, dstv1, rg1, fg1,
                  srcv2, dstv2, rg2, fg2,
                  sema0, sema1, sema2, semb0, semb1, semb2,
                  semc0, semc1, semc2,
                  shared_acc):
    cid = lax.axis_index("c")
    sid = lax.axis_index("s")
    _Z16 = jnp.zeros((D,), jnp.float32)
    h0 = cid * HH
    ebase = sid * EPS

    bufs = ((srcv0, dstv0, rg0, fg0, sema0, semb0, semc0),
            (srcv1, dstv1, rg1, fg1, sema1, semb1, semc1),
            (srcv2, dstv2, rg2, fg2, sema2, semb2, semc2))

    def _idx_issue(p, base):
        sv, dv, _, _, sa, _, _ = bufs[p]
        pltpu.async_copy(src_hbm.at[pl.ds(base, G)], sv, sa)
        pltpu.async_copy(dst_hbm.at[pl.ds(base, G)], dv, sa)

    def _idx_wait(p, base):
        sv, dv, _, _, sa, _, _ = bufs[p]
        pltpu.make_async_copy(src_hbm.at[pl.ds(base, G)], sv, sa).wait()
        pltpu.make_async_copy(dst_hbm.at[pl.ds(base, G)], dv, sa).wait()

    def _gather_issue(p):
        sv, dv, rgb, fgb, _, sb, _ = bufs[p]
        pltpu.async_copy(r_hbm.at[dv], rgb, sb)

        @pl.when(cid == 0)
        def _():
            pltpu.async_copy(fa_hbm.at[sv], fgb, sb)

        @pl.when(cid == 1)
        def _():
            pltpu.async_copy(fb_hbm.at[sv], fgb, sb)

    def _gather_wait(p):
        sv, dv, rgb, fgb, _, sb, _ = bufs[p]
        pltpu.make_async_copy(r_hbm.at[dv], rgb, sb).wait()

        @pl.when(cid == 0)
        def _():
            pltpu.make_async_copy(fa_hbm.at[sv], fgb, sb).wait()

        @pl.when(cid == 1)
        def _():
            pltpu.make_async_copy(fb_hbm.at[sv], fgb, sb).wait()

    def _compute(p):
        _, _, rgb, fgb, _, _, _ = bufs[p]

        @plsc.parallel_loop(0, G, 1, unroll=2)
        def _(i):
            e = fgb[i, pl.ds(FH, D)] + rgb[i, :]
            e = jnp.where(e >= 0.0, e, e * jnp.float32(0.2))
            ex = jnp.exp(e)
            fgb[i, pl.ds(FH, D)] = ex
            for j in range(HH):
                m = _lane_bcast(ex, h0 + j)
                fgb[i, pl.ds(j * D, D)] = fgb[i, pl.ds(j * D, D)] * m

    def _scatter_issue(p):
        _, dv, _, fgb, _, _, sc = bufs[p]
        pltpu.async_copy(fgb, shared_acc.at[dv], sc, add=True)

    def _scatter_wait(p):
        _, dv, _, fgb, _, _, sc = bufs[p]
        pltpu.make_async_copy(fgb, shared_acc.at[dv], sc).wait()

    def _chunk(base, p, wait_prev_scatter=True, prefetch_gather=True,
               issue_idx2=True):
        p1 = (p + 1) % 3
        p2 = (p + 2) % 3
        if prefetch_gather:
            _idx_wait(p1, base + G)
            _gather_issue(p1)
        _gather_wait(p)
        _compute(p)
        if wait_prev_scatter:
            _scatter_wait(p2)
        _scatter_issue(p)
        if issue_idx2:
            _idx_issue(p2, base + 2 * G)

    _idx_issue(0, ebase)
    _idx_issue(1, ebase + G)

    @pl.loop(0, G)
    def _(r):
        for c in range(FW // D):
            fg0[r, pl.ds(c * D, D)] = _Z16

    row0 = sid * ROWS_PER_SUB
    done = 0
    while done + G <= ROWS_PER_SUB:
        pltpu.sync_copy(fg0, shared_acc.at[pl.ds(row0 + done, G)])
        done += G
    if ROWS_PER_SUB - done:
        pltpu.sync_copy(fg0.at[pl.ds(0, ROWS_PER_SUB - done)],
                        shared_acc.at[pl.ds(row0 + done,
                                            ROWS_PER_SUB - done)])

    @pl.when(sid == 0)
    def _():
        pltpu.sync_copy(fg0.at[pl.ds(0, TAIL)],
                        shared_acc.at[pl.ds(TAIL_ROW0, TAIL)])

    plsc.subcore_barrier()

    _idx_wait(0, ebase)
    _gather_issue(0)

    _chunk(ebase, 0, wait_prev_scatter=False)

    @pl.loop(1, NCHUNK - 3, step=3)
    def _(k):
        base = ebase + k * G
        _chunk(base, 1)
        _chunk(base + G, 2)
        _chunk(base + 2 * G, 0)

    base = ebase + (NCHUNK - 3) * G
    _chunk(base, 1)
    _chunk(base + G, 2, issue_idx2=False)
    _chunk(base + 2 * G, 0, prefetch_gather=False, issue_idx2=False)
    _scatter_wait(0)

    plsc.subcore_barrier()
    pltpu.sync_copy(shared_acc.at[pl.ds(row0, ROWS_PER_SUB)],
                    accp_hbm.at[cid, pl.ds(row0, ROWS_PER_SUB)])

    @pl.when(sid == 0)
    def _():
        pltpu.sync_copy(shared_acc.at[pl.ds(TAIL_ROW0, TAIL)],
                        accp_hbm.at[cid, pl.ds(TAIL_ROW0, TAIL)])


def _sc_edges(src, dst, rtab, feat_a, feat_b):
    mesh = plsc.VectorSubcoreMesh(core_axis_name="c", subcore_axis_name="s")
    kern = pl.kernel(
        _sc_edge_body,
        mesh=mesh,
        compiler_params=pltpu.CompilerParams(use_tc_tiling_on_sc=False),
        out_type=[
            jax.ShapeDtypeStruct((NC, N, FW), jnp.float32),
        ],
        scratch_types=(
            [pltpu.VMEM((G,), jnp.int32),
             pltpu.VMEM((G,), jnp.int32),
             pltpu.VMEM((G, D), jnp.float32),
             pltpu.VMEM((G, FW), jnp.float32)] * 3
            + [pltpu.SemaphoreType.DMA] * 9
            + [pltpu.VMEM_SHARED((N, FW), jnp.float32)]
        ),
    )
    return kern(src, dst, rtab, feat_a, feat_b)


def _epi_body(p_ref, x_ref, b_ref, o_ref):
    parts = []
    for h in range(H):
        c = h // HH
        j = h % HH
        dh = jnp.maximum(p_ref[c][:, FH + h:FH + h + 1], jnp.float32(1e-9))
        parts.append(p_ref[c][:, j * D:(j + 1) * D] / dh)
    r = jnp.concatenate(parts, axis=1)
    v = r + x_ref[...] + b_ref[...]
    o_ref[...] = jnp.where(v > 0.0, v, jnp.exp(jnp.minimum(v, 0.0)) - 1.0)


def _epilogue(accp, x, bias):
    blk = 1000
    return pl.pallas_call(
        _epi_body,
        grid=(N // blk,),
        in_specs=[
            pl.BlockSpec((NC, blk, FW), lambda i: (0, i, 0)),
            pl.BlockSpec((blk, F), lambda i: (i, 0)),
            pl.BlockSpec((1, F), lambda i: (0, 0)),
        ],
        out_specs=pl.BlockSpec((blk, F), lambda i: (i, 0)),
        out_shape=jax.ShapeDtypeStruct((N, F), jnp.float32),
    )(accp, x, bias.reshape(1, F))


@jax.jit
def kernel(adj, x, W, a_l, a_r, bias):
    src = adj[0].astype(jnp.int32)
    dst = adj[1].astype(jnp.int32)
    x = x.astype(jnp.float32)

    eye8 = jnp.eye(H, dtype=jnp.float32)
    al = (a_l[:, :, None] * eye8[:, None, :]).reshape(F, H)
    ar = (a_r[:, :, None] * eye8[:, None, :]).reshape(F, H)
    zpad = jnp.zeros((F, D - H), jnp.float32)
    al16 = jnp.concatenate([al, zpad], axis=1)
    ar16 = jnp.concatenate([ar, zpad], axis=1)

    feat_a, feat_b, rtab = _front(x, W, al16, ar16)
    (accp,) = _sc_edges(src, dst, rtab, feat_a, feat_b)
    return _epilogue(accp, x, bias.astype(jnp.float32))

# --- scband reference (transcript-rebuilt; emitter-appended) ---
"""Pipeline reference for scband-gatlayer-90331752169542 (READ-ONLY COPY).

The authoritative reference and input builder live on the scoring server;
editing this copy changes nothing except your own understanding.
"""

import jax, jax.numpy as jnp
import numpy as np

N = 10000
E = 320000
IN_FEAT = 128
H = 8
D = 16  # out_feat // num_heads = 128 // 8


def setup_inputs(seed: int = 0) -> dict:
    key = jax.random.key(seed)
    k1, k2, k3, k4, k5 = jax.random.split(key, 5)
    adj = jax.random.randint(k1, (2, E), 0, N)
    x = jax.random.normal(k2, (N, IN_FEAT), dtype=jnp.float32)
    # learned params sized per init_kwargs
    W = jax.random.normal(k3, (IN_FEAT, H * D), dtype=jnp.float32) * 0.1
    a_l = jax.random.normal(k4, (H, D), dtype=jnp.float32) * 0.1
    a_r = jax.random.normal(k5, (H, D), dtype=jnp.float32) * 0.1
    bias = jnp.zeros((H * D,), dtype=jnp.float32)
    return {"adj": adj, "x": x, "W": W, "a_l": a_l, "a_r": a_r, "bias": bias}


def reference(adj, x, W, a_l, a_r, bias):
    # GATConv forward (eval mode: dropout = identity)
    src = adj[0]
    dst = adj[1]
    feat = (x @ W).reshape(-1, H, D)                      # [N, H, D]
    el = jnp.sum(feat * a_l[None, :, :], axis=-1)         # [N, H]
    er = jnp.sum(feat * a_r[None, :, :], axis=-1)         # [N, H]
    e = jax.nn.leaky_relu(el[src] + er[dst], 0.2)         # [E, H]
    # segment softmax over incoming edges of each dst node
    e_max = jax.ops.segment_max(e, dst, num_segments=N)   # [N, H]
    e_max = jnp.where(jnp.isfinite(e_max), e_max, 0.0)
    ex = jnp.exp(e - e_max[dst])                          # [E, H]
    denom = jax.ops.segment_sum(ex, dst, num_segments=N)  # [N, H]
    alpha = ex / jnp.maximum(denom[dst], 1e-9)            # [E, H]
    msg = feat[src] * alpha[:, :, None]                   # [E, H, D]
    out = jax.ops.segment_sum(msg, dst, num_segments=N)   # [N, H, D]
    out = out.reshape(-1, H * D)
    # residual (in_feat == num_heads * head_dim, identity skip)
    out = out + x
    out = out + bias[None, :]
    # activation = ELU, then outer dropout (identity in eval)
    out = jax.nn.elu(out)
    return out

if __name__ == "__main__":
    import jax
    _d = setup_inputs()
    print(jax.jit(kernel)(*tuple(_d.values())))

</pallas_src>

<mosaic_0001>
#map = affine_map<(d0, d1) -> (0)>
#map1 = affine_map<(d0, d1) -> (0, 0)>
#map2 = affine_map<(d0, d1) -> (0, 0, 0)>
module attributes {stable_mosaic.version = 14 : i64} {
  func.func @_sc_edge_body(%arg0: i32, %arg1: i32, %arg2: memref<320000xi32, #tpu.memory_space<hbm>>, %arg3: memref<320000xi32, #tpu.memory_space<hbm>>, %arg4: memref<10000x16xf32, #tpu.memory_space<hbm>>, %arg5: memref<10000x80xf32, #tpu.memory_space<hbm>>, %arg6: memref<10000x80xf32, #tpu.memory_space<hbm>>, %arg7: memref<2x10000x80xf32, #tpu.memory_space<hbm>>, %arg8: memref<200xi32, #tpu.memory_space<vmem>>, %arg9: memref<200xi32, #tpu.memory_space<vmem>>, %arg10: memref<200x16xf32, #tpu.memory_space<vmem>>, %arg11: memref<200x80xf32, #tpu.memory_space<vmem>>, %arg12: memref<200xi32, #tpu.memory_space<vmem>>, %arg13: memref<200xi32, #tpu.memory_space<vmem>>, %arg14: memref<200x16xf32, #tpu.memory_space<vmem>>, %arg15: memref<200x80xf32, #tpu.memory_space<vmem>>, %arg16: memref<200xi32, #tpu.memory_space<vmem>>, %arg17: memref<200xi32, #tpu.memory_space<vmem>>, %arg18: memref<200x16xf32, #tpu.memory_space<vmem>>, %arg19: memref<200x80xf32, #tpu.memory_space<vmem>>, %arg20: memref<!tpu.dma_semaphore, #tpu.memory_space<semaphore_mem>>, %arg21: memref<!tpu.dma_semaphore, #tpu.memory_space<semaphore_mem>>, %arg22: memref<!tpu.dma_semaphore, #tpu.memory_space<semaphore_mem>>, %arg23: memref<!tpu.dma_semaphore, #tpu.memory_space<semaphore_mem>>, %arg24: memref<!tpu.dma_semaphore, #tpu.memory_space<semaphore_mem>>, %arg25: memref<!tpu.dma_semaphore, #tpu.memory_space<semaphore_mem>>, %arg26: memref<!tpu.dma_semaphore, #tpu.memory_space<semaphore_mem>>, %arg27: memref<!tpu.dma_semaphore, #tpu.memory_space<semaphore_mem>>, %arg28: memref<!tpu.dma_semaphore, #tpu.memory_space<semaphore_mem>>, %arg29: memref<10000x80xf32, #tpu.memory_space<vmem_shared>>) attributes {dimension_semantics = [#tpu.dimension_semantics<core_parallel>, #tpu.dimension_semantics<subcore_parallel>], iteration_bounds = array<i64: 2, 16>, scalar_prefetch = 0 : i64, scratch_operands = 22 : i64, tpu.core_type = #tpu.core_type<sc_vector_subcore>, window_params = [{transform_indices = #map}, {transform_indices = #map}, {transform_indices = #map1}, {transform_indices = #map1}, {transform_indices = #map1}, {transform_indices = #map2}]} {
    %broadcast_in_dim3A = arith.constant 0.000000e+00 : f32
    %broadcast_in_dim3A_0 = vector.broadcast %broadcast_in_dim3A : f32 to vector<16xf32>
    %mul3A = arith.constant 4 : i32
    %mul3A_1 = arith.muli %arg0, %mul3A : i32
    %mul3A_2 = arith.constant 20000 : i32
    %mul3A_3 = arith.muli %arg1, %mul3A_2 : i32
    %dma_start3A = tpu.memref_slice %arg2[%mul3A_3] : memref<320000xi32, #tpu.memory_space<hbm>> -> memref<200xi32, #tpu.memory_space<hbm>>
    %dma_start3A_4 = tpu.memref_slice %arg2[%mul3A_3] : memref<320000xi32, #tpu.memory_space<hbm>> -> memref<200xi32, #tpu.memory_space<hbm>>
    tpu.enqueue_dma source(%dma_start3A_4 : memref<200xi32, #tpu.memory_space<hbm>>) target(%arg8 : memref<200xi32, #tpu.memory_space<vmem>>) target_semaphore(%arg20 : memref<!tpu.dma_semaphore, #tpu.memory_space<semaphore_mem>>)
    %dma_start3A_5 = tpu.memref_slice %arg3[%mul3A_3] : memref<320000xi32, #tpu.memory_space<hbm>> -> memref<200xi32, #tpu.memory_space<hbm>>
    %dma_start3A_6 = tpu.memref_slice %arg3[%mul3A_3] : memref<320000xi32, #tpu.memory_space<hbm>> -> memref<200xi32, #tpu.memory_space<hbm>>
    tpu.enqueue_dma source(%dma_start3A_6 : memref<200xi32, #tpu.memory_space<hbm>>) target(%arg9 : memref<200xi32, #tpu.memory_space<vmem>>) target_semaphore(%arg20 : memref<!tpu.dma_semaphore, #tpu.memory_space<semaphore_mem>>)
    %add3A = arith.constant 200 : i32
    %add3A_7 = arith.addi %mul3A_3, %add3A : i32
    %dma_start3A_8 = tpu.memref_slice %arg2[%add3A_7] : memref<320000xi32, #tpu.memory_space<hbm>> -> memref<200xi32, #tpu.memory_space<hbm>>
    %dma_start3A_9 = tpu.memref_slice %arg2[%add3A_7] : memref<320000xi32, #tpu.memory_space<hbm>> -> memref<200xi32, #tpu.memory_space<hbm>>
    tpu.enqueue_dma source(%dma_start3A_9 : memref<200xi32, #tpu.memory_space<hbm>>) target(%arg12 : memref<200xi32, #tpu.memory_space<vmem>>) target_semaphore(%arg21 : memref<!tpu.dma_semaphore, #tpu.memory_space<semaphore_mem>>)
    %dma_start3A_10 = tpu.memref_slice %arg3[%add3A_7] : memref<320000xi32, #tpu.memory_space<hbm>> -> memref<200xi32, #tpu.memory_space<hbm>>
    %dma_start3A_11 = tpu.memref_slice %arg3[%add3A_7] : memref<320000xi32, #tpu.memory_space<hbm>> -> memref<200xi32, #tpu.memory_space<hbm>>
    tpu.enqueue_dma source(%dma_start3A_11 : memref<200xi32, #tpu.memory_space<hbm>>) target(%arg13 : memref<200xi32, #tpu.memory_space<vmem>>) target_semaphore(%arg21 : memref<!tpu.dma_semaphore, #tpu.memory_space<semaphore_mem>>)
    %scan3A = arith.constant 0 : i32
    %scan3A_12 = arith.constant 200 : i32
    %scan3A_13 = arith.addi %scan3A, %scan3A_12 : i32
    %scan3A_14 = arith.constant 1 : i32
    scf.for %scan3A_217 = %scan3A to %scan3A_13 step %scan3A_14  : i32 {
      %mul3A_218 = arith.constant 1 : i32
      %mul3A_219 = arith.muli %scan3A_217, %mul3A_218 : i32
      %add3A_220 = arith.constant 0 : i32
      %add3A_221 = arith.addi %add3A_220, %mul3A_219 : i32
      %swap3A = arith.index_cast %add3A_221 : i32 to index
      %swap3A_222 = arith.constant 0 : index
      %swap3A_223 = tpu.vector_load %arg11[%swap3A, %swap3A_222] {strides = array<i32>} : memref<200x80xf32, #tpu.memory_space<vmem>>, vector<1x16xf32>,
      %swap3A_224 = vector.shape_cast %swap3A_223 : vector<1x16xf32> to vector<16xf32>
      %swap3A_225 = vector.shape_cast %broadcast_in_dim3A_0 : vector<16xf32> to vector<1x16xf32>
      tpu.vector_store %arg11[%swap3A, %swap3A_222], %swap3A_225 {strides = array<i32>} : memref<200x80xf32, #tpu.memory_space<vmem>>, vector<1x16xf32>,
      %swap3A_226 = arith.index_cast %add3A_221 : i32 to index
      %swap3A_227 = arith.constant 16 : index
      %swap3A_228 = tpu.vector_load %arg11[%swap3A_226, %swap3A_227] {strides = array<i32>} : memref<200x80xf32, #tpu.memory_space<vmem>>, vector<1x16xf32>,
      %swap3A_229 = vector.shape_cast %swap3A_228 : vector<1x16xf32> to vector<16xf32>
      %swap3A_230 = vector.shape_cast %broadcast_in_dim3A_0 : vector<16xf32> to vector<1x16xf32>
      tpu.vector_store %arg11[%swap3A_226, %swap3A_227], %swap3A_230 {strides = array<i32>} : memref<200x80xf32, #tpu.memory_space<vmem>>, vector<1x16xf32>,
      %swap3A_231 = arith.index_cast %add3A_221 : i32 to index
      %swap3A_232 = arith.constant 32 : index
      %swap3A_233 = tpu.vector_load %arg11[%swap3A_231, %swap3A_232] {strides = array<i32>} : memref<200x80xf32, #tpu.memory_space<vmem>>, vector<1x16xf32>,
      %swap3A_234 = vector.shape_cast %swap3A_233 : vector<1x16xf32> to vector<16xf32>
      %swap3A_235 = vector.shape_cast %broadcast_in_dim3A_0 : vector<16xf32> to vector<1x16xf32>
      tpu.vector_store %arg11[%swap3A_231, %swap3A_232], %swap3A_235 {strides = array<i32>} : memref<200x80xf32, #tpu.memory_space<vmem>>, vector<1x16xf32>,
      %swap3A_236 = arith.index_cast %add3A_221 : i32 to index
      %swap3A_237 = arith.constant 48 : index
      %swap3A_238 = tpu.vector_load %arg11[%swap3A_236, %swap3A_237] {strides = array<i32>} : memref<200x80xf32, #tpu.memory_space<vmem>>, vector<1x16xf32>,
      %swap3A_239 = vector.shape_cast %swap3A_238 : vector<1x16xf32> to vector<16xf32>
      %swap3A_240 = vector.shape_cast %broadcast_in_dim3A_0 : vector<16xf32> to vector<1x16xf32>
      tpu.vector_store %arg11[%swap3A_236, %swap3A_237], %swap3A_240 {strides = array<i32>} : memref<200x80xf32, #tpu.memory_space<vmem>>, vector<1x16xf32>,
      %swap3A_241 = arith.index_cast %add3A_221 : i32 to index
      %swap3A_242 = arith.constant 64 : index
      %swap3A_243 = tpu.vector_load %arg11[%swap3A_241, %swap3A_242] {strides = array<i32>} : memref<200x80xf32, #tpu.memory_space<vmem>>, vector<1x16xf32>,
      %swap3A_244 = vector.shape_cast %swap3A_243 : vector<1x16xf32> to vector<16xf32>
      %swap3A_245 = vector.shape_cast %broadcast_in_dim3A_0 : vector<16xf32> to vector<1x16xf32>
      tpu.vector_store %arg11[%swap3A_241, %swap3A_242], %swap3A_245 {strides = array<i32>} : memref<200x80xf32, #tpu.memory_space<vmem>>, vector<1x16xf32>,
    }
    %scan3A_15 = arith.constant 200 : i32
    %mul3A_16 = arith.constant 624 : i32
    %mul3A_17 = arith.muli %arg1, %mul3A_16 : i32
    %add3A_18 = arith.constant 0 : i32
    %add3A_19 = arith.addi %mul3A_17, %add3A_18 : i32
    "tpu.region"() ({
      %run_scoped3A = tpu.sem_alloc : memref<!tpu.dma_semaphore, #tpu.memory_space<semaphore_mem>>
      %dma_start3A_217 = arith.constant 0 : i32
      %dma_start3A_218 = tpu.memref_slice %arg29[%add3A_19, %dma_start3A_217] : memref<10000x80xf32, #tpu.memory_space<vmem_shared>> -> memref<200x80xf32, #tpu.memory_space<vmem_shared>>
      %dma_start3A_219 = arith.constant 0 : i32
      %dma_start3A_220 = tpu.memref_slice %arg29[%add3A_19, %dma_start3A_219] : memref<10000x80xf32, #tpu.memory_space<vmem_shared>> -> memref<200x80xf32, #tpu.memory_space<vmem_shared>>
      tpu.enqueue_dma source(%arg11 : memref<200x80xf32, #tpu.memory_space<vmem>>) target(%dma_start3A_220 : memref<200x80xf32, #tpu.memory_space<vmem_shared>>) target_semaphore(%run_scoped3A : memref<!tpu.dma_semaphore, #tpu.memory_space<semaphore_mem>>)
      %dma_wait3A_221 = arith.constant 0 : i32
      %dma_wait3A_222 = tpu.memref_slice %arg29[%add3A_19, %dma_wait3A_221] : memref<10000x80xf32, #tpu.memory_space<vmem_shared>> -> memref<200x80xf32, #tpu.memory_space<vmem_shared>>
      %dma_wait3A_223 = arith.constant 0 : i32
      %dma_wait3A_224 = tpu.memref_slice %arg29[%add3A_19, %dma_wait3A_223] : memref<10000x80xf32, #tpu.memory_space<vmem_shared>> -> memref<200x80xf32, #tpu.memory_space<vmem_shared>>
      tpu.wait_dma2 semaphore(%run_scoped3A : memref<!tpu.dma_semaphore, #tpu.memory_space<semaphore_mem>>) src(%arg11 : memref<200x80xf32, #tpu.memory_space<vmem>>) dst(%dma_wait3A_224 : memref<200x80xf32, #tpu.memory_space<vmem_shared>>)
      tpu.yield
    }) : () -> ()
    %add3A_20 = arith.constant 200 : i32
    %add3A_21 = arith.addi %mul3A_17, %add3A_20 : i32
    "tpu.region"() ({
      %run_scoped3A = tpu.sem_alloc : memref<!tpu.dma_semaphore, #tpu.memory_space<semaphore_mem>>
      %dma_start3A_217 = arith.constant 0 : i32
      %dma_start3A_218 = tpu.memref_slice %arg29[%add3A_21, %dma_start3A_217] : memref<10000x80xf32, #tpu.memory_space<vmem_shared>> -> memref<200x80xf32, #tpu.memory_space<vmem_shared>>
      %dma_start3A_219 = arith.constant 0 : i32
      %dma_start3A_220 = tpu.memref_slice %arg29[%add3A_21, %dma_start3A_219] : memref<10000x80xf32, #tpu.memory_space<vmem_shared>> -> memref<200x80xf32, #tpu.memory_space<vmem_shared>>
      tpu.enqueue_dma source(%arg11 : memref<200x80xf32, #tpu.memory_space<vmem>>) target(%dma_start3A_220 : memref<200x80xf32, #tpu.memory_space<vmem_shared>>) target_semaphore(%run_scoped3A : memref<!tpu.dma_semaphore, #tpu.memory_space<semaphore_mem>>)
      %dma_wait3A_221 = arith.constant 0 : i32
      %dma_wait3A_222 = tpu.memref_slice %arg29[%add3A_21, %dma_wait3A_221] : memref<10000x80xf32, #tpu.memory_space<vmem_shared>> -> memref<200x80xf32, #tpu.memory_space<vmem_shared>>
      %dma_wait3A_223 = arith.constant 0 : i32
      %dma_wait3A_224 = tpu.memref_slice %arg29[%add3A_21, %dma_wait3A_223] : memref<10000x80xf32, #tpu.memory_space<vmem_shared>> -> memref<200x80xf32, #tpu.memory_space<vmem_shared>>
      tpu.wait_dma2 semaphore(%run_scoped3A : memref<!tpu.dma_semaphore, #tpu.memory_space<semaphore_mem>>) src(%arg11 : memref<200x80xf32, #tpu.memory_space<vmem>>) dst(%dma_wait3A_224 : memref<200x80xf32, #tpu.memory_space<vmem_shared>>)
      tpu.yield
    }) : () -> ()
    %add3A_22 = arith.constant 400 : i32
    %add3A_23 = arith.addi %mul3A_17, %add3A_22 : i32
    "tpu.region"() ({
      %run_scoped3A = tpu.sem_alloc : memref<!tpu.dma_semaphore, #tpu.memory_space<semaphore_mem>>
      %dma_start3A_217 = arith.constant 0 : i32
      %dma_start3A_218 = tpu.memref_slice %arg29[%add3A_23, %dma_start3A_217] : memref<10000x80xf32, #tpu.memory_space<vmem_shared>> -> memref<200x80xf32, #tpu.memory_space<vmem_shared>>
      %dma_start3A_219 = arith.constant 0 : i32
      %dma_start3A_220 = tpu.memref_slice %arg29[%add3A_23, %dma_start3A_219] : memref<10000x80xf32, #tpu.memory_space<vmem_shared>> -> memref<200x80xf32, #tpu.memory_space<vmem_shared>>
      tpu.enqueue_dma source(%arg11 : memref<200x80xf32, #tpu.memory_space<vmem>>) target(%dma_start3A_220 : memref<200x80xf32, #tpu.memory_space<vmem_shared>>) target_semaphore(%run_scoped3A : memref<!tpu.dma_semaphore, #tpu.memory_space<semaphore_mem>>)
      %dma_wait3A_221 = arith.constant 0 : i32
      %dma_wait3A_222 = tpu.memref_slice %arg29[%add3A_23, %dma_wait3A_221] : memref<10000x80xf32, #tpu.memory_space<vmem_shared>> -> memref<200x80xf32, #tpu.memory_space<vmem_shared>>
      %dma_wait3A_223 = arith.constant 0 : i32
      %dma_wait3A_224 = tpu.memref_slice %arg29[%add3A_23, %dma_wait3A_223] : memref<10000x80xf32, #tpu.memory_space<vmem_shared>> -> memref<200x80xf32, #tpu.memory_space<vmem_shared>>
      tpu.wait_dma2 semaphore(%run_scoped3A : memref<!tpu.dma_semaphore, #tpu.memory_space<semaphore_mem>>) src(%arg11 : memref<200x80xf32, #tpu.memory_space<vmem>>) dst(%dma_wait3A_224 : memref<200x80xf32, #tpu.memory_space<vmem_shared>>)
      tpu.yield
    }) : () -> ()
    %add3A_24 = arith.constant 600 : i32
    %add3A_25 = arith.addi %mul3A_17, %add3A_24 : i32
    "tpu.region"() ({
      %run_scoped3A = tpu.sem_alloc : memref<!tpu.dma_semaphore, #tpu.memory_space<semaphore_mem>>
      %dma_start3A_217 = arith.constant 0 : i32
      %dma_start3A_218 = arith.constant 0 : i32
      %dma_start3A_219 = tpu.memref_slice %arg11[%dma_start3A_217, %dma_start3A_218] : memref<200x80xf32, #tpu.memory_space<vmem>> -> memref<24x80xf32, #tpu.memory_space<vmem>>
      %dma_start3A_220 = arith.constant 0 : i32
      %dma_start3A_221 = tpu.memref_slice %arg29[%add3A_25, %dma_start3A_220] : memref<10000x80xf32, #tpu.memory_space<vmem_shared>> -> memref<24x80xf32, #tpu.memory_space<vmem_shared>>
      %dma_start3A_222 = arith.constant 0 : i32
      %dma_start3A_223 = tpu.memref_slice %arg29[%add3A_25, %dma_start3A_222] : memref<10000x80xf32, #tpu.memory_space<vmem_shared>> -> memref<24x80xf32, #tpu.memory_space<vmem_shared>>
      %dma_start3A_224 = arith.constant 0 : i32
      %dma_start3A_225 = arith.constant 0 : i32
      %dma_start3A_226 = tpu.memref_slice %arg11[%dma_start3A_224, %dma_start3A_225] : memref<200x80xf32, #tpu.memory_space<vmem>> -> memref<24x80xf32, #tpu.memory_space<vmem>>
      tpu.enqueue_dma source(%dma_start3A_226 : memref<24x80xf32, #tpu.memory_space<vmem>>) target(%dma_start3A_223 : memref<24x80xf32, #tpu.memory_space<vmem_shared>>) target_semaphore(%run_scoped3A : memref<!tpu.dma_semaphore, #tpu.memory_space<semaphore_mem>>)
      %dma_wait3A_227 = arith.constant 0 : i32
      %dma_wait3A_228 = arith.constant 0 : i32
      %dma_wait3A_229 = tpu.memref_slice %arg11[%dma_wait3A_227, %dma_wait3A_228] : memref<200x80xf32, #tpu.memory_space<vmem>> -> memref<24x80xf32, #tpu.memory_space<vmem>>
      %dma_wait3A_230 = arith.constant 0 : i32
      %dma_wait3A_231 = tpu.memref_slice %arg29[%add3A_25, %dma_wait3A_230] : memref<10000x80xf32, #tpu.memory_space<vmem_shared>> -> memref<24x80xf32, #tpu.memory_space<vmem_shared>>
      %dma_wait3A_232 = arith.constant 0 : i32
      %dma_wait3A_233 = tpu.memref_slice %arg29[%add3A_25, %dma_wait3A_232] : memref<10000x80xf32, #tpu.memory_space<vmem_shared>> -> memref<24x80xf32, #tpu.memory_space<vmem_shared>>
      %dma_wait3A_234 = arith.constant 0 : i32
      %dma_wait3A_235 = arith.constant 0 : i32
      %dma_wait3A_236 = tpu.memref_slice %arg11[%dma_wait3A_234, %dma_wait3A_235] : memref<200x80xf32, #tpu.memory_space<vmem>> -> memref<24x80xf32, #tpu.memory_space<vmem>>
      tpu.wait_dma2 semaphore(%run_scoped3A : memref<!tpu.dma_semaphore, #tpu.memory_space<semaphore_mem>>) src(%dma_wait3A_236 : memref<24x80xf32, #tpu.memory_space<vmem>>) dst(%dma_wait3A_233 : memref<24x80xf32, #tpu.memory_space<vmem_shared>>)
      tpu.yield
    }) : () -> ()
    %eq3A = arith.constant 0 : i32
    %eq3A_26 = arith.cmpi eq, %arg1, %eq3A : i32
    %convert_element_type3A = arith.extui %eq3A_26 : i1 to i32
    %cond3A = arith.constant 0 : i32
    %cond3A_27 = arith.cmpi ne, %convert_element_type3A, %cond3A : i32
    scf.if %cond3A_27 {
      "tpu.region"() ({
        %run_scoped3A = tpu.sem_alloc : memref<!tpu.dma_semaphore, #tpu.memory_space<semaphore_mem>>
        %dma_start3A_217 = arith.constant 0 : i32
        %dma_start3A_218 = arith.constant 0 : i32
        %dma_start3A_219 = tpu.memref_slice %arg11[%dma_start3A_217, %dma_start3A_218] : memref<200x80xf32, #tpu.memory_space<vmem>> -> memref<16x80xf32, #tpu.memory_space<vmem>>
        %dma_start3A_220 = arith.constant 9984 : i32
        %dma_start3A_221 = arith.constant 0 : i32
        %dma_start3A_222 = tpu.memref_slice %arg29[%dma_start3A_220, %dma_start3A_221] : memref<10000x80xf32, #tpu.memory_space<vmem_shared>> -> memref<16x80xf32, #tpu.memory_space<vmem_shared>>
        %dma_start3A_223 = arith.constant 9984 : i32
        %dma_start3A_224 = arith.constant 0 : i32
        %dma_start3A_225 = tpu.memref_slice %arg29[%dma_start3A_223, %dma_start3A_224] : memref<10000x80xf32, #tpu.memory_space<vmem_shared>> -> memref<16x80xf32, #tpu.memory_space<vmem_shared>>
        %dma_start3A_226 = arith.constant 0 : i32
        %dma_start3A_227 = arith.constant 0 : i32
        %dma_start3A_228 = tpu.memref_slice %arg11[%dma_start3A_226, %dma_start3A_227] : memref<200x80xf32, #tpu.memory_space<vmem>> -> memref<16x80xf32, #tpu.memory_space<vmem>>
        tpu.enqueue_dma source(%dma_start3A_228 : memref<16x80xf32, #tpu.memory_space<vmem>>) target(%dma_start3A_225 : memref<16x80xf32, #tpu.memory_space<vmem_shared>>) target_semaphore(%run_scoped3A : memref<!tpu.dma_semaphore, #tpu.memory_space<semaphore_mem>>)
        %dma_wait3A_229 = arith.constant 0 : i32
        %dma_wait3A_230 = arith.constant 0 : i32
        %dma_wait3A_231 = tpu.memref_slice %arg11[%dma_wait3A_229, %dma_wait3A_230] : memref<200x80xf32, #tpu.memory_space<vmem>> -> memref<16x80xf32, #tpu.memory_space<vmem>>
        %dma_wait3A_232 = arith.constant 9984 : i32
        %dma_wait3A_233 = arith.constant 0 : i32
        %dma_wait3A_234 = tpu.memref_slice %arg29[%dma_wait3A_232, %dma_wait3A_233] : memref<10000x80xf32, #tpu.memory_space<vmem_shared>> -> memref<16x80xf32, #tpu.memory_space<vmem_shared>>
        %dma_wait3A_235 = arith.constant 9984 : i32
        %dma_wait3A_236 = arith.constant 0 : i32
        %dma_wait3A_237 = tpu.memref_slice %arg29[%dma_wait3A_235, %dma_wait3A_236] : memref<10000x80xf32, #tpu.memory_space<vmem_shared>> -> memref<16x80xf32, #tpu.memory_space<vmem_shared>>
        %dma_wait3A_238 = arith.constant 0 : i32
        %dma_wait3A_239 = arith.constant 0 : i32
        %dma_wait3A_240 = tpu.memref_slice %arg11[%dma_wait3A_238, %dma_wait3A_239] : memref<200x80xf32, #tpu.memory_space<vmem>> -> memref<16x80xf32, #tpu.memory_space<vmem>>
        tpu.wait_dma2 semaphore(%run_scoped3A : memref<!tpu.dma_semaphore, #tpu.memory_space<semaphore_mem>>) src(%dma_wait3A_240 : memref<16x80xf32, #tpu.memory_space<vmem>>) dst(%dma_wait3A_237 : memref<16x80xf32, #tpu.memory_space<vmem_shared>>)
        tpu.yield
      }) : () -> ()
    } else {
    }
    %barrier3A = arith.constant 0 : index
    tpu.barrier barrier_id(%barrier3A)
    %dma_wait3A = tpu.memref_slice %arg2[%mul3A_3] : memref<320000xi32, #tpu.memory_space<hbm>> -> memref<200xi32, #tpu.memory_space<hbm>>
    %dma_wait3A_28 = tpu.memref_slice %arg2[%mul3A_3] : memref<320000xi32, #tpu.memory_space<hbm>> -> memref<200xi32, #tpu.memory_space<hbm>>
    tpu.wait_dma2 semaphore(%arg20 : memref<!tpu.dma_semaphore, #tpu.memory_space<semaphore_mem>>) src(%dma_wait3A_28 : memref<200xi32, #tpu.memory_space<hbm>>) dst(%arg8 : memref<200xi32, #tpu.memory_space<vmem>>)
    %dma_wait3A_29 = tpu.memref_slice %arg3[%mul3A_3] : memref<320000xi32, #tpu.memory_space<hbm>> -> memref<200xi32, #tpu.memory_space<hbm>>
    %dma_wait3A_30 = tpu.memref_slice %arg3[%mul3A_3] : memref<320000xi32, #tpu.memory_space<hbm>> -> memref<200xi32, #tpu.memory_space<hbm>>
    tpu.wait_dma2 semaphore(%arg20 : memref<!tpu.dma_semaphore, #tpu.memory_space<semaphore_mem>>) src(%dma_wait3A_30 : memref<200xi32, #tpu.memory_space<hbm>>) dst(%arg9 : memref<200xi32, #tpu.memory_space<vmem>>)
    %dma_start3A_31 = arith.constant 0 : i32
    %dma_start3A_32 = arith.constant 0 : i32
    %dma_start3A_33 = tpu.memref_slice %arg4[%dma_start3A_31, %dma_start3A_32] : memref<10000x16xf32, #tpu.memory_space<hbm>> -> memref<10000x16xf32, #tpu.memory_space<hbm>>
    tpu.enqueue_indirect_dma source(%dma_start3A_33 : memref<10000x16xf32, #tpu.memory_space<hbm>>) target(%arg10 : memref<200x16xf32, #tpu.memory_space<vmem>>) offsets(%arg9 : memref<200xi32, #tpu.memory_space<vmem>>) semaphore(%arg23 : memref<!tpu.dma_semaphore, #tpu.memory_space<semaphore_mem>>)
    %eq3A_34 = arith.constant 0 : i32
    %eq3A_35 = arith.cmpi eq, %arg0, %eq3A_34 : i32
    %convert_element_type3A_36 = arith.extui %eq3A_35 : i1 to i32
    %cond3A_37 = arith.constant 0 : i32
    %cond3A_38 = arith.cmpi ne, %convert_element_type3A_36, %cond3A_37 : i32
    scf.if %cond3A_38 {
      %dma_start3A_217 = arith.constant 0 : i32
      %dma_start3A_218 = arith.constant 0 : i32
      %dma_start3A_219 = tpu.memref_slice %arg5[%dma_start3A_217, %dma_start3A_218] : memref<10000x80xf32, #tpu.memory_space<hbm>> -> memref<10000x80xf32, #tpu.memory_space<hbm>>
      tpu.enqueue_indirect_dma source(%dma_start3A_219 : memref<10000x80xf32, #tpu.memory_space<hbm>>) target(%arg11 : memref<200x80xf32, #tpu.memory_space<vmem>>) offsets(%arg8 : memref<200xi32, #tpu.memory_space<vmem>>) semaphore(%arg23 : memref<!tpu.dma_semaphore, #tpu.memory_space<semaphore_mem>>)
    } else {
    }
    %eq3A_39 = arith.constant 1 : i32
    %eq3A_40 = arith.cmpi eq, %arg0, %eq3A_39 : i32
    %convert_element_type3A_41 = arith.extui %eq3A_40 : i1 to i32
    %cond3A_42 = arith.constant 0 : i32
    %cond3A_43 = arith.cmpi ne, %convert_element_type3A_41, %cond3A_42 : i32
    scf.if %cond3A_43 {
      %dma_start3A_217 = arith.constant 0 : i32
      %dma_start3A_218 = arith.constant 0 : i32
      %dma_start3A_219 = tpu.memref_slice %arg6[%dma_start3A_217, %dma_start3A_218] : memref<10000x80xf32, #tpu.memory_space<hbm>> -> memref<10000x80xf32, #tpu.memory_space<hbm>>
      tpu.enqueue_indirect_dma source(%dma_start3A_219 : memref<10000x80xf32, #tpu.memory_space<hbm>>) target(%arg11 : memref<200x80xf32, #tpu.memory_space<vmem>>) offsets(%arg8 : memref<200xi32, #tpu.memory_space<vmem>>) semaphore(%arg23 : memref<!tpu.dma_semaphore, #tpu.memory_space<semaphore_mem>>)
    } else {
    }
    %add3A_44 = arith.constant 200 : i32
    %add3A_45 = arith.addi %mul3A_3, %add3A_44 : i32
    %dma_wait3A_46 = tpu.memref_slice %arg2[%add3A_45] : memref<320000xi32, #tpu.memory_space<hbm>> -> memref<200xi32, #tpu.memory_space<hbm>>
    %dma_wait3A_47 = tpu.memref_slice %arg2[%add3A_45] : memref<320000xi32, #tpu.memory_space<hbm>> -> memref<200xi32, #tpu.memory_space<hbm>>
    tpu.wait_dma2 semaphore(%arg21 : memref<!tpu.dma_semaphore, #tpu.memory_space<semaphore_mem>>) src(%dma_wait3A_47 : memref<200xi32, #tpu.memory_space<hbm>>) dst(%arg12 : memref<200xi32, #tpu.memory_space<vmem>>)
    %dma_wait3A_48 = tpu.memref_slice %arg3[%add3A_45] : memref<320000xi32, #tpu.memory_space<hbm>> -> memref<200xi32, #tpu.memory_space<hbm>>
    %dma_wait3A_49 = tpu.memref_slice %arg3[%add3A_45] : memref<320000xi32, #tpu.memory_space<hbm>> -> memref<200xi32, #tpu.memory_space<hbm>>
    tpu.wait_dma2 semaphore(%arg21 : memref<!tpu.dma_semaphore, #tpu.memory_space<semaphore_mem>>) src(%dma_wait3A_49 : memref<200xi32, #tpu.memory_space<hbm>>) dst(%arg13 : memref<200xi32, #tpu.memory_space<vmem>>)
    %dma_start3A_50 = arith.constant 0 : i32
    %dma_start3A_51 = arith.constant 0 : i32
    %dma_start3A_52 = tpu.memref_slice %arg4[%dma_start3A_50, %dma_start3A_51] : memref<10000x16xf32, #tpu.memory_space<hbm>> -> memref<10000x16xf32, #tpu.memory_space<hbm>>
    tpu.enqueue_indirect_dma source(%dma_start3A_52 : memref<10000x16xf32, #tpu.memory_space<hbm>>) target(%arg14 : memref<200x16xf32, #tpu.memory_space<vmem>>) offsets(%arg13 : memref<200xi32, #tpu.memory_space<vmem>>) semaphore(%arg24 : memref<!tpu.dma_semaphore, #tpu.memory_space<semaphore_mem>>)
    %eq3A_53 = arith.constant 0 : i32
    %eq3A_54 = arith.cmpi eq, %arg0, %eq3A_53 : i32
    %convert_element_type3A_55 = arith.extui %eq3A_54 : i1 to i32
    %cond3A_56 = arith.constant 0 : i32
    %cond3A_57 = arith.cmpi ne, %convert_element_type3A_55, %cond3A_56 : i32
    scf.if %cond3A_57 {
      %dma_start3A_217 = arith.constant 0 : i32
      %dma_start3A_218 = arith.constant 0 : i32
      %dma_start3A_219 = tpu.memref_slice %arg5[%dma_start3A_217, %dma_start3A_218] : memref<10000x80xf32, #tpu.memory_space<hbm>> -> memref<10000x80xf32, #tpu.memory_space<hbm>>
      tpu.enqueue_indirect_dma source(%dma_start3A_219 : memref<10000x80xf32, #tpu.memory_space<hbm>>) target(%arg15 : memref<200x80xf32, #tpu.memory_space<vmem>>) offsets(%arg12 : memref<200xi32, #tpu.memory_space<vmem>>) semaphore(%arg24 : memref<!tpu.dma_semaphore, #tpu.memory_space<semaphore_mem>>)
    } else {
    }
    %eq3A_58 = arith.constant 1 : i32
    %eq3A_59 = arith.cmpi eq, %arg0, %eq3A_58 : i32
    %convert_element_type3A_60 = arith.extui %eq3A_59 : i1 to i32
    %cond3A_61 = arith.constant 0 : i32
    %cond3A_62 = arith.cmpi ne, %convert_element_type3A_60, %cond3A_61 : i32
    scf.if %cond3A_62 {
      %dma_start3A_217 = arith.constant 0 : i32
      %dma_start3A_218 = arith.constant 0 : i32
      %dma_start3A_219 = tpu.memref_slice %arg6[%dma_start3A_217, %dma_start3A_218] : memref<10000x80xf32, #tpu.memory_space<hbm>> -> memref<10000x80xf32, #tpu.memory_space<hbm>>
      tpu.enqueue_indirect_dma source(%dma_start3A_219 : memref<10000x80xf32, #tpu.memory_space<hbm>>) target(%arg15 : memref<200x80xf32, #tpu.memory_space<vmem>>) offsets(%arg12 : memref<200xi32, #tpu.memory_space<vmem>>) semaphore(%arg24 : memref<!tpu.dma_semaphore, #tpu.memory_space<semaphore_mem>>)
    } else {
    }
    %dma_wait3A_63 = arith.constant 0 : i32
    %dma_wait3A_64 = arith.constant 0 : i32
    %dma_wait3A_65 = tpu.memref_slice %arg4[%dma_wait3A_63, %dma_wait3A_64] : memref<10000x16xf32, #tpu.memory_space<hbm>> -> memref<10000x16xf32, #tpu.memory_space<hbm>>
    tpu.wait_indirect_dma semaphore(%arg23 : memref<!tpu.dma_semaphore, #tpu.memory_space<semaphore_mem>>) src(%dma_wait3A_65 : memref<10000x16xf32, #tpu.memory_space<hbm>>) dst(%arg10 : memref<200x16xf32, #tpu.memory_space<vmem>>)
    %eq3A_66 = arith.constant 0 : i32
    %eq3A_67 = arith.cmpi eq, %arg0, %eq3A_66 : i32
    %convert_element_type3A_68 = arith.extui %eq3A_67 : i1 to i32
    %cond3A_69 = arith.constant 0 : i32
    %cond3A_70 = arith.cmpi ne, %convert_element_type3A_68, %cond3A_69 : i32
    scf.if %cond3A_70 {
      %dma_wait3A_217 = arith.constant 0 : i32
      %dma_wait3A_218 = arith.constant 0 : i32
      %dma_wait3A_219 = tpu.memref_slice %arg5[%dma_wait3A_217, %dma_wait3A_218] : memref<10000x80xf32, #tpu.memory_space<hbm>> -> memref<10000x80xf32, #tpu.memory_space<hbm>>
      tpu.wait_indirect_dma semaphore(%arg23 : memref<!tpu.dma_semaphore, #tpu.memory_space<semaphore_mem>>) src(%dma_wait3A_219 : memref<10000x80xf32, #tpu.memory_space<hbm>>) dst(%arg11 : memref<200x80xf32, #tpu.memory_space<vmem>>)
    } else {
    }
    %eq3A_71 = arith.constant 1 : i32
    %eq3A_72 = arith.cmpi eq, %arg0, %eq3A_71 : i32
    %convert_element_type3A_73 = arith.extui %eq3A_72 : i1 to i32
    %cond3A_74 = arith.constant 0 : i32
    %cond3A_75 = arith.cmpi ne, %convert_element_type3A_73, %cond3A_74 : i32
    scf.if %cond3A_75 {
      %dma_wait3A_217 = arith.constant 0 : i32
      %dma_wait3A_218 = arith.constant 0 : i32
      %dma_wait3A_219 = tpu.memref_slice %arg6[%dma_wait3A_217, %dma_wait3A_218] : memref<10000x80xf32, #tpu.memory_space<hbm>> -> memref<10000x80xf32, #tpu.memory_space<hbm>>
      tpu.wait_indirect_dma semaphore(%arg23 : memref<!tpu.dma_semaphore, #tpu.memory_space<semaphore_mem>>) src(%dma_wait3A_219 : memref<10000x80xf32, #tpu.memory_space<hbm>>) dst(%arg11 : memref<200x80xf32, #tpu.memory_space<vmem>>)
    } else {
    }
    %parallel_loop3A = arith.constant 0 : i32
    %parallel_loop3A_76 = arith.constant 200 : i32
    %parallel_loop3A_77 = arith.constant 1 : i32
    scf.for %parallel_loop3A_217 = %parallel_loop3A to %parallel_loop3A_76 step %parallel_loop3A_77  : i32 {
      %parallel_loop3A_218 = arith.index_cast %parallel_loop3A_217 : i32 to index
      %parallel_loop3A_219 = arith.constant 64 : index
      %parallel_loop3A_220 = tpu.vector_load %arg11[%parallel_loop3A_218, %parallel_loop3A_219] {strides = array<i32>} : memref<200x80xf32, #tpu.memory_space<vmem>>, vector<1x16xf32>,
      %parallel_loop3A_221 = vector.shape_cast %parallel_loop3A_220 : vector<1x16xf32> to vector<16xf32>
      %parallel_loop3A_222 = arith.index_cast %parallel_loop3A_217 : i32 to index
      %parallel_loop3A_223 = arith.constant 0 : index
      %parallel_loop3A_224 = tpu.vector_load %arg10[%parallel_loop3A_222, %parallel_loop3A_223] {strides = array<i32>} : memref<200x16xf32, #tpu.memory_space<vmem>>, vector<1x16xf32>,
      %parallel_loop3A_225 = vector.shape_cast %parallel_loop3A_224 : vector<1x16xf32> to vector<16xf32>
      %parallel_loop3A_226 = arith.addf %parallel_loop3A_221, %parallel_loop3A_225 : vector<16xf32>
      %parallel_loop3A_227 = arith.constant 0.000000e+00 : f32
      %parallel_loop3A_228 = vector.broadcast %parallel_loop3A_227 : f32 to vector<16xf32>
      %parallel_loop3A_229 = arith.cmpf oge, %parallel_loop3A_226, %parallel_loop3A_228 : vector<16xf32>
      %parallel_loop3A_230 = arith.constant 2.000000e-01 : f32
      %parallel_loop3A_231 = vector.broadcast %parallel_loop3A_230 : f32 to vector<16xf32>
      %parallel_loop3A_232 = arith.mulf %parallel_loop3A_226, %parallel_loop3A_231 : vector<16xf32>
      %parallel_loop3A_233 = arith.select %parallel_loop3A_229, %parallel_loop3A_226, %parallel_loop3A_232 : vector<16xi1>, vector<16xf32>
      %parallel_loop3A_234 = math.exp %parallel_loop3A_233 : vector<16xf32>
      %parallel_loop3A_235 = arith.index_cast %parallel_loop3A_217 : i32 to index
      %parallel_loop3A_236 = arith.constant 64 : index
      %parallel_loop3A_237 = tpu.vector_load %arg11[%parallel_loop3A_235, %parallel_loop3A_236] {strides = array<i32>} : memref<200x80xf32, #tpu.memory_space<vmem>>, vector<1x16xf32>,
      %parallel_loop3A_238 = vector.shape_cast %parallel_loop3A_237 : vector<1x16xf32> to vector<16xf32>
      %parallel_loop3A_239 = vector.shape_cast %parallel_loop3A_234 : vector<16xf32> to vector<1x16xf32>
      tpu.vector_store %arg11[%parallel_loop3A_235, %parallel_loop3A_236], %parallel_loop3A_239 {strides = array<i32>} : memref<200x80xf32, #tpu.memory_space<vmem>>, vector<1x16xf32>,
      %parallel_loop3A_240 = arith.constant 0 : i32
      %parallel_loop3A_241 = arith.addi %mul3A_1, %parallel_loop3A_240 : i32
      %parallel_loop3A_242 = vector.broadcast %parallel_loop3A_241 : i32 to vector<16x1xi32>
      %parallel_loop3A_243 = vector.shape_cast %parallel_loop3A_242 : vector<16x1xi32> to vector<16xi32>
      %parallel_loop3A_244 = tpu.dynamic_gather %parallel_loop3A_234[%parallel_loop3A_243] in [0] : vector<16xf32>, vector<16xi32> -> vector<16xf32>
      %parallel_loop3A_245 = arith.index_cast %parallel_loop3A_217 : i32 to index
      %parallel_loop3A_246 = arith.constant 0 : index
      %parallel_loop3A_247 = tpu.vector_load %arg11[%parallel_loop3A_245, %parallel_loop3A_246] {strides = array<i32>} : memref<200x80xf32, #tpu.memory_space<vmem>>, vector<1x16xf32>,
      %parallel_loop3A_248 = vector.shape_cast %parallel_loop3A_247 : vector<1x16xf32> to vector<16xf32>
      %parallel_loop3A_249 = arith.mulf %parallel_loop3A_248, %parallel_loop3A_244 : vector<16xf32>
      %parallel_loop3A_250 = arith.index_cast %parallel_loop3A_217 : i32 to index
      %parallel_loop3A_251 = arith.constant 0 : index
      %parallel_loop3A_252 = tpu.vector_load %arg11[%parallel_loop3A_250, %parallel_loop3A_251] {strides = array<i32>} : memref<200x80xf32, #tpu.memory_space<vmem>>, vector<1x16xf32>,
      %parallel_loop3A_253 = vector.shape_cast %parallel_loop3A_252 : vector<1x16xf32> to vector<16xf32>
      %parallel_loop3A_254 = vector.shape_cast %parallel_loop3A_249 : vector<16xf32> to vector<1x16xf32>
      tpu.vector_store %arg11[%parallel_loop3A_250, %parallel_loop3A_251], %parallel_loop3A_254 {strides = array<i32>} : memref<200x80xf32, #tpu.memory_space<vmem>>, vector<1x16xf32>,
      %parallel_loop3A_255 = arith.constant 1 : i32
      %parallel_loop3A_256 = arith.addi %mul3A_1, %parallel_loop3A_255 : i32
      %parallel_loop3A_257 = vector.broadcast %parallel_loop3A_256 : i32 to vector<16x1xi32>
      %parallel_loop3A_258 = vector.shape_cast %parallel_loop3A_257 : vector<16x1xi32> to vector<16xi32>
      %parallel_loop3A_259 = tpu.dynamic_gather %parallel_loop3A_234[%parallel_loop3A_258] in [0] : vector<16xf32>, vector<16xi32> -> vector<16xf32>
      %parallel_loop3A_260 = arith.index_cast %parallel_loop3A_217 : i32 to index
      %parallel_loop3A_261 = arith.constant 16 : index
      %parallel_loop3A_262 = tpu.vector_load %arg11[%parallel_loop3A_260, %parallel_loop3A_261] {strides = array<i32>} : memref<200x80xf32, #tpu.memory_space<vmem>>, vector<1x16xf32>,
      %parallel_loop3A_263 = vector.shape_cast %parallel_loop3A_262 : vector<1x16xf32> to vector<16xf32>
      %parallel_loop3A_264 = arith.mulf %parallel_loop3A_263, %parallel_loop3A_259 : vector<16xf32>
      %parallel_loop3A_265 = arith.index_cast %parallel_loop3A_217 : i32 to index
      %parallel_loop3A_266 = arith.constant 16 : index
      %parallel_loop3A_267 = tpu.vector_load %arg11[%parallel_loop3A_265, %parallel_loop3A_266] {strides = array<i32>} : memref<200x80xf32, #tpu.memory_space<vmem>>, vector<1x16xf32>,
      %parallel_loop3A_268 = vector.shape_cast %parallel_loop3A_267 : vector<1x16xf32> to vector<16xf32>
      %parallel_loop3A_269 = vector.shape_cast %parallel_loop3A_264 : vector<16xf32> to vector<1x16xf32>
      tpu.vector_store %arg11[%parallel_loop3A_265, %parallel_loop3A_266], %parallel_loop3A_269 {strides = array<i32>} : memref<200x80xf32, #tpu.memory_space<vmem>>, vector<1x16xf32>,
      %parallel_loop3A_270 = arith.constant 2 : i32
      %parallel_loop3A_271 = arith.addi %mul3A_1, %parallel_loop3A_270 : i32
      %parallel_loop3A_272 = vector.broadcast %parallel_loop3A_271 : i32 to vector<16x1xi32>
      %parallel_loop3A_273 = vector.shape_cast %parallel_loop3A_272 : vector<16x1xi32> to vector<16xi32>
      %parallel_loop3A_274 = tpu.dynamic_gather %parallel_loop3A_234[%parallel_loop3A_273] in [0] : vector<16xf32>, vector<16xi32> -> vector<16xf32>
      %parallel_loop3A_275 = arith.index_cast %parallel_loop3A_217 : i32 to index
      %parallel_loop3A_276 = arith.constant 32 : index
      %parallel_loop3A_277 = tpu.vector_load %arg11[%parallel_loop3A_275, %parallel_loop3A_276] {strides = array<i32>} : memref<200x80xf32, #tpu.memory_space<vmem>>, vector<1x16xf32>,
      %parallel_loop3A_278 = vector.shape_cast %parallel_loop3A_277 : vector<1x16xf32> to vector<16xf32>
      %parallel_loop3A_279 = arith.mulf %parallel_loop3A_278, %parallel_loop3A_274 : vector<16xf32>
      %parallel_loop3A_280 = arith.index_cast %parallel_loop3A_217 : i32 to index
      %parallel_loop3A_281 = arith.constant 32 : index
      %parallel_loop3A_282 = tpu.vector_load %arg11[%parallel_loop3A_280, %parallel_loop3A_281] {strides = array<i32>} : memref<200x80xf32, #tpu.memory_space<vmem>>, vector<1x16xf32>,
      %parallel_loop3A_283 = vector.shape_cast %parallel_loop3A_282 : vector<1x16xf32> to vector<16xf32>
      %parallel_loop3A_284 = vector.shape_cast %parallel_loop3A_279 : vector<16xf32> to vector<1x16xf32>
      tpu.vector_store %arg11[%parallel_loop3A_280, %parallel_loop3A_281], %parallel_loop3A_284 {strides = array<i32>} : memref<200x80xf32, #tpu.memory_space<vmem>>, vector<1x16xf32>,
      %parallel_loop3A_285 = arith.constant 3 : i32
      %parallel_loop3A_286 = arith.addi %mul3A_1, %parallel_loop3A_285 : i32
      %parallel_loop3A_287 = vector.broadcast %parallel_loop3A_286 : i32 to vector<16x1xi32>
      %parallel_loop3A_288 = vector.shape_cast %parallel_loop3A_287 : vector<16x1xi32> to vector<16xi32>
      %parallel_loop3A_289 = tpu.dynamic_gather %parallel_loop3A_234[%parallel_loop3A_288] in [0] : vector<16xf32>, vector<16xi32> -> vector<16xf32>
      %parallel_loop3A_290 = arith.index_cast %parallel_loop3A_217 : i32 to index
      %parallel_loop3A_291 = arith.constant 48 : index
      %parallel_loop3A_292 = tpu.vector_load %arg11[%parallel_loop3A_290, %parallel_loop3A_291] {strides = array<i32>} : memref<200x80xf32, #tpu.memory_space<vmem>>, vector<1x16xf32>,
      %parallel_loop3A_293 = vector.shape_cast %parallel_loop3A_292 : vector<1x16xf32> to vector<16xf32>
      %parallel_loop3A_294 = arith.mulf %parallel_loop3A_293, %parallel_loop3A_289 : vector<16xf32>
      %parallel_loop3A_295 = arith.index_cast %parallel_loop3A_217 : i32 to index
      %parallel_loop3A_296 = arith.constant 48 : index
      %parallel_loop3A_297 = tpu.vector_load %arg11[%parallel_loop3A_295, %parallel_loop3A_296] {strides = array<i32>} : memref<200x80xf32, #tpu.memory_space<vmem>>, vector<1x16xf32>,
      %parallel_loop3A_298 = vector.shape_cast %parallel_loop3A_297 : vector<1x16xf32> to vector<16xf32>
      %parallel_loop3A_299 = vector.shape_cast %parallel_loop3A_294 : vector<16xf32> to vector<1x16xf32>
      tpu.vector_store %arg11[%parallel_loop3A_295, %parallel_loop3A_296], %parallel_loop3A_299 {strides = array<i32>} : memref<200x80xf32, #tpu.memory_space<vmem>>, vector<1x16xf32>,
    } {sc.loop_unroll_factor = 2 : i64, sc.parallel_access}
    %dma_start3A_78 = arith.constant 0 : i32
    %dma_start3A_79 = arith.constant 0 : i32
    %dma_start3A_80 = tpu.memref_slice %arg29[%dma_start3A_78, %dma_start3A_79] : memref<10000x80xf32, #tpu.memory_space<vmem_shared>> -> memref<10000x80xf32, #tpu.memory_space<vmem_shared>>
    tpu.enqueue_indirect_dma source(%arg11 : memref<200x80xf32, #tpu.memory_space<vmem>>) target(%dma_start3A_80 : memref<10000x80xf32, #tpu.memory_space<vmem_shared>>) offsets(%arg9 : memref<200xi32, #tpu.memory_space<vmem>>) semaphore(%arg26 : memref<!tpu.dma_semaphore, #tpu.memory_space<semaphore_mem>>) {add = true}
    %add3A_81 = arith.constant 400 : i32
    %add3A_82 = arith.addi %mul3A_3, %add3A_81 : i32
    %dma_start3A_83 = tpu.memref_slice %arg2[%add3A_82] : memref<320000xi32, #tpu.memory_space<hbm>> -> memref<200xi32, #tpu.memory_space<hbm>>
    %dma_start3A_84 = tpu.memref_slice %arg2[%add3A_82] : memref<320000xi32, #tpu.memory_space<hbm>> -> memref<200xi32, #tpu.memory_space<hbm>>
    tpu.enqueue_dma source(%dma_start3A_84 : memref<200xi32, #tpu.memory_space<hbm>>) target(%arg16 : memref<200xi32, #tpu.memory_space<vmem>>) target_semaphore(%arg22 : memref<!tpu.dma_semaphore, #tpu.memory_space<semaphore_mem>>)
    %dma_start3A_85 = tpu.memref_slice %arg3[%add3A_82] : memref<320000xi32, #tpu.memory_space<hbm>> -> memref<200xi32, #tpu.memory_space<hbm>>
    %dma_start3A_86 = tpu.memref_slice %arg3[%add3A_82] : memref<320000xi32, #tpu.memory_space<hbm>> -> memref<200xi32, #tpu.memory_space<hbm>>
    tpu.enqueue_dma source(%dma_start3A_86 : memref<200xi32, #tpu.memory_space<hbm>>) target(%arg17 : memref<200xi32, #tpu.memory_space<vmem>>) target_semaphore(%arg22 : memref<!tpu.dma_semaphore, #tpu.memory_space<semaphore_mem>>)
    %scan3A_87 = arith.constant 0 : i32
    %scan3A_88 = arith.constant 32 : i32
    %scan3A_89 = arith.addi %scan3A_87, %scan3A_88 : i32
    %scan3A_90 = arith.constant 1 : i32
    scf.for %scan3A_217 = %scan3A_87 to %scan3A_89 step %scan3A_90  : i32 {
      %mul3A_218 = arith.constant 3 : i32
      %mul3A_219 = arith.muli %scan3A_217, %mul3A_218 : i32
      %add3A_220 = arith.constant 1 : i32
      %add3A_221 = arith.addi %add3A_220, %mul3A_219 : i32
      %mul3A_222 = arith.constant 200 : i32
      %mul3A_223 = arith.muli %add3A_221, %mul3A_222 : i32
      %add3A_224 = arith.addi %mul3A_3, %mul3A_223 : i32
      %add3A_225 = arith.constant 200 : i32
      %add3A_226 = arith.addi %add3A_224, %add3A_225 : i32
      %dma_wait3A_227 = tpu.memref_slice %arg2[%add3A_226] : memref<320000xi32, #tpu.memory_space<hbm>> -> memref<200xi32, #tpu.memory_space<hbm>>
      %dma_wait3A_228 = tpu.memref_slice %arg2[%add3A_226] : memref<320000xi32, #tpu.memory_space<hbm>> -> memref<200xi32, #tpu.memory_space<hbm>>
      tpu.wait_dma2 semaphore(%arg22 : memref<!tpu.dma_semaphore, #tpu.memory_space<semaphore_mem>>) src(%dma_wait3A_228 : memref<200xi32, #tpu.memory_space<hbm>>) dst(%arg16 : memref<200xi32, #tpu.memory_space<vmem>>)
      %dma_wait3A_229 = tpu.memref_slice %arg3[%add3A_226] : memref<320000xi32, #tpu.memory_space<hbm>> -> memref<200xi32, #tpu.memory_space<hbm>>
      %dma_wait3A_230 = tpu.memref_slice %arg3[%add3A_226] : memref<320000xi32, #tpu.memory_space<hbm>> -> memref<200xi32, #tpu.memory_space<hbm>>
      tpu.wait_dma2 semaphore(%arg22 : memref<!tpu.dma_semaphore, #tpu.memory_space<semaphore_mem>>) src(%dma_wait3A_230 : memref<200xi32, #tpu.memory_space<hbm>>) dst(%arg17 : memref<200xi32, #tpu.memory_space<vmem>>)
      %dma_start3A_231 = arith.constant 0 : i32
      %dma_start3A_232 = arith.constant 0 : i32
      %dma_start3A_233 = tpu.memref_slice %arg4[%dma_start3A_231, %dma_start3A_232] : memref<10000x16xf32, #tpu.memory_space<hbm>> -> memref<10000x16xf32, #tpu.memory_space<hbm>>
      tpu.enqueue_indirect_dma source(%dma_start3A_233 : memref<10000x16xf32, #tpu.memory_space<hbm>>) target(%arg18 : memref<200x16xf32, #tpu.memory_space<vmem>>) offsets(%arg17 : memref<200xi32, #tpu.memory_space<vmem>>) semaphore(%arg25 : memref<!tpu.dma_semaphore, #tpu.memory_space<semaphore_mem>>)
      %eq3A_234 = arith.constant 0 : i32
      %eq3A_235 = arith.cmpi eq, %arg0, %eq3A_234 : i32
      %convert_element_type3A_236 = arith.extui %eq3A_235 : i1 to i32
      %cond3A_237 = arith.constant 0 : i32
      %cond3A_238 = arith.cmpi ne, %convert_element_type3A_236, %cond3A_237 : i32
      scf.if %cond3A_238 {
        %dma_start3A_370 = arith.constant 0 : i32
        %dma_start3A_371 = arith.constant 0 : i32
        %dma_start3A_372 = tpu.memref_slice %arg5[%dma_start3A_370, %dma_start3A_371] : memref<10000x80xf32, #tpu.memory_space<hbm>> -> memref<10000x80xf32, #tpu.memory_space<hbm>>
        tpu.enqueue_indirect_dma source(%dma_start3A_372 : memref<10000x80xf32, #tpu.memory_space<hbm>>) target(%arg19 : memref<200x80xf32, #tpu.memory_space<vmem>>) offsets(%arg16 : memref<200xi32, #tpu.memory_space<vmem>>) semaphore(%arg25 : memref<!tpu.dma_semaphore, #tpu.memory_space<semaphore_mem>>)
      } else {
      }
      %eq3A_239 = arith.constant 1 : i32
      %eq3A_240 = arith.cmpi eq, %arg0, %eq3A_239 : i32
      %convert_element_type3A_241 = arith.extui %eq3A_240 : i1 to i32
      %cond3A_242 = arith.constant 0 : i32
      %cond3A_243 = arith.cmpi ne, %convert_element_type3A_241, %cond3A_242 : i32
      scf.if %cond3A_243 {
        %dma_start3A_370 = arith.constant 0 : i32
        %dma_start3A_371 = arith.constant 0 : i32
        %dma_start3A_372 = tpu.memref_slice %arg6[%dma_start3A_370, %dma_start3A_371] : memref<10000x80xf32, #tpu.memory_space<hbm>> -> memref<10000x80xf32, #tpu.memory_space<hbm>>
        tpu.enqueue_indirect_dma source(%dma_start3A_372 : memref<10000x80xf32, #tpu.memory_space<hbm>>) target(%arg19 : memref<200x80xf32, #tpu.memory_space<vmem>>) offsets(%arg16 : memref<200xi32, #tpu.memory_space<vmem>>) semaphore(%arg25 : memref<!tpu.dma_semaphore, #tpu.memory_space<semaphore_mem>>)
      } else {
      }
      %dma_wait3A_244 = arith.constant 0 : i32
      %dma_wait3A_245 = arith.constant 0 : i32
      %dma_wait3A_246 = tpu.memref_slice %arg4[%dma_wait3A_244, %dma_wait3A_245] : memref<10000x16xf32, #tpu.memory_space<hbm>> -> memref<10000x16xf32, #tpu.memory_space<hbm>>
      tpu.wait_indirect_dma semaphore(%arg24 : memref<!tpu.dma_semaphore, #tpu.memory_space<semaphore_mem>>) src(%dma_wait3A_246 : memref<10000x16xf32, #tpu.memory_space<hbm>>) dst(%arg14 : memref<200x16xf32, #tpu.memory_space<vmem>>)
      %eq3A_247 = arith.constant 0 : i32
      %eq3A_248 = arith.cmpi eq, %arg0, %eq3A_247 : i32
      %convert_element_type3A_249 = arith.extui %eq3A_248 : i1 to i32
      %cond3A_250 = arith.constant 0 : i32
      %cond3A_251 = arith.cmpi ne, %convert_element_type3A_249, %cond3A_250 : i32
      scf.if %cond3A_251 {
        %dma_wait3A_370 = arith.constant 0 : i32
        %dma_wait3A_371 = arith.constant 0 : i32
        %dma_wait3A_372 = tpu.memref_slice %arg5[%dma_wait3A_370, %dma_wait3A_371] : memref<10000x80xf32, #tpu.memory_space<hbm>> -> memref<10000x80xf32, #tpu.memory_space<hbm>>
        tpu.wait_indirect_dma semaphore(%arg24 : memref<!tpu.dma_semaphore, #tpu.memory_space<semaphore_mem>>) src(%dma_wait3A_372 : memref<10000x80xf32, #tpu.memory_space<hbm>>) dst(%arg15 : memref<200x80xf32, #tpu.memory_space<vmem>>)
      } else {
      }
      %eq3A_252 = arith.constant 1 : i32
      %eq3A_253 = arith.cmpi eq, %arg0, %eq3A_252 : i32
      %convert_element_type3A_254 = arith.extui %eq3A_253 : i1 to i32
      %cond3A_255 = arith.constant 0 : i32
      %cond3A_256 = arith.cmpi ne, %convert_element_type3A_254, %cond3A_255 : i32
      scf.if %cond3A_256 {
        %dma_wait3A_370 = arith.constant 0 : i32
        %dma_wait3A_371 = arith.constant 0 : i32
        %dma_wait3A_372 = tpu.memref_slice %arg6[%dma_wait3A_370, %dma_wait3A_371] : memref<10000x80xf32, #tpu.memory_space<hbm>> -> memref<10000x80xf32, #tpu.memory_space<hbm>>
        tpu.wait_indirect_dma semaphore(%arg24 : memref<!tpu.dma_semaphore, #tpu.memory_space<semaphore_mem>>) src(%dma_wait3A_372 : memref<10000x80xf32, #tpu.memory_space<hbm>>) dst(%arg15 : memref<200x80xf32, #tpu.memory_space<vmem>>)
      } else {
      }
      %parallel_loop3A_257 = arith.constant 0 : i32
      %parallel_loop3A_258 = arith.constant 200 : i32
      %parallel_loop3A_259 = arith.constant 1 : i32
      scf.for %parallel_loop3A_370 = %parallel_loop3A_257 to %parallel_loop3A_258 step %parallel_loop3A_259  : i32 {
        %parallel_loop3A_371 = arith.index_cast %parallel_loop3A_370 : i32 to index
        %parallel_loop3A_372 = arith.constant 64 : index
        %parallel_loop3A_373 = tpu.vector_load %arg15[%parallel_loop3A_371, %parallel_loop3A_372] {strides = array<i32>} : memref<200x80xf32, #tpu.memory_space<vmem>>, vector<1x16xf32>,
        %parallel_loop3A_374 = vector.shape_cast %parallel_loop3A_373 : vector<1x16xf32> to vector<16xf32>
        %parallel_loop3A_375 = arith.index_cast %parallel_loop3A_370 : i32 to index
        %parallel_loop3A_376 = arith.constant 0 : index
        %parallel_loop3A_377 = tpu.vector_load %arg14[%parallel_loop3A_375, %parallel_loop3A_376] {strides = array<i32>} : memref<200x16xf32, #tpu.memory_space<vmem>>, vector<1x16xf32>,
        %parallel_loop3A_378 = vector.shape_cast %parallel_loop3A_377 : vector<1x16xf32> to vector<16xf32>
        %parallel_loop3A_379 = arith.addf %parallel_loop3A_374, %parallel_loop3A_378 : vector<16xf32>
        %parallel_loop3A_380 = arith.constant 0.000000e+00 : f32
        %parallel_loop3A_381 = vector.broadcast %parallel_loop3A_380 : f32 to vector<16xf32>
        %parallel_loop3A_382 = arith.cmpf oge, %parallel_loop3A_379, %parallel_loop3A_381 : vector<16xf32>
        %parallel_loop3A_383 = arith.constant 2.000000e-01 : f32
        %parallel_loop3A_384 = vector.broadcast %parallel_loop3A_383 : f32 to vector<16xf32>
        %parallel_loop3A_385 = arith.mulf %parallel_loop3A_379, %parallel_loop3A_384 : vector<16xf32>
        %parallel_loop3A_386 = arith.select %parallel_loop3A_382, %parallel_loop3A_379, %parallel_loop3A_385 : vector<16xi1>, vector<16xf32>
        %parallel_loop3A_387 = math.exp %parallel_loop3A_386 : vector<16xf32>
        %parallel_loop3A_388 = arith.index_cast %parallel_loop3A_370 : i32 to index
        %parallel_loop3A_389 = arith.constant 64 : index
        %parallel_loop3A_390 = tpu.vector_load %arg15[%parallel_loop3A_388, %parallel_loop3A_389] {strides = array<i32>} : memref<200x80xf32, #tpu.memory_space<vmem>>, vector<1x16xf32>,
        %parallel_loop3A_391 = vector.shape_cast %parallel_loop3A_390 : vector<1x16xf32> to vector<16xf32>
        %parallel_loop3A_392 = vector.shape_cast %parallel_loop3A_387 : vector<16xf32> to vector<1x16xf32>
        tpu.vector_store %arg15[%parallel_loop3A_388, %parallel_loop3A_389], %parallel_loop3A_392 {strides = array<i32>} : memref<200x80xf32, #tpu.memory_space<vmem>>, vector<1x16xf32>,
        %parallel_loop3A_393 = arith.constant 0 : i32
        %parallel_loop3A_394 = arith.addi %mul3A_1, %parallel_loop3A_393 : i32
        %parallel_loop3A_395 = vector.broadcast %parallel_loop3A_394 : i32 to vector<16x1xi32>
        %parallel_loop3A_396 = vector.shape_cast %parallel_loop3A_395 : vector<16x1xi32> to vector<16xi32>
        %parallel_loop3A_397 = tpu.dynamic_gather %parallel_loop3A_387[%parallel_loop3A_396] in [0] : vector<16xf32>, vector<16xi32> -> vector<16xf32>
        %parallel_loop3A_398 = arith.index_cast %parallel_loop3A_370 : i32 to index
        %parallel_loop3A_399 = arith.constant 0 : index
        %parallel_loop3A_400 = tpu.vector_load %arg15[%parallel_loop3A_398, %parallel_loop3A_399] {strides = array<i32>} : memref<200x80xf32, #tpu.memory_space<vmem>>, vector<1x16xf32>,
        %parallel_loop3A_401 = vector.shape_cast %parallel_loop3A_400 : vector<1x16xf32> to vector<16xf32>
        %parallel_loop3A_402 = arith.mulf %parallel_loop3A_401, %parallel_loop3A_397 : vector<16xf32>
        %parallel_loop3A_403 = arith.index_cast %parallel_loop3A_370 : i32 to index
        %parallel_loop3A_404 = arith.constant 0 : index
        %parallel_loop3A_405 = tpu.vector_load %arg15[%parallel_loop3A_403, %parallel_loop3A_404] {strides = array<i32>} : memref<200x80xf32, #tpu.memory_space<vmem>>, vector<1x16xf32>,
        %parallel_loop3A_406 = vector.shape_cast %parallel_loop3A_405 : vector<1x16xf32> to vector<16xf32>
        %parallel_loop3A_407 = vector.shape_cast %parallel_loop3A_402 : vector<16xf32> to vector<1x16xf32>
        tpu.vector_store %arg15[%parallel_loop3A_403, %parallel_loop3A_404], %parallel_loop3A_407 {strides = array<i32>} : memref<200x80xf32, #tpu.memory_space<vmem>>, vector<1x16xf32>,
        %parallel_loop3A_408 = arith.constant 1 : i32
        %parallel_loop3A_409 = arith.addi %mul3A_1, %parallel_loop3A_408 : i32
        %parallel_loop3A_410 = vector.broadcast %parallel_loop3A_409 : i32 to vector<16x1xi32>
        %parallel_loop3A_411 = vector.shape_cast %parallel_loop3A_410 : vector<16x1xi32> to vector<16xi32>
        %parallel_loop3A_412 = tpu.dynamic_gather %parallel_loop3A_387[%parallel_loop3A_411] in [0] : vector<16xf32>, vector<16xi32> -> vector<16xf32>
        %parallel_loop3A_413 = arith.index_cast %parallel_loop3A_370 : i32 to index
        %parallel_loop3A_414 = arith.constant 16 : index
        %parallel_loop3A_415 = tpu.vector_load %arg15[%parallel_loop3A_413, %parallel_loop3A_414] {strides = array<i32>} : memref<200x80xf32, #tpu.memory_space<vmem>>, vector<1x16xf32>,
        %parallel_loop3A_416 = vector.shape_cast %parallel_loop3A_415 : vector<1x16xf32> to vector<16xf32>
        %parallel_loop3A_417 = arith.mulf %parallel_loop3A_416, %parallel_loop3A_412 : vector<16xf32>
        %parallel_loop3A_418 = arith.index_cast %parallel_loop3A_370 : i32 to index
        %parallel_loop3A_419 = arith.constant 16 : index
        %parallel_loop3A_420 = tpu.vector_load %arg15[%parallel_loop3A_418, %parallel_loop3A_419] {strides = array<i32>} : memref<200x80xf32, #tpu.memory_space<vmem>>, vector<1x16xf32>,
        %parallel_loop3A_421 = vector.shape_cast %parallel_loop3A_420 : vector<1x16xf32> to vector<16xf32>
        %parallel_loop3A_422 = vector.shape_cast %parallel_loop3A_417 : vector<16xf32> to vector<1x16xf32>
        tpu.vector_store %arg15[%parallel_loop3A_418, %parallel_loop3A_419], %parallel_loop3A_422 {strides = array<i32>} : memref<200x80xf32, #tpu.memory_space<vmem>>, vector<1x16xf32>,
        %parallel_loop3A_423 = arith.constant 2 : i32
        %parallel_loop3A_424 = arith.addi %mul3A_1, %parallel_loop3A_423 : i32
        %parallel_loop3A_425 = vector.broadcast %parallel_loop3A_424 : i32 to vector<16x1xi32>
        %parallel_loop3A_426 = vector.shape_cast %parallel_loop3A_425 : vector<16x1xi32> to vector<16xi32>
        %parallel_loop3A_427 = tpu.dynamic_gather %parallel_loop3A_387[%parallel_loop3A_426] in [0] : vector<16xf32>, vector<16xi32> -> vector<16xf32>
        %parallel_loop3A_428 = arith.index_cast %parallel_loop3A_370 : i32 to index
        %parallel_loop3A_429 = arith.constant 32 : index
        %parallel_loop3A_430 = tpu.vector_load %arg15[%parallel_loop3A_428, %parallel_loop3A_429] {strides = array<i32>} : memref<200x80xf32, #tpu.memory_space<vmem>>, vector<1x16xf32>,
        %parallel_loop3A_431 = vector.shape_cast %parallel_loop3A_430 : vector<1x16xf32> to vector<16xf32>
        %parallel_loop3A_432 = arith.mulf %parallel_loop3A_431, %parallel_loop3A_427 : vector<16xf32>
        %parallel_loop3A_433 = arith.index_cast %parallel_loop3A_370 : i32 to index
        %parallel_loop3A_434 = arith.constant 32 : index
        %parallel_loop3A_435 = tpu.vector_load %arg15[%parallel_loop3A_433, %parallel_loop3A_434] {strides = array<i32>} : memref<200x80xf32, #tpu.memory_space<vmem>>, vector<1x16xf32>,
        %parallel_loop3A_436 = vector.shape_cast %parallel_loop3A_435 : vector<1x16xf32> to vector<16xf32>
        %parallel_loop3A_437 = vector.shape_cast %parallel_loop3A_432 : vector<16xf32> to vector<1x16xf32>
        tpu.vector_store %arg15[%parallel_loop3A_433, %parallel_loop3A_434], %parallel_loop3A_437 {strides = array<i32>} : memref<200x80xf32, #tpu.memory_space<vmem>>, vector<1x16xf32>,
        %parallel_loop3A_438 = arith.constant 3 : i32
        %parallel_loop3A_439 = arith.addi %mul3A_1, %parallel_loop3A_438 : i32
        %parallel_loop3A_440 = vector.broadcast %parallel_loop3A_439 : i32 to vector<16x1xi32>
        %parallel_loop3A_441 = vector.shape_cast %parallel_loop3A_440 : vector<16x1xi32> to vector<16xi32>
        %parallel_loop3A_442 = tpu.dynamic_gather %parallel_loop3A_387[%parallel_loop3A_441] in [0] : vector<16xf32>, vector<16xi32> -> vector<16xf32>
        %parallel_loop3A_443 = arith.index_cast %parallel_loop3A_370 : i32 to index
        %parallel_loop3A_444 = arith.constant 48 : index
        %parallel_loop3A_445 = tpu.vector_load %arg15[%parallel_loop3A_443, %parallel_loop3A_444] {strides = array<i32>} : memref<200x80xf32, #tpu.memory_space<vmem>>, vector<1x16xf32>,
        %parallel_loop3A_446 = vector.shape_cast %parallel_loop3A_445 : vector<1x16xf32> to vector<16xf32>
        %parallel_loop3A_447 = arith.mulf %parallel_loop3A_446, %parallel_loop3A_442 : vector<16xf32>
        %parallel_loop3A_448 = arith.index_cast %parallel_loop3A_370 : i32 to index
        %parallel_loop3A_449 = arith.constant 48 : index
        %parallel_loop3A_450 = tpu.vector_load %arg15[%parallel_loop3A_448, %parallel_loop3A_449] {strides = array<i32>} : memref<200x80xf32, #tpu.memory_space<vmem>>, vector<1x16xf32>,
        %parallel_loop3A_451 = vector.shape_cast %parallel_loop3A_450 : vector<1x16xf32> to vector<16xf32>
        %parallel_loop3A_452 = vector.shape_cast %parallel_loop3A_447 : vector<16xf32> to vector<1x16xf32>
        tpu.vector_store %arg15[%parallel_loop3A_448, %parallel_loop3A_449], %parallel_loop3A_452 {strides = array<i32>} : memref<200x80xf32, #tpu.memory_space<vmem>>, vector<1x16xf32>,
      } {sc.loop_unroll_factor = 2 : i64, sc.parallel_access}
      %dma_wait3A_260 = arith.constant 0 : i32
      %dma_wait3A_261 = arith.constant 0 : i32
      %dma_wait3A_262 = tpu.memref_slice %arg29[%dma_wait3A_260, %dma_wait3A_261] : memref<10000x80xf32, #tpu.memory_space<vmem_shared>> -> memref<10000x80xf32, #tpu.memory_space<vmem_shared>>
      tpu.wait_indirect_dma semaphore(%arg26 : memref<!tpu.dma_semaphore, #tpu.memory_space<semaphore_mem>>) src(%arg11 : memref<200x80xf32, #tpu.memory_space<vmem>>) dst(%dma_wait3A_262 : memref<10000x80xf32, #tpu.memory_space<vmem_shared>>)
      %dma_start3A_263 = arith.constant 0 : i32
      %dma_start3A_264 = arith.constant 0 : i32
      %dma_start3A_265 = tpu.memref_slice %arg29[%dma_start3A_263, %dma_start3A_264] : memref<10000x80xf32, #tpu.memory_space<vmem_shared>> -> memref<10000x80xf32, #tpu.memory_space<vmem_shared>>
      tpu.enqueue_indirect_dma source(%arg15 : memref<200x80xf32, #tpu.memory_space<vmem>>) target(%dma_start3A_265 : memref<10000x80xf32, #tpu.memory_space<vmem_shared>>) offsets(%arg13 : memref<200xi32, #tpu.memory_space<vmem>>) semaphore(%arg27 : memref<!tpu.dma_semaphore, #tpu.memory_space<semaphore_mem>>) {add = true}
      %add3A_266 = arith.constant 400 : i32
      %add3A_267 = arith.addi %add3A_224, %add3A_266 : i32
      %dma_start3A_268 = tpu.memref_slice %arg2[%add3A_267] : memref<320000xi32, #tpu.memory_space<hbm>> -> memref<200xi32, #tpu.memory_space<hbm>>
      %dma_start3A_269 = tpu.memref_slice %arg2[%add3A_267] : memref<320000xi32, #tpu.memory_space<hbm>> -> memref<200xi32, #tpu.memory_space<hbm>>
      tpu.enqueue_dma source(%dma_start3A_269 : memref<200xi32, #tpu.memory_space<hbm>>) target(%arg8 : memref<200xi32, #tpu.memory_space<vmem>>) target_semaphore(%arg20 : memref<!tpu.dma_semaphore, #tpu.memory_space<semaphore_mem>>)
      %dma_start3A_270 = tpu.memref_slice %arg3[%add3A_267] : memref<320000xi32, #tpu.memory_space<hbm>> -> memref<200xi32, #tpu.memory_space<hbm>>
      %dma_start3A_271 = tpu.memref_slice %arg3[%add3A_267] : memref<320000xi32, #tpu.memory_space<hbm>> -> memref<200xi32, #tpu.memory_space<hbm>>
      tpu.enqueue_dma source(%dma_start3A_271 : memref<200xi32, #tpu.memory_space<hbm>>) target(%arg9 : memref<200xi32, #tpu.memory_space<vmem>>) target_semaphore(%arg20 : memref<!tpu.dma_semaphore, #tpu.memory_space<semaphore_mem>>)
      %add3A_272 = arith.constant 200 : i32
      %add3A_273 = arith.addi %add3A_224, %add3A_272 : i32
      %add3A_274 = arith.constant 200 : i32
      %add3A_275 = arith.addi %add3A_273, %add3A_274 : i32
      %dma_wait3A_276 = tpu.memref_slice %arg2[%add3A_275] : memref<320000xi32, #tpu.memory_space<hbm>> -> memref<200xi32, #tpu.memory_space<hbm>>
      %dma_wait3A_277 = tpu.memref_slice %arg2[%add3A_275] : memref<320000xi32, #tpu.memory_space<hbm>> -> memref<200xi32, #tpu.memory_space<hbm>>
      tpu.wait_dma2 semaphore(%arg20 : memref<!tpu.dma_semaphore, #tpu.memory_space<semaphore_mem>>) src(%dma_wait3A_277 : memref<200xi32, #tpu.memory_space<hbm>>) dst(%arg8 : memref<200xi32, #tpu.memory_space<vmem>>)
      %dma_wait3A_278 = tpu.memref_slice %arg3[%add3A_275] : memref<320000xi32, #tpu.memory_space<hbm>> -> memref<200xi32, #tpu.memory_space<hbm>>
      %dma_wait3A_279 = tpu.memref_slice %arg3[%add3A_275] : memref<320000xi32, #tpu.memory_space<hbm>> -> memref<200xi32, #tpu.memory_space<hbm>>
      tpu.wait_dma2 semaphore(%arg20 : memref<!tpu.dma_semaphore, #tpu.memory_space<semaphore_mem>>) src(%dma_wait3A_279 : memref<200xi32, #tpu.memory_space<hbm>>) dst(%arg9 : memref<200xi32, #tpu.memory_space<vmem>>)
      %dma_start3A_280 = arith.constant 0 : i32
      %dma_start3A_281 = arith.constant 0 : i32
      %dma_start3A_282 = tpu.memref_slice %arg4[%dma_start3A_280, %dma_start3A_281] : memref<10000x16xf32, #tpu.memory_space<hbm>> -> memref<10000x16xf32, #tpu.memory_space<hbm>>
      tpu.enqueue_indirect_dma source(%dma_start3A_282 : memref<10000x16xf32, #tpu.memory_space<hbm>>) target(%arg10 : memref<200x16xf32, #tpu.memory_space<vmem>>) offsets(%arg9 : memref<200xi32, #tpu.memory_space<vmem>>) semaphore(%arg23 : memref<!tpu.dma_semaphore, #tpu.memory_space<semaphore_mem>>)
      %eq3A_283 = arith.constant 0 : i32
      %eq3A_284 = arith.cmpi eq, %arg0, %eq3A_283 : i32
      %convert_element_type3A_285 = arith.extui %eq3A_284 : i1 to i32
      %cond3A_286 = arith.constant 0 : i32
      %cond3A_287 = arith.cmpi ne, %convert_element_type3A_285, %cond3A_286 : i32
      scf.if %cond3A_287 {
        %dma_start3A_370 = arith.constant 0 : i32
        %dma_start3A_371 = arith.constant 0 : i32
        %dma_start3A_372 = tpu.memref_slice %arg5[%dma_start3A_370, %dma_start3A_371] : memref<10000x80xf32, #tpu.memory_space<hbm>> -> memref<10000x80xf32, #tpu.memory_space<hbm>>
        tpu.enqueue_indirect_dma source(%dma_start3A_372 : memref<10000x80xf32, #tpu.memory_space<hbm>>) target(%arg11 : memref<200x80xf32, #tpu.memory_space<vmem>>) offsets(%arg8 : memref<200xi32, #tpu.memory_space<vmem>>) semaphore(%arg23 : memref<!tpu.dma_semaphore, #tpu.memory_space<semaphore_mem>>)
      } else {
      }
      %eq3A_288 = arith.constant 1 : i32
      %eq3A_289 = arith.cmpi eq, %arg0, %eq3A_288 : i32
      %convert_element_type3A_290 = arith.extui %eq3A_289 : i1 to i32
      %cond3A_291 = arith.constant 0 : i32
      %cond3A_292 = arith.cmpi ne, %convert_element_type3A_290, %cond3A_291 : i32
      scf.if %cond3A_292 {
        %dma_start3A_370 = arith.constant 0 : i32
        %dma_start3A_371 = arith.constant 0 : i32
        %dma_start3A_372 = tpu.memref_slice %arg6[%dma_start3A_370, %dma_start3A_371] : memref<10000x80xf32, #tpu.memory_space<hbm>> -> memref<10000x80xf32, #tpu.memory_space<hbm>>
        tpu.enqueue_indirect_dma source(%dma_start3A_372 : memref<10000x80xf32, #tpu.memory_space<hbm>>) target(%arg11 : memref<200x80xf32, #tpu.memory_space<vmem>>) offsets(%arg8 : memref<200xi32, #tpu.memory_space<vmem>>) semaphore(%arg23 : memref<!tpu.dma_semaphore, #tpu.memory_space<semaphore_mem>>)
      } else {
      }
      %dma_wait3A_293 = arith.constant 0 : i32
      %dma_wait3A_294 = arith.constant 0 : i32
      %dma_wait3A_295 = tpu.memref_slice %arg4[%dma_wait3A_293, %dma_wait3A_294] : memref<10000x16xf32, #tpu.memory_space<hbm>> -> memref<10000x16xf32, #tpu.memory_space<hbm>>
      tpu.wait_indirect_dma semaphore(%arg25 : memref<!tpu.dma_semaphore, #tpu.memory_space<semaphore_mem>>) src(%dma_wait3A_295 : memref<10000x16xf32, #tpu.memory_space<hbm>>) dst(%arg18 : memref<200x16xf32, #tpu.memory_space<vmem>>)
      %eq3A_296 = arith.constant 0 : i32
      %eq3A_297 = arith.cmpi eq, %arg0, %eq3A_296 : i32
      %convert_element_type3A_298 = arith.extui %eq3A_297 : i1 to i32
      %cond3A_299 = arith.constant 0 : i32
      %cond3A_300 = arith.cmpi ne, %convert_element_type3A_298, %cond3A_299 : i32
      scf.if %cond3A_300 {
        %dma_wait3A_370 = arith.constant 0 : i32
        %dma_wait3A_371 = arith.constant 0 : i32
        %dma_wait3A_372 = tpu.memref_slice %arg5[%dma_wait3A_370, %dma_wait3A_371] : memref<10000x80xf32, #tpu.memory_space<hbm>> -> memref<10000x80xf32, #tpu.memory_space<hbm>>
        tpu.wait_indirect_dma semaphore(%arg25 : memref<!tpu.dma_semaphore, #tpu.memory_space<semaphore_mem>>) src(%dma_wait3A_372 : memref<10000x80xf32, #tpu.memory_space<hbm>>) dst(%arg19 : memref<200x80xf32, #tpu.memory_space<vmem>>)
      } else {
      }
      %eq3A_301 = arith.constant 1 : i32
      %eq3A_302 = arith.cmpi eq, %arg0, %eq3A_301 : i32
      %convert_element_type3A_303 = arith.extui %eq3A_302 : i1 to i32
      %cond3A_304 = arith.constant 0 : i32
      %cond3A_305 = arith.cmpi ne, %convert_element_type3A_303, %cond3A_304 : i32
      scf.if %cond3A_305 {
        %dma_wait3A_370 = arith.constant 0 : i32
        %dma_wait3A_371 = arith.constant 0 : i32
        %dma_wait3A_372 = tpu.memref_slice %arg6[%dma_wait3A_370, %dma_wait3A_371] : memref<10000x80xf32, #tpu.memory_space<hbm>> -> memref<10000x80xf32, #tpu.memory_space<hbm>>
        tpu.wait_indirect_dma semaphore(%arg25 : memref<!tpu.dma_semaphore, #tpu.memory_space<semaphore_mem>>) src(%dma_wait3A_372 : memref<10000x80xf32, #tpu.memory_space<hbm>>) dst(%arg19 : memref<200x80xf32, #tpu.memory_space<vmem>>)
      } else {
      }
      %parallel_loop3A_306 = arith.constant 0 : i32
      %parallel_loop3A_307 = arith.constant 200 : i32
      %parallel_loop3A_308 = arith.constant 1 : i32
      scf.for %parallel_loop3A_370 = %parallel_loop3A_306 to %parallel_loop3A_307 step %parallel_loop3A_308  : i32 {
        %parallel_loop3A_371 = arith.index_cast %parallel_loop3A_370 : i32 to index
        %parallel_loop3A_372 = arith.constant 64 : index
        %parallel_loop3A_373 = tpu.vector_load %arg19[%parallel_loop3A_371, %parallel_loop3A_372] {strides = array<i32>} : memref<200x80xf32, #tpu.memory_space<vmem>>, vector<1x16xf32>,
        %parallel_loop3A_374 = vector.shape_cast %parallel_loop3A_373 : vector<1x16xf32> to vector<16xf32>
        %parallel_loop3A_375 = arith.index_cast %parallel_loop3A_370 : i32 to index
        %parallel_loop3A_376 = arith.constant 0 : index
        %parallel_loop3A_377 = tpu.vector_load %arg18[%parallel_loop3A_375, %parallel_loop3A_376] {strides = array<i32>} : memref<200x16xf32, #tpu.memory_space<vmem>>, vector<1x16xf32>,
        %parallel_loop3A_378 = vector.shape_cast %parallel_loop3A_377 : vector<1x16xf32> to vector<16xf32>
        %parallel_loop3A_379 = arith.addf %parallel_loop3A_374, %parallel_loop3A_378 : vector<16xf32>
        %parallel_loop3A_380 = arith.constant 0.000000e+00 : f32
        %parallel_loop3A_381 = vector.broadcast %parallel_loop3A_380 : f32 to vector<16xf32>
        %parallel_loop3A_382 = arith.cmpf oge, %parallel_loop3A_379, %parallel_loop3A_381 : vector<16xf32>
        %parallel_loop3A_383 = arith.constant 2.000000e-01 : f32
        %parallel_loop3A_384 = vector.broadcast %parallel_loop3A_383 : f32 to vector<16xf32>
        %parallel_loop3A_385 = arith.mulf %parallel_loop3A_379, %parallel_loop3A_384 : vector<16xf32>
        %parallel_loop3A_386 = arith.select %parallel_loop3A_382, %parallel_loop3A_379, %parallel_loop3A_385 : vector<16xi1>, vector<16xf32>
        %parallel_loop3A_387 = math.exp %parallel_loop3A_386 : vector<16xf32>
        %parallel_loop3A_388 = arith.index_cast %parallel_loop3A_370 : i32 to index
        %parallel_loop3A_389 = arith.constant 64 : index
        %parallel_loop3A_390 = tpu.vector_load %arg19[%parallel_loop3A_388, %parallel_loop3A_389] {strides = array<i32>} : memref<200x80xf32, #tpu.memory_space<vmem>>, vector<1x16xf32>,
        %parallel_loop3A_391 = vector.shape_cast %parallel_loop3A_390 : vector<1x16xf32> to vector<16xf32>
        %parallel_loop3A_392 = vector.shape_cast %parallel_loop3A_387 : vector<16xf32> to vector<1x16xf32>
        tpu.vector_store %arg19[%parallel_loop3A_388, %parallel_loop3A_389], %parallel_loop3A_392 {strides = array<i32>} : memref<200x80xf32, #tpu.memory_space<vmem>>, vector<1x16xf32>,
        %parallel_loop3A_393 = arith.constant 0 : i32
        %parallel_loop3A_394 = arith.addi %mul3A_1, %parallel_loop3A_393 : i32
        %parallel_loop3A_395 = vector.broadcast %parallel_loop3A_394 : i32 to vector<16x1xi32>
        %parallel_loop3A_396 = vector.shape_cast %parallel_loop3A_395 : vector<16x1xi32> to vector<16xi32>
        %parallel_loop3A_397 = tpu.dynamic_gather %parallel_loop3A_387[%parallel_loop3A_396] in [0] : vector<16xf32>, vector<16xi32> -> vector<16xf32>
        %parallel_loop3A_398 = arith.index_cast %parallel_loop3A_370 : i32 to index
        %parallel_loop3A_399 = arith.constant 0 : index
        %parallel_loop3A_400 = tpu.vector_load %arg19[%parallel_loop3A_398, %parallel_loop3A_399] {strides = array<i32>} : memref<200x80xf32, #tpu.memory_space<vmem>>, vector<1x16xf32>,
        %parallel_loop3A_401 = vector.shape_cast %parallel_loop3A_400 : vector<1x16xf32> to vector<16xf32>
        %parallel_loop3A_402 = arith.mulf %parallel_loop3A_401, %parallel_loop3A_397 : vector<16xf32>
        %parallel_loop3A_403 = arith.index_cast %parallel_loop3A_370 : i32 to index
        %parallel_loop3A_404 = arith.constant 0 : index
        %parallel_loop3A_405 = tpu.vector_load %arg19[%parallel_loop3A_403, %parallel_loop3A_404] {strides = array<i32>} : memref<200x80xf32, #tpu.memory_space<vmem>>, vector<1x16xf32>,
        %parallel_loop3A_406 = vector.shape_cast %parallel_loop3A_405 : vector<1x16xf32> to vector<16xf32>
        %parallel_loop3A_407 = vector.shape_cast %parallel_loop3A_402 : vector<16xf32> to vector<1x16xf32>
        tpu.vector_store %arg19[%parallel_loop3A_403, %parallel_loop3A_404], %parallel_loop3A_407 {strides = array<i32>} : memref<200x80xf32, #tpu.memory_space<vmem>>, vector<1x16xf32>,
        %parallel_loop3A_408 = arith.constant 1 : i32
        %parallel_loop3A_409 = arith.addi %mul3A_1, %parallel_loop3A_408 : i32
        %parallel_loop3A_410 = vector.broadcast %parallel_loop3A_409 : i32 to vector<16x1xi32>
        %parallel_loop3A_411 = vector.shape_cast %parallel_loop3A_410 : vector<16x1xi32> to vector<16xi32>
        %parallel_loop3A_412 = tpu.dynamic_gather %parallel_loop3A_387[%parallel_loop3A_411] in [0] : vector<16xf32>, vector<16xi32> -> vector<16xf32>
        %parallel_loop3A_413 = arith.index_cast %parallel_loop3A_370 : i32 to index
        %parallel_loop3A_414 = arith.constant 16 : index
        %parallel_loop3A_415 = tpu.vector_load %arg19[%parallel_loop3A_413, %parallel_loop3A_414] {strides = array<i32>} : memref<200x80xf32, #tpu.memory_space<vmem>>, vector<1x16xf32>,
        %parallel_loop3A_416 = vector.shape_cast %parallel_loop3A_415 : vector<1x16xf32> to vector<16xf32>
        %parallel_loop3A_417 = arith.mulf %parallel_loop3A_416, %parallel_loop3A_412 : vector<16xf32>
        %parallel_loop3A_418 = arith.index_cast %parallel_loop3A_370 : i32 to index
        %parallel_loop3A_419 = arith.constant 16 : index
        %parallel_loop3A_420 = tpu.vector_load %arg19[%parallel_loop3A_418, %parallel_loop3A_419] {strides = array<i32>} : memref<200x80xf32, #tpu.memory_space<vmem>>, vector<1x16xf32>,
        %parallel_loop3A_421 = vector.shape_cast %parallel_loop3A_420 : vector<1x16xf32> to vector<16xf32>
        %parallel_loop3A_422 = vector.shape_cast %parallel_loop3A_417 : vector<16xf32> to vector<1x16xf32>
        tpu.vector_store %arg19[%parallel_loop3A_418, %parallel_loop3A_419], %parallel_loop3A_422 {strides = array<i32>} : memref<200x80xf32, #tpu.memory_space<vmem>>, vector<1x16xf32>,
        %parallel_loop3A_423 = arith.constant 2 : i32
        %parallel_loop3A_424 = arith.addi %mul3A_1, %parallel_loop3A_423 : i32
        %parallel_loop3A_425 = vector.broadcast %parallel_loop3A_424 : i32 to vector<16x1xi32>
        %parallel_loop3A_426 = vector.shape_cast %parallel_loop3A_425 : vector<16x1xi32> to vector<16xi32>
        %parallel_loop3A_427 = tpu.dynamic_gather %parallel_loop3A_387[%parallel_loop3A_426] in [0] : vector<16xf32>, vector<16xi32> -> vector<16xf32>
        %parallel_loop3A_428 = arith.index_cast %parallel_loop3A_370 : i32 to index
        %parallel_loop3A_429 = arith.constant 32 : index
        %parallel_loop3A_430 = tpu.vector_load %arg19[%parallel_loop3A_428, %parallel_loop3A_429] {strides = array<i32>} : memref<200x80xf32, #tpu.memory_space<vmem>>, vector<1x16xf32>,
        %parallel_loop3A_431 = vector.shape_cast %parallel_loop3A_430 : vector<1x16xf32> to vector<16xf32>
        %parallel_loop3A_432 = arith.mulf %parallel_loop3A_431, %parallel_loop3A_427 : vector<16xf32>
        %parallel_loop3A_433 = arith.index_cast %parallel_loop3A_370 : i32 to index
        %parallel_loop3A_434 = arith.constant 32 : index
        %parallel_loop3A_435 = tpu.vector_load %arg19[%parallel_loop3A_433, %parallel_loop3A_434] {strides = array<i32>} : memref<200x80xf32, #tpu.memory_space<vmem>>, vector<1x16xf32>,
        %parallel_loop3A_436 = vector.shape_cast %parallel_loop3A_435 : vector<1x16xf32> to vector<16xf32>
        %parallel_loop3A_437 = vector.shape_cast %parallel_loop3A_432 : vector<16xf32> to vector<1x16xf32>
        tpu.vector_store %arg19[%parallel_loop3A_433, %parallel_loop3A_434], %parallel_loop3A_437 {strides = array<i32>} : memref<200x80xf32, #tpu.memory_space<vmem>>, vector<1x16xf32>,
        %parallel_loop3A_438 = arith.constant 3 : i32
        %parallel_loop3A_439 = arith.addi %mul3A_1, %parallel_loop3A_438 : i32
        %parallel_loop3A_440 = vector.broadcast %parallel_loop3A_439 : i32 to vector<16x1xi32>
        %parallel_loop3A_441 = vector.shape_cast %parallel_loop3A_440 : vector<16x1xi32> to vector<16xi32>
        %parallel_loop3A_442 = tpu.dynamic_gather %parallel_loop3A_387[%parallel_loop3A_441] in [0] : vector<16xf32>, vector<16xi32> -> vector<16xf32>
        %parallel_loop3A_443 = arith.index_cast %parallel_loop3A_370 : i32 to index
        %parallel_loop3A_444 = arith.constant 48 : index
        %parallel_loop3A_445 = tpu.vector_load %arg19[%parallel_loop3A_443, %parallel_loop3A_444] {strides = array<i32>} : memref<200x80xf32, #tpu.memory_space<vmem>>, vector<1x16xf32>,
        %parallel_loop3A_446 = vector.shape_cast %parallel_loop3A_445 : vector<1x16xf32> to vector<16xf32>
        %parallel_loop3A_447 = arith.mulf %parallel_loop3A_446, %parallel_loop3A_442 : vector<16xf32>
        %parallel_loop3A_448 = arith.index_cast %parallel_loop3A_370 : i32 to index
        %parallel_loop3A_449 = arith.constant 48 : index
        %parallel_loop3A_450 = tpu.vector_load %arg19[%parallel_loop3A_448, %parallel_loop3A_449] {strides = array<i32>} : memref<200x80xf32, #tpu.memory_space<vmem>>, vector<1x16xf32>,
        %parallel_loop3A_451 = vector.shape_cast %parallel_loop3A_450 : vector<1x16xf32> to vector<16xf32>
        %parallel_loop3A_452 = vector.shape_cast %parallel_loop3A_447 : vector<16xf32> to vector<1x16xf32>
        tpu.vector_store %arg19[%parallel_loop3A_448, %parallel_loop3A_449], %parallel_loop3A_452 {strides = array<i32>} : memref<200x80xf32, #tpu.memory_space<vmem>>, vector<1x16xf32>,
      } {sc.loop_unroll_factor = 2 : i64, sc.parallel_access}
      %dma_wait3A_309 = arith.constant 0 : i32
      %dma_wait3A_310 = arith.constant 0 : i32
      %dma_wait3A_311 = tpu.memref_slice %arg29[%dma_wait3A_309, %dma_wait3A_310] : memref<10000x80xf32, #tpu.memory_space<vmem_shared>> -> memref<10000x80xf32, #tpu.memory_space<vmem_shared>>
      tpu.wait_indirect_dma semaphore(%arg27 : memref<!tpu.dma_semaphore, #tpu.memory_space<semaphore_mem>>) src(%arg15 : memref<200x80xf32, #tpu.memory_space<vmem>>) dst(%dma_wait3A_311 : memref<10000x80xf32, #tpu.memory_space<vmem_shared>>)
      %dma_start3A_312 = arith.constant 0 : i32
      %dma_start3A_313 = arith.constant 0 : i32
      %dma_start3A_314 = tpu.memref_slice %arg29[%dma_start3A_312, %dma_start3A_313] : memref<10000x80xf32, #tpu.memory_space<vmem_shared>> -> memref<10000x80xf32, #tpu.memory_space<vmem_shared>>
      tpu.enqueue_indirect_dma source(%arg19 : memref<200x80xf32, #tpu.memory_space<vmem>>) target(%dma_start3A_314 : memref<10000x80xf32, #tpu.memory_space<vmem_shared>>) offsets(%arg17 : memref<200xi32, #tpu.memory_space<vmem>>) semaphore(%arg28 : memref<!tpu.dma_semaphore, #tpu.memory_space<semaphore_mem>>) {add = true}
      %add3A_315 = arith.constant 400 : i32
      %add3A_316 = arith.addi %add3A_273, %add3A_315 : i32
      %dma_start3A_317 = tpu.memref_slice %arg2[%add3A_316] : memref<320000xi32, #tpu.memory_space<hbm>> -> memref<200xi32, #tpu.memory_space<hbm>>
      %dma_start3A_318 = tpu.memref_slice %arg2[%add3A_316] : memref<320000xi32, #tpu.memory_space<hbm>> -> memref<200xi32, #tpu.memory_space<hbm>>
      tpu.enqueue_dma source(%dma_start3A_318 : memref<200xi32, #tpu.memory_space<hbm>>) target(%arg12 : memref<200xi32, #tpu.memory_space<vmem>>) target_semaphore(%arg21 : memref<!tpu.dma_semaphore, #tpu.memory_space<semaphore_mem>>)
      %dma_start3A_319 = tpu.memref_slice %arg3[%add3A_316] : memref<320000xi32, #tpu.memory_space<hbm>> -> memref<200xi32, #tpu.memory_space<hbm>>
      %dma_start3A_320 = tpu.memref_slice %arg3[%add3A_316] : memref<320000xi32, #tpu.memory_space<hbm>> -> memref<200xi32, #tpu.memory_space<hbm>>
      tpu.enqueue_dma source(%dma_start3A_320 : memref<200xi32, #tpu.memory_space<hbm>>) target(%arg13 : memref<200xi32, #tpu.memory_space<vmem>>) target_semaphore(%arg21 : memref<!tpu.dma_semaphore, #tpu.memory_space<semaphore_mem>>)
      %add3A_321 = arith.constant 400 : i32
      %add3A_322 = arith.addi %add3A_224, %add3A_321 : i32
      %add3A_323 = arith.constant 200 : i32
      %add3A_324 = arith.addi %add3A_322, %add3A_323 : i32
      %dma_wait3A_325 = tpu.memref_slice %arg2[%add3A_324] : memref<320000xi32, #tpu.memory_space<hbm>> -> memref<200xi32, #tpu.memory_space<hbm>>
      %dma_wait3A_326 = tpu.memref_slice %arg2[%add3A_324] : memref<320000xi32, #tpu.memory_space<hbm>> -> memref<200xi32, #tpu.memory_space<hbm>>
      tpu.wait_dma2 semaphore(%arg21 : memref<!tpu.dma_semaphore, #tpu.memory_space<semaphore_mem>>) src(%dma_wait3A_326 : memref<200xi32, #tpu.memory_space<hbm>>) dst(%arg12 : memref<200xi32, #tpu.memory_space<vmem>>)
      %dma_wait3A_327 = tpu.memref_slice %arg3[%add3A_324] : memref<320000xi32, #tpu.memory_space<hbm>> -> memref<200xi32, #tpu.memory_space<hbm>>
      %dma_wait3A_328 = tpu.memref_slice %arg3[%add3A_324] : memref<320000xi32, #tpu.memory_space<hbm>> -> memref<200xi32, #tpu.memory_space<hbm>>
      tpu.wait_dma2 semaphore(%arg21 : memref<!tpu.dma_semaphore, #tpu.memory_space<semaphore_mem>>) src(%dma_wait3A_328 : memref<200xi32, #tpu.memory_space<hbm>>) dst(%arg13 : memref<200xi32, #tpu.memory_space<vmem>>)
      %dma_start3A_329 = arith.constant 0 : i32
      %dma_start3A_330 = arith.constant 0 : i32
      %dma_start3A_331 = tpu.memref_slice %arg4[%dma_start3A_329, %dma_start3A_330] : memref<10000x16xf32, #tpu.memory_space<hbm>> -> memref<10000x16xf32, #tpu.memory_space<hbm>>
      tpu.enqueue_indirect_dma source(%dma_start3A_331 : memref<10000x16xf32, #tpu.memory_space<hbm>>) target(%arg14 : memref<200x16xf32, #tpu.memory_space<vmem>>) offsets(%arg13 : memref<200xi32, #tpu.memory_space<vmem>>) semaphore(%arg24 : memref<!tpu.dma_semaphore, #tpu.memory_space<semaphore_mem>>)
      %eq3A_332 = arith.constant 0 : i32
      %eq3A_333 = arith.cmpi eq, %arg0, %eq3A_332 : i32
      %convert_element_type3A_334 = arith.extui %eq3A_333 : i1 to i32
      %cond3A_335 = arith.constant 0 : i32
      %cond3A_336 = arith.cmpi ne, %convert_element_type3A_334, %cond3A_335 : i32
      scf.if %cond3A_336 {
        %dma_start3A_370 = arith.constant 0 : i32
        %dma_start3A_371 = arith.constant 0 : i32
        %dma_start3A_372 = tpu.memref_slice %arg5[%dma_start3A_370, %dma_start3A_371] : memref<10000x80xf32, #tpu.memory_space<hbm>> -> memref<10000x80xf32, #tpu.memory_space<hbm>>
        tpu.enqueue_indirect_dma source(%dma_start3A_372 : memref<10000x80xf32, #tpu.memory_space<hbm>>) target(%arg15 : memref<200x80xf32, #tpu.memory_space<vmem>>) offsets(%arg12 : memref<200xi32, #tpu.memory_space<vmem>>) semaphore(%arg24 : memref<!tpu.dma_semaphore, #tpu.memory_space<semaphore_mem>>)
      } else {
      }
      %eq3A_337 = arith.constant 1 : i32
      %eq3A_338 = arith.cmpi eq, %arg0, %eq3A_337 : i32
      %convert_element_type3A_339 = arith.extui %eq3A_338 : i1 to i32
      %cond3A_340 = arith.constant 0 : i32
      %cond3A_341 = arith.cmpi ne, %convert_element_type3A_339, %cond3A_340 : i32
      scf.if %cond3A_341 {
        %dma_start3A_370 = arith.constant 0 : i32
        %dma_start3A_371 = arith.constant 0 : i32
        %dma_start3A_372 = tpu.memref_slice %arg6[%dma_start3A_370, %dma_start3A_371] : memref<10000x80xf32, #tpu.memory_space<hbm>> -> memref<10000x80xf32, #tpu.memory_space<hbm>>
        tpu.enqueue_indirect_dma source(%dma_start3A_372 : memref<10000x80xf32, #tpu.memory_space<hbm>>) target(%arg15 : memref<200x80xf32, #tpu.memory_space<vmem>>) offsets(%arg12 : memref<200xi32, #tpu.memory_space<vmem>>) semaphore(%arg24 : memref<!tpu.dma_semaphore, #tpu.memory_space<semaphore_mem>>)
      } else {
      }
      %dma_wait3A_342 = arith.constant 0 : i32
      %dma_wait3A_343 = arith.constant 0 : i32
      %dma_wait3A_344 = tpu.memref_slice %arg4[%dma_wait3A_342, %dma_wait3A_343] : memref<10000x16xf32, #tpu.memory_space<hbm>> -> memref<10000x16xf32, #tpu.memory_space<hbm>>
      tpu.wait_indirect_dma semaphore(%arg23 : memref<!tpu.dma_semaphore, #tpu.memory_space<semaphore_mem>>) src(%dma_wait3A_344 : memref<10000x16xf32, #tpu.memory_space<hbm>>) dst(%arg10 : memref<200x16xf32, #tpu.memory_space<vmem>>)
      %eq3A_345 = arith.constant 0 : i32
      %eq3A_346 = arith.cmpi eq, %arg0, %eq3A_345 : i32
      %convert_element_type3A_347 = arith.extui %eq3A_346 : i1 to i32
      %cond3A_348 = arith.constant 0 : i32
      %cond3A_349 = arith.cmpi ne, %convert_element_type3A_347, %cond3A_348 : i32
      scf.if %cond3A_349 {
        %dma_wait3A_370 = arith.constant 0 : i32
        %dma_wait3A_371 = arith.constant 0 : i32
        %dma_wait3A_372 = tpu.memref_slice %arg5[%dma_wait3A_370, %dma_wait3A_371] : memref<10000x80xf32, #tpu.memory_space<hbm>> -> memref<10000x80xf32, #tpu.memory_space<hbm>>
        tpu.wait_indirect_dma semaphore(%arg23 : memref<!tpu.dma_semaphore, #tpu.memory_space<semaphore_mem>>) src(%dma_wait3A_372 : memref<10000x80xf32, #tpu.memory_space<hbm>>) dst(%arg11 : memref<200x80xf32, #tpu.memory_space<vmem>>)
      } else {
      }
      %eq3A_350 = arith.constant 1 : i32
      %eq3A_351 = arith.cmpi eq, %arg0, %eq3A_350 : i32
      %convert_element_type3A_352 = arith.extui %eq3A_351 : i1 to i32
      %cond3A_353 = arith.constant 0 : i32
      %cond3A_354 = arith.cmpi ne, %convert_element_type3A_352, %cond3A_353 : i32
      scf.if %cond3A_354 {
        %dma_wait3A_370 = arith.constant 0 : i32
        %dma_wait3A_371 = arith.constant 0 : i32
        %dma_wait3A_372 = tpu.memref_slice %arg6[%dma_wait3A_370, %dma_wait3A_371] : memref<10000x80xf32, #tpu.memory_space<hbm>> -> memref<10000x80xf32, #tpu.memory_space<hbm>>
        tpu.wait_indirect_dma semaphore(%arg23 : memref<!tpu.dma_semaphore, #tpu.memory_space<semaphore_mem>>) src(%dma_wait3A_372 : memref<10000x80xf32, #tpu.memory_space<hbm>>) dst(%arg11 : memref<200x80xf32, #tpu.memory_space<vmem>>)
      } else {
      }
      %parallel_loop3A_355 = arith.constant 0 : i32
      %parallel_loop3A_356 = arith.constant 200 : i32
      %parallel_loop3A_357 = arith.constant 1 : i32
      scf.for %parallel_loop3A_370 = %parallel_loop3A_355 to %parallel_loop3A_356 step %parallel_loop3A_357  : i32 {
        %parallel_loop3A_371 = arith.index_cast %parallel_loop3A_370 : i32 to index
        %parallel_loop3A_372 = arith.constant 64 : index
        %parallel_loop3A_373 = tpu.vector_load %arg11[%parallel_loop3A_371, %parallel_loop3A_372] {strides = array<i32>} : memref<200x80xf32, #tpu.memory_space<vmem>>, vector<1x16xf32>,
        %parallel_loop3A_374 = vector.shape_cast %parallel_loop3A_373 : vector<1x16xf32> to vector<16xf32>
        %parallel_loop3A_375 = arith.index_cast %parallel_loop3A_370 : i32 to index
        %parallel_loop3A_376 = arith.constant 0 : index
        %parallel_loop3A_377 = tpu.vector_load %arg10[%parallel_loop3A_375, %parallel_loop3A_376] {strides = array<i32>} : memref<200x16xf32, #tpu.memory_space<vmem>>, vector<1x16xf32>,
        %parallel_loop3A_378 = vector.shape_cast %parallel_loop3A_377 : vector<1x16xf32> to vector<16xf32>
        %parallel_loop3A_379 = arith.addf %parallel_loop3A_374, %parallel_loop3A_378 : vector<16xf32>
        %parallel_loop3A_380 = arith.constant 0.000000e+00 : f32
        %parallel_loop3A_381 = vector.broadcast %parallel_loop3A_380 : f32 to vector<16xf32>
        %parallel_loop3A_382 = arith.cmpf oge, %parallel_loop3A_379, %parallel_loop3A_381 : vector<16xf32>
        %parallel_loop3A_383 = arith.constant 2.000000e-01 : f32
        %parallel_loop3A_384 = vector.broadcast %parallel_loop3A_383 : f32 to vector<16xf32>
        %parallel_loop3A_385 = arith.mulf %parallel_loop3A_379, %parallel_loop3A_384 : vector<16xf32>
        %parallel_loop3A_386 = arith.select %parallel_loop3A_382, %parallel_loop3A_379, %parallel_loop3A_385 : vector<16xi1>, vector<16xf32>
        %parallel_loop3A_387 = math.exp %parallel_loop3A_386 : vector<16xf32>
        %parallel_loop3A_388 = arith.index_cast %parallel_loop3A_370 : i32 to index
        %parallel_loop3A_389 = arith.constant 64 : index
        %parallel_loop3A_390 = tpu.vector_load %arg11[%parallel_loop3A_388, %parallel_loop3A_389] {strides = array<i32>} : memref<200x80xf32, #tpu.memory_space<vmem>>, vector<1x16xf32>,
        %parallel_loop3A_391 = vector.shape_cast %parallel_loop3A_390 : vector<1x16xf32> to vector<16xf32>
        %parallel_loop3A_392 = vector.shape_cast %parallel_loop3A_387 : vector<16xf32> to vector<1x16xf32>
        tpu.vector_store %arg11[%parallel_loop3A_388, %parallel_loop3A_389], %parallel_loop3A_392 {strides = array<i32>} : memref<200x80xf32, #tpu.memory_space<vmem>>, vector<1x16xf32>,
        %parallel_loop3A_393 = arith.constant 0 : i32
        %parallel_loop3A_394 = arith.addi %mul3A_1, %parallel_loop3A_393 : i32
        %parallel_loop3A_395 = vector.broadcast %parallel_loop3A_394 : i32 to vector<16x1xi32>
        %parallel_loop3A_396 = vector.shape_cast %parallel_loop3A_395 : vector<16x1xi32> to vector<16xi32>
        %parallel_loop3A_397 = tpu.dynamic_gather %parallel_loop3A_387[%parallel_loop3A_396] in [0] : vector<16xf32>, vector<16xi32> -> vector<16xf32>
        %parallel_loop3A_398 = arith.index_cast %parallel_loop3A_370 : i32 to index
        %parallel_loop3A_399 = arith.constant 0 : index
        %parallel_loop3A_400 = tpu.vector_load %arg11[%parallel_loop3A_398, %parallel_loop3A_399] {strides = array<i32>} : memref<200x80xf32, #tpu.memory_space<vmem>>, vector<1x16xf32>,
        %parallel_loop3A_401 = vector.shape_cast %parallel_loop3A_400 : vector<1x16xf32> to vector<16xf32>
        %parallel_loop3A_402 = arith.mulf %parallel_loop3A_401, %parallel_loop3A_397 : vector<16xf32>
        %parallel_loop3A_403 = arith.index_cast %parallel_loop3A_370 : i32 to index
        %parallel_loop3A_404 = arith.constant 0 : index
        %parallel_loop3A_405 = tpu.vector_load %arg11[%parallel_loop3A_403, %parallel_loop3A_404] {strides = array<i32>} : memref<200x80xf32, #tpu.memory_space<vmem>>, vector<1x16xf32>,
        %parallel_loop3A_406 = vector.shape_cast %parallel_loop3A_405 : vector<1x16xf32> to vector<16xf32>
        %parallel_loop3A_407 = vector.shape_cast %parallel_loop3A_402 : vector<16xf32> to vector<1x16xf32>
        tpu.vector_store %arg11[%parallel_loop3A_403, %parallel_loop3A_404], %parallel_loop3A_407 {strides = array<i32>} : memref<200x80xf32, #tpu.memory_space<vmem>>, vector<1x16xf32>,
        %parallel_loop3A_408 = arith.constant 1 : i32
        %parallel_loop3A_409 = arith.addi %mul3A_1, %parallel_loop3A_408 : i32
        %parallel_loop3A_410 = vector.broadcast %parallel_loop3A_409 : i32 to vector<16x1xi32>
        %parallel_loop3A_411 = vector.shape_cast %parallel_loop3A_410 : vector<16x1xi32> to vector<16xi32>
        %parallel_loop3A_412 = tpu.dynamic_gather %parallel_loop3A_387[%parallel_loop3A_411] in [0] : vector<16xf32>, vector<16xi32> -> vector<16xf32>
        %parallel_loop3A_413 = arith.index_cast %parallel_loop3A_370 : i32 to index
        %parallel_loop3A_414 = arith.constant 16 : index
        %parallel_loop3A_415 = tpu.vector_load %arg11[%parallel_loop3A_413, %parallel_loop3A_414] {strides = array<i32>} : memref<200x80xf32, #tpu.memory_space<vmem>>, vector<1x16xf32>,
        %parallel_loop3A_416 = vector.shape_cast %parallel_loop3A_415 : vector<1x16xf32> to vector<16xf32>
        %parallel_loop3A_417 = arith.mulf %parallel_loop3A_416, %parallel_loop3A_412 : vector<16xf32>
        %parallel_loop3A_418 = arith.index_cast %parallel_loop3A_370 : i32 to index
        %parallel_loop3A_419 = arith.constant 16 : index
        %parallel_loop3A_420 = tpu.vector_load %arg11[%parallel_loop3A_418, %parallel_loop3A_419] {strides = array<i32>} : memref<200x80xf32, #tpu.memory_space<vmem>>, vector<1x16xf32>,
        %parallel_loop3A_421 = vector.shape_cast %parallel_loop3A_420 : vector<1x16xf32> to vector<16xf32>
        %parallel_loop3A_422 = vector.shape_cast %parallel_loop3A_417 : vector<16xf32> to vector<1x16xf32>
        tpu.vector_store %arg11[%parallel_loop3A_418, %parallel_loop3A_419], %parallel_loop3A_422 {strides = array<i32>} : memref<200x80xf32, #tpu.memory_space<vmem>>, vector<1x16xf32>,
        %parallel_loop3A_423 = arith.constant 2 : i32
        %parallel_loop3A_424 = arith.addi %mul3A_1, %parallel_loop3A_423 : i32
        %parallel_loop3A_425 = vector.broadcast %parallel_loop3A_424 : i32 to vector<16x1xi32>
        %parallel_loop3A_426 = vector.shape_cast %parallel_loop3A_425 : vector<16x1xi32> to vector<16xi32>
        %parallel_loop3A_427 = tpu.dynamic_gather %parallel_loop3A_387[%parallel_loop3A_426] in [0] : vector<16xf32>, vector<16xi32> -> vector<16xf32>
        %parallel_loop3A_428 = arith.index_cast %parallel_loop3A_370 : i32 to index
        %parallel_loop3A_429 = arith.constant 32 : index
        %parallel_loop3A_430 = tpu.vector_load %arg11[%parallel_loop3A_428, %parallel_loop3A_429] {strides = array<i32>} : memref<200x80xf32, #tpu.memory_space<vmem>>, vector<1x16xf32>,
        %parallel_loop3A_431 = vector.shape_cast %parallel_loop3A_430 : vector<1x16xf32> to vector<16xf32>
        %parallel_loop3A_432 = arith.mulf %parallel_loop3A_431, %parallel_loop3A_427 : vector<16xf32>
        %parallel_loop3A_433 = arith.index_cast %parallel_loop3A_370 : i32 to index
        %parallel_loop3A_434 = arith.constant 32 : index
        %parallel_loop3A_435 = tpu.vector_load %arg11[%parallel_loop3A_433, %parallel_loop3A_434] {strides = array<i32>} : memref<200x80xf32, #tpu.memory_space<vmem>>, vector<1x16xf32>,
        %parallel_loop3A_436 = vector.shape_cast %parallel_loop3A_435 : vector<1x16xf32> to vector<16xf32>
        %parallel_loop3A_437 = vector.shape_cast %parallel_loop3A_432 : vector<16xf32> to vector<1x16xf32>
        tpu.vector_store %arg11[%parallel_loop3A_433, %parallel_loop3A_434], %parallel_loop3A_437 {strides = array<i32>} : memref<200x80xf32, #tpu.memory_space<vmem>>, vector<1x16xf32>,
        %parallel_loop3A_438 = arith.constant 3 : i32
        %parallel_loop3A_439 = arith.addi %mul3A_1, %parallel_loop3A_438 : i32
        %parallel_loop3A_440 = vector.broadcast %parallel_loop3A_439 : i32 to vector<16x1xi32>
        %parallel_loop3A_441 = vector.shape_cast %parallel_loop3A_440 : vector<16x1xi32> to vector<16xi32>
        %parallel_loop3A_442 = tpu.dynamic_gather %parallel_loop3A_387[%parallel_loop3A_441] in [0] : vector<16xf32>, vector<16xi32> -> vector<16xf32>
        %parallel_loop3A_443 = arith.index_cast %parallel_loop3A_370 : i32 to index
        %parallel_loop3A_444 = arith.constant 48 : index
        %parallel_loop3A_445 = tpu.vector_load %arg11[%parallel_loop3A_443, %parallel_loop3A_444] {strides = array<i32>} : memref<200x80xf32, #tpu.memory_space<vmem>>, vector<1x16xf32>,
        %parallel_loop3A_446 = vector.shape_cast %parallel_loop3A_445 : vector<1x16xf32> to vector<16xf32>
        %parallel_loop3A_447 = arith.mulf %parallel_loop3A_446, %parallel_loop3A_442 : vector<16xf32>
        %parallel_loop3A_448 = arith.index_cast %parallel_loop3A_370 : i32 to index
        %parallel_loop3A_449 = arith.constant 48 : index
        %parallel_loop3A_450 = tpu.vector_load %arg11[%parallel_loop3A_448, %parallel_loop3A_449] {strides = array<i32>} : memref<200x80xf32, #tpu.memory_space<vmem>>, vector<1x16xf32>,
        %parallel_loop3A_451 = vector.shape_cast %parallel_loop3A_450 : vector<1x16xf32> to vector<16xf32>
        %parallel_loop3A_452 = vector.shape_cast %parallel_loop3A_447 : vector<16xf32> to vector<1x16xf32>
        tpu.vector_store %arg11[%parallel_loop3A_448, %parallel_loop3A_449], %parallel_loop3A_452 {strides = array<i32>} : memref<200x80xf32, #tpu.memory_space<vmem>>, vector<1x16xf32>,
      } {sc.loop_unroll_factor = 2 : i64, sc.parallel_access}
      %dma_wait3A_358 = arith.constant 0 : i32
      %dma_wait3A_359 = arith.constant 0 : i32
      %dma_wait3A_360 = tpu.memref_slice %arg29[%dma_wait3A_358, %dma_wait3A_359] : memref<10000x80xf32, #tpu.memory_space<vmem_shared>> -> memref<10000x80xf32, #tpu.memory_space<vmem_shared>>
      tpu.wait_indirect_dma semaphore(%arg28 : memref<!tpu.dma_semaphore, #tpu.memory_space<semaphore_mem>>) src(%arg19 : memref<200x80xf32, #tpu.memory_space<vmem>>) dst(%dma_wait3A_360 : memref<10000x80xf32, #tpu.memory_space<vmem_shared>>)
      %dma_start3A_361 = arith.constant 0 : i32
      %dma_start3A_362 = arith.constant 0 : i32
      %dma_start3A_363 = tpu.memref_slice %arg29[%dma_start3A_361, %dma_start3A_362] : memref<10000x80xf32, #tpu.memory_space<vmem_shared>> -> memref<10000x80xf32, #tpu.memory_space<vmem_shared>>
      tpu.enqueue_indirect_dma source(%arg11 : memref<200x80xf32, #tpu.memory_space<vmem>>) target(%dma_start3A_363 : memref<10000x80xf32, #tpu.memory_space<vmem_shared>>) offsets(%arg9 : memref<200xi32, #tpu.memory_space<vmem>>) semaphore(%arg26 : memref<!tpu.dma_semaphore, #tpu.memory_space<semaphore_mem>>) {add = true}
      %add3A_364 = arith.constant 400 : i32
      %add3A_365 = arith.addi %add3A_322, %add3A_364 : i32
      %dma_start3A_366 = tpu.memref_slice %arg2[%add3A_365] : memref<320000xi32, #tpu.memory_space<hbm>> -> memref<200xi32, #tpu.memory_space<hbm>>
      %dma_start3A_367 = tpu.memref_slice %arg2[%add3A_365] : memref<320000xi32, #tpu.memory_space<hbm>> -> memref<200xi32, #tpu.memory_space<hbm>>
      tpu.enqueue_dma source(%dma_start3A_367 : memref<200xi32, #tpu.memory_space<hbm>>) target(%arg16 : memref<200xi32, #tpu.memory_space<vmem>>) target_semaphore(%arg22 : memref<!tpu.dma_semaphore, #tpu.memory_space<semaphore_mem>>)
      %dma_start3A_368 = tpu.memref_slice %arg3[%add3A_365] : memref<320000xi32, #tpu.memory_space<hbm>> -> memref<200xi32, #tpu.memory_space<hbm>>
      %dma_start3A_369 = tpu.memref_slice %arg3[%add3A_365] : memref<320000xi32, #tpu.memory_space<hbm>> -> memref<200xi32, #tpu.memory_space<hbm>>
      tpu.enqueue_dma source(%dma_start3A_369 : memref<200xi32, #tpu.memory_space<hbm>>) target(%arg17 : memref<200xi32, #tpu.memory_space<vmem>>) target_semaphore(%arg22 : memref<!tpu.dma_semaphore, #tpu.memory_space<semaphore_mem>>)
    }
    %scan3A_91 = arith.constant 32 : i32
    %add3A_92 = arith.constant 19400 : i32
    %add3A_93 = arith.addi %mul3A_3, %add3A_92 : i32
    %add3A_94 = arith.constant 200 : i32
    %add3A_95 = arith.addi %add3A_93, %add3A_94 : i32
    %dma_wait3A_96 = tpu.memref_slice %arg2[%add3A_95] : memref<320000xi32, #tpu.memory_space<hbm>> -> memref<200xi32, #tpu.memory_space<hbm>>
    %dma_wait3A_97 = tpu.memref_slice %arg2[%add3A_95] : memref<320000xi32, #tpu.memory_space<hbm>> -> memref<200xi32, #tpu.memory_space<hbm>>
    tpu.wait_dma2 semaphore(%arg22 : memref<!tpu.dma_semaphore, #tpu.memory_space<semaphore_mem>>) src(%dma_wait3A_97 : memref<200xi32, #tpu.memory_space<hbm>>) dst(%arg16 : memref<200xi32, #tpu.memory_space<vmem>>)
    %dma_wait3A_98 = tpu.memref_slice %arg3[%add3A_95] : memref<320000xi32, #tpu.memory_space<hbm>> -> memref<200xi32, #tpu.memory_space<hbm>>
    %dma_wait3A_99 = tpu.memref_slice %arg3[%add3A_95] : memref<320000xi32, #tpu.memory_space<hbm>> -> memref<200xi32, #tpu.memory_space<hbm>>
    tpu.wait_dma2 semaphore(%arg22 : memref<!tpu.dma_semaphore, #tpu.memory_space<semaphore_mem>>) src(%dma_wait3A_99 : memref<200xi32, #tpu.memory_space<hbm>>) dst(%arg17 : memref<200xi32, #tpu.memory_space<vmem>>)
    %dma_start3A_100 = arith.constant 0 : i32
    %dma_start3A_101 = arith.constant 0 : i32
    %dma_start3A_102 = tpu.memref_slice %arg4[%dma_start3A_100, %dma_start3A_101] : memref<10000x16xf32, #tpu.memory_space<hbm>> -> memref<10000x16xf32, #tpu.memory_space<hbm>>
    tpu.enqueue_indirect_dma source(%dma_start3A_102 : memref<10000x16xf32, #tpu.memory_space<hbm>>) target(%arg18 : memref<200x16xf32, #tpu.memory_space<vmem>>) offsets(%arg17 : memref<200xi32, #tpu.memory_space<vmem>>) semaphore(%arg25 : memref<!tpu.dma_semaphore, #tpu.memory_space<semaphore_mem>>)
    %eq3A_103 = arith.constant 0 : i32
    %eq3A_104 = arith.cmpi eq, %arg0, %eq3A_103 : i32
    %convert_element_type3A_105 = arith.extui %eq3A_104 : i1 to i32
    %cond3A_106 = arith.constant 0 : i32
    %cond3A_107 = arith.cmpi ne, %convert_element_type3A_105, %cond3A_106 : i32
    scf.if %cond3A_107 {
      %dma_start3A_217 = arith.constant 0 : i32
      %dma_start3A_218 = arith.constant 0 : i32
      %dma_start3A_219 = tpu.memref_slice %arg5[%dma_start3A_217, %dma_start3A_218] : memref<10000x80xf32, #tpu.memory_space<hbm>> -> memref<10000x80xf32, #tpu.memory_space<hbm>>
      tpu.enqueue_indirect_dma source(%dma_start3A_219 : memref<10000x80xf32, #tpu.memory_space<hbm>>) target(%arg19 : memref<200x80xf32, #tpu.memory_space<vmem>>) offsets(%arg16 : memref<200xi32, #tpu.memory_space<vmem>>) semaphore(%arg25 : memref<!tpu.dma_semaphore, #tpu.memory_space<semaphore_mem>>)
    } else {
    }
    %eq3A_108 = arith.constant 1 : i32
    %eq3A_109 = arith.cmpi eq, %arg0, %eq3A_108 : i32
    %convert_element_type3A_110 = arith.extui %eq3A_109 : i1 to i32
    %cond3A_111 = arith.constant 0 : i32
    %cond3A_112 = arith.cmpi ne, %convert_element_type3A_110, %cond3A_111 : i32
    scf.if %cond3A_112 {
      %dma_start3A_217 = arith.constant 0 : i32
      %dma_start3A_218 = arith.constant 0 : i32
      %dma_start3A_219 = tpu.memref_slice %arg6[%dma_start3A_217, %dma_start3A_218] : memref<10000x80xf32, #tpu.memory_space<hbm>> -> memref<10000x80xf32, #tpu.memory_space<hbm>>
      tpu.enqueue_indirect_dma source(%dma_start3A_219 : memref<10000x80xf32, #tpu.memory_space<hbm>>) target(%arg19 : memref<200x80xf32, #tpu.memory_space<vmem>>) offsets(%arg16 : memref<200xi32, #tpu.memory_space<vmem>>) semaphore(%arg25 : memref<!tpu.dma_semaphore, #tpu.memory_space<semaphore_mem>>)
    } else {
    }
    %dma_wait3A_113 = arith.constant 0 : i32
    %dma_wait3A_114 = arith.constant 0 : i32
    %dma_wait3A_115 = tpu.memref_slice %arg4[%dma_wait3A_113, %dma_wait3A_114] : memref<10000x16xf32, #tpu.memory_space<hbm>> -> memref<10000x16xf32, #tpu.memory_space<hbm>>
    tpu.wait_indirect_dma semaphore(%arg24 : memref<!tpu.dma_semaphore, #tpu.memory_space<semaphore_mem>>) src(%dma_wait3A_115 : memref<10000x16xf32, #tpu.memory_space<hbm>>) dst(%arg14 : memref<200x16xf32, #tpu.memory_space<vmem>>)
    %eq3A_116 = arith.constant 0 : i32
    %eq3A_117 = arith.cmpi eq, %arg0, %eq3A_116 : i32
    %convert_element_type3A_118 = arith.extui %eq3A_117 : i1 to i32
    %cond3A_119 = arith.constant 0 : i32
    %cond3A_120 = arith.cmpi ne, %convert_element_type3A_118, %cond3A_119 : i32
    scf.if %cond3A_120 {
      %dma_wait3A_217 = arith.constant 0 : i32
      %dma_wait3A_218 = arith.constant 0 : i32
      %dma_wait3A_219 = tpu.memref_slice %arg5[%dma_wait3A_217, %dma_wait3A_218] : memref<10000x80xf32, #tpu.memory_space<hbm>> -> memref<10000x80xf32, #tpu.memory_space<hbm>>
      tpu.wait_indirect_dma semaphore(%arg24 : memref<!tpu.dma_semaphore, #tpu.memory_space<semaphore_mem>>) src(%dma_wait3A_219 : memref<10000x80xf32, #tpu.memory_space<hbm>>) dst(%arg15 : memref<200x80xf32, #tpu.memory_space<vmem>>)
    } else {
    }
    %eq3A_121 = arith.constant 1 : i32
    %eq3A_122 = arith.cmpi eq, %arg0, %eq3A_121 : i32
    %convert_element_type3A_123 = arith.extui %eq3A_122 : i1 to i32
    %cond3A_124 = arith.constant 0 : i32
    %cond3A_125 = arith.cmpi ne, %convert_element_type3A_123, %cond3A_124 : i32
    scf.if %cond3A_125 {
      %dma_wait3A_217 = arith.constant 0 : i32
      %dma_wait3A_218 = arith.constant 0 : i32
      %dma_wait3A_219 = tpu.memref_slice %arg6[%dma_wait3A_217, %dma_wait3A_218] : memref<10000x80xf32, #tpu.memory_space<hbm>> -> memref<10000x80xf32, #tpu.memory_space<hbm>>
      tpu.wait_indirect_dma semaphore(%arg24 : memref<!tpu.dma_semaphore, #tpu.memory_space<semaphore_mem>>) src(%dma_wait3A_219 : memref<10000x80xf32, #tpu.memory_space<hbm>>) dst(%arg15 : memref<200x80xf32, #tpu.memory_space<vmem>>)
    } else {
    }
    %parallel_loop3A_126 = arith.constant 0 : i32
    %parallel_loop3A_127 = arith.constant 200 : i32
    %parallel_loop3A_128 = arith.constant 1 : i32
    scf.for %parallel_loop3A_217 = %parallel_loop3A_126 to %parallel_loop3A_127 step %parallel_loop3A_128  : i32 {
      %parallel_loop3A_218 = arith.index_cast %parallel_loop3A_217 : i32 to index
      %parallel_loop3A_219 = arith.constant 64 : index
      %parallel_loop3A_220 = tpu.vector_load %arg15[%parallel_loop3A_218, %parallel_loop3A_219] {strides = array<i32>} : memref<200x80xf32, #tpu.memory_space<vmem>>, vector<1x16xf32>,
      %parallel_loop3A_221 = vector.shape_cast %parallel_loop3A_220 : vector<1x16xf32> to vector<16xf32>
      %parallel_loop3A_222 = arith.index_cast %parallel_loop3A_217 : i32 to index
      %parallel_loop3A_223 = arith.constant 0 : index
      %parallel_loop3A_224 = tpu.vector_load %arg14[%parallel_loop3A_222, %parallel_loop3A_223] {strides = array<i32>} : memref<200x16xf32, #tpu.memory_space<vmem>>, vector<1x16xf32>,
      %parallel_loop3A_225 = vector.shape_cast %parallel_loop3A_224 : vector<1x16xf32> to vector<16xf32>
      %parallel_loop3A_226 = arith.addf %parallel_loop3A_221, %parallel_loop3A_225 : vector<16xf32>
      %parallel_loop3A_227 = arith.constant 0.000000e+00 : f32
      %parallel_loop3A_228 = vector.broadcast %parallel_loop3A_227 : f32 to vector<16xf32>
      %parallel_loop3A_229 = arith.cmpf oge, %parallel_loop3A_226, %parallel_loop3A_228 : vector<16xf32>
      %parallel_loop3A_230 = arith.constant 2.000000e-01 : f32
      %parallel_loop3A_231 = vector.broadcast %parallel_loop3A_230 : f32 to vector<16xf32>
      %parallel_loop3A_232 = arith.mulf %parallel_loop3A_226, %parallel_loop3A_231 : vector<16xf32>
      %parallel_loop3A_233 = arith.select %parallel_loop3A_229, %parallel_loop3A_226, %parallel_loop3A_232 : vector<16xi1>, vector<16xf32>
      %parallel_loop3A_234 = math.exp %parallel_loop3A_233 : vector<16xf32>
      %parallel_loop3A_235 = arith.index_cast %parallel_loop3A_217 : i32 to index
      %parallel_loop3A_236 = arith.constant 64 : index
      %parallel_loop3A_237 = tpu.vector_load %arg15[%parallel_loop3A_235, %parallel_loop3A_236] {strides = array<i32>} : memref<200x80xf32, #tpu.memory_space<vmem>>, vector<1x16xf32>,
      %parallel_loop3A_238 = vector.shape_cast %parallel_loop3A_237 : vector<1x16xf32> to vector<16xf32>
      %parallel_loop3A_239 = vector.shape_cast %parallel_loop3A_234 : vector<16xf32> to vector<1x16xf32>
      tpu.vector_store %arg15[%parallel_loop3A_235, %parallel_loop3A_236], %parallel_loop3A_239 {strides = array<i32>} : memref<200x80xf32, #tpu.memory_space<vmem>>, vector<1x16xf32>,
      %parallel_loop3A_240 = arith.constant 0 : i32
      %parallel_loop3A_241 = arith.addi %mul3A_1, %parallel_loop3A_240 : i32
      %parallel_loop3A_242 = vector.broadcast %parallel_loop3A_241 : i32 to vector<16x1xi32>
      %parallel_loop3A_243 = vector.shape_cast %parallel_loop3A_242 : vector<16x1xi32> to vector<16xi32>
      %parallel_loop3A_244 = tpu.dynamic_gather %parallel_loop3A_234[%parallel_loop3A_243] in [0] : vector<16xf32>, vector<16xi32> -> vector<16xf32>
      %parallel_loop3A_245 = arith.index_cast %parallel_loop3A_217 : i32 to index
      %parallel_loop3A_246 = arith.constant 0 : index
      %parallel_loop3A_247 = tpu.vector_load %arg15[%parallel_loop3A_245, %parallel_loop3A_246] {strides = array<i32>} : memref<200x80xf32, #tpu.memory_space<vmem>>, vector<1x16xf32>,
      %parallel_loop3A_248 = vector.shape_cast %parallel_loop3A_247 : vector<1x16xf32> to vector<16xf32>
      %parallel_loop3A_249 = arith.mulf %parallel_loop3A_248, %parallel_loop3A_244 : vector<16xf32>
      %parallel_loop3A_250 = arith.index_cast %parallel_loop3A_217 : i32 to index
      %parallel_loop3A_251 = arith.constant 0 : index
      %parallel_loop3A_252 = tpu.vector_load %arg15[%parallel_loop3A_250, %parallel_loop3A_251] {strides = array<i32>} : memref<200x80xf32, #tpu.memory_space<vmem>>, vector<1x16xf32>,
      %parallel_loop3A_253 = vector.shape_cast %parallel_loop3A_252 : vector<1x16xf32> to vector<16xf32>
      %parallel_loop3A_254 = vector.shape_cast %parallel_loop3A_249 : vector<16xf32> to vector<1x16xf32>
      tpu.vector_store %arg15[%parallel_loop3A_250, %parallel_loop3A_251], %parallel_loop3A_254 {strides = array<i32>} : memref<200x80xf32, #tpu.memory_space<vmem>>, vector<1x16xf32>,
      %parallel_loop3A_255 = arith.constant 1 : i32
      %parallel_loop3A_256 = arith.addi %mul3A_1, %parallel_loop3A_255 : i32
      %parallel_loop3A_257 = vector.broadcast %parallel_loop3A_256 : i32 to vector<16x1xi32>
      %parallel_loop3A_258 = vector.shape_cast %parallel_loop3A_257 : vector<16x1xi32> to vector<16xi32>
      %parallel_loop3A_259 = tpu.dynamic_gather %parallel_loop3A_234[%parallel_loop3A_258] in [0] : vector<16xf32>, vector<16xi32> -> vector<16xf32>
      %parallel_loop3A_260 = arith.index_cast %parallel_loop3A_217 : i32 to index
      %parallel_loop3A_261 = arith.constant 16 : index
      %parallel_loop3A_262 = tpu.vector_load %arg15[%parallel_loop3A_260, %parallel_loop3A_261] {strides = array<i32>} : memref<200x80xf32, #tpu.memory_space<vmem>>, vector<1x16xf32>,
      %parallel_loop3A_263 = vector.shape_cast %parallel_loop3A_262 : vector<1x16xf32> to vector<16xf32>
      %parallel_loop3A_264 = arith.mulf %parallel_loop3A_263, %parallel_loop3A_259 : vector<16xf32>
      %parallel_loop3A_265 = arith.index_cast %parallel_loop3A_217 : i32 to index
      %parallel_loop3A_266 = arith.constant 16 : index
      %parallel_loop3A_267 = tpu.vector_load %arg15[%parallel_loop3A_265, %parallel_loop3A_266] {strides = array<i32>} : memref<200x80xf32, #tpu.memory_space<vmem>>, vector<1x16xf32>,
      %parallel_loop3A_268 = vector.shape_cast %parallel_loop3A_267 : vector<1x16xf32> to vector<16xf32>
      %parallel_loop3A_269 = vector.shape_cast %parallel_loop3A_264 : vector<16xf32> to vector<1x16xf32>
      tpu.vector_store %arg15[%parallel_loop3A_265, %parallel_loop3A_266], %parallel_loop3A_269 {strides = array<i32>} : memref<200x80xf32, #tpu.memory_space<vmem>>, vector<1x16xf32>,
      %parallel_loop3A_270 = arith.constant 2 : i32
      %parallel_loop3A_271 = arith.addi %mul3A_1, %parallel_loop3A_270 : i32
      %parallel_loop3A_272 = vector.broadcast %parallel_loop3A_271 : i32 to vector<16x1xi32>
      %parallel_loop3A_273 = vector.shape_cast %parallel_loop3A_272 : vector<16x1xi32> to vector<16xi32>
      %parallel_loop3A_274 = tpu.dynamic_gather %parallel_loop3A_234[%parallel_loop3A_273] in [0] : vector<16xf32>, vector<16xi32> -> vector<16xf32>
      %parallel_loop3A_275 = arith.index_cast %parallel_loop3A_217 : i32 to index
      %parallel_loop3A_276 = arith.constant 32 : index
      %parallel_loop3A_277 = tpu.vector_load %arg15[%parallel_loop3A_275, %parallel_loop3A_276] {strides = array<i32>} : memref<200x80xf32, #tpu.memory_space<vmem>>, vector<1x16xf32>,
      %parallel_loop3A_278 = vector.shape_cast %parallel_loop3A_277 : vector<1x16xf32> to vector<16xf32>
      %parallel_loop3A_279 = arith.mulf %parallel_loop3A_278, %parallel_loop3A_274 : vector<16xf32>
      %parallel_loop3A_280 = arith.index_cast %parallel_loop3A_217 : i32 to index
      %parallel_loop3A_281 = arith.constant 32 : index
      %parallel_loop3A_282 = tpu.vector_load %arg15[%parallel_loop3A_280, %parallel_loop3A_281] {strides = array<i32>} : memref<200x80xf32, #tpu.memory_space<vmem>>, vector<1x16xf32>,
      %parallel_loop3A_283 = vector.shape_cast %parallel_loop3A_282 : vector<1x16xf32> to vector<16xf32>
      %parallel_loop3A_284 = vector.shape_cast %parallel_loop3A_279 : vector<16xf32> to vector<1x16xf32>
      tpu.vector_store %arg15[%parallel_loop3A_280, %parallel_loop3A_281], %parallel_loop3A_284 {strides = array<i32>} : memref<200x80xf32, #tpu.memory_space<vmem>>, vector<1x16xf32>,
      %parallel_loop3A_285 = arith.constant 3 : i32
      %parallel_loop3A_286 = arith.addi %mul3A_1, %parallel_loop3A_285 : i32
      %parallel_loop3A_287 = vector.broadcast %parallel_loop3A_286 : i32 to vector<16x1xi32>
      %parallel_loop3A_288 = vector.shape_cast %parallel_loop3A_287 : vector<16x1xi32> to vector<16xi32>
      %parallel_loop3A_289 = tpu.dynamic_gather %parallel_loop3A_234[%parallel_loop3A_288] in [0] : vector<16xf32>, vector<16xi32> -> vector<16xf32>
      %parallel_loop3A_290 = arith.index_cast %parallel_loop3A_217 : i32 to index
      %parallel_loop3A_291 = arith.constant 48 : index
      %parallel_loop3A_292 = tpu.vector_load %arg15[%parallel_loop3A_290, %parallel_loop3A_291] {strides = array<i32>} : memref<200x80xf32, #tpu.memory_space<vmem>>, vector<1x16xf32>,
      %parallel_loop3A_293 = vector.shape_cast %parallel_loop3A_292 : vector<1x16xf32> to vector<16xf32>
      %parallel_loop3A_294 = arith.mulf %parallel_loop3A_293, %parallel_loop3A_289 : vector<16xf32>
      %parallel_loop3A_295 = arith.index_cast %parallel_loop3A_217 : i32 to index
      %parallel_loop3A_296 = arith.constant 48 : index
      %parallel_loop3A_297 = tpu.vector_load %arg15[%parallel_loop3A_295, %parallel_loop3A_296] {strides = array<i32>} : memref<200x80xf32, #tpu.memory_space<vmem>>, vector<1x16xf32>,
      %parallel_loop3A_298 = vector.shape_cast %parallel_loop3A_297 : vector<1x16xf32> to vector<16xf32>
      %parallel_loop3A_299 = vector.shape_cast %parallel_loop3A_294 : vector<16xf32> to vector<1x16xf32>
      tpu.vector_store %arg15[%parallel_loop3A_295, %parallel_loop3A_296], %parallel_loop3A_299 {strides = array<i32>} : memref<200x80xf32, #tpu.memory_space<vmem>>, vector<1x16xf32>,
    } {sc.loop_unroll_factor = 2 : i64, sc.parallel_access}
    %dma_wait3A_129 = arith.constant 0 : i32
    %dma_wait3A_130 = arith.constant 0 : i32
    %dma_wait3A_131 = tpu.memref_slice %arg29[%dma_wait3A_129, %dma_wait3A_130] : memref<10000x80xf32, #tpu.memory_space<vmem_shared>> -> memref<10000x80xf32, #tpu.memory_space<vmem_shared>>
    tpu.wait_indirect_dma semaphore(%arg26 : memref<!tpu.dma_semaphore, #tpu.memory_space<semaphore_mem>>) src(%arg11 : memref<200x80xf32, #tpu.memory_space<vmem>>) dst(%dma_wait3A_131 : memref<10000x80xf32, #tpu.memory_space<vmem_shared>>)
    %dma_start3A_132 = arith.constant 0 : i32
    %dma_start3A_133 = arith.constant 0 : i32
    %dma_start3A_134 = tpu.memref_slice %arg29[%dma_start3A_132, %dma_start3A_133] : memref<10000x80xf32, #tpu.memory_space<vmem_shared>> -> memref<10000x80xf32, #tpu.memory_space<vmem_shared>>
    tpu.enqueue_indirect_dma source(%arg15 : memref<200x80xf32, #tpu.memory_space<vmem>>) target(%dma_start3A_134 : memref<10000x80xf32, #tpu.memory_space<vmem_shared>>) offsets(%arg13 : memref<200xi32, #tpu.memory_space<vmem>>) semaphore(%arg27 : memref<!tpu.dma_semaphore, #tpu.memory_space<semaphore_mem>>) {add = true}
    %add3A_135 = arith.constant 400 : i32
    %add3A_136 = arith.addi %add3A_93, %add3A_135 : i32
    %dma_start3A_137 = tpu.memref_slice %arg2[%add3A_136] : memref<320000xi32, #tpu.memory_space<hbm>> -> memref<200xi32, #tpu.memory_space<hbm>>
    %dma_start3A_138 = tpu.memref_slice %arg2[%add3A_136] : memref<320000xi32, #tpu.memory_space<hbm>> -> memref<200xi32, #tpu.memory_space<hbm>>
    tpu.enqueue_dma source(%dma_start3A_138 : memref<200xi32, #tpu.memory_space<hbm>>) target(%arg8 : memref<200xi32, #tpu.memory_space<vmem>>) target_semaphore(%arg20 : memref<!tpu.dma_semaphore, #tpu.memory_space<semaphore_mem>>)
    %dma_start3A_139 = tpu.memref_slice %arg3[%add3A_136] : memref<320000xi32, #tpu.memory_space<hbm>> -> memref<200xi32, #tpu.memory_space<hbm>>
    %dma_start3A_140 = tpu.memref_slice %arg3[%add3A_136] : memref<320000xi32, #tpu.memory_space<hbm>> -> memref<200xi32, #tpu.memory_space<hbm>>
    tpu.enqueue_dma source(%dma_start3A_140 : memref<200xi32, #tpu.memory_space<hbm>>) target(%arg9 : memref<200xi32, #tpu.memory_space<vmem>>) target_semaphore(%arg20 : memref<!tpu.dma_semaphore, #tpu.memory_space<semaphore_mem>>)
    %add3A_141 = arith.constant 200 : i32
    %add3A_142 = arith.addi %add3A_93, %add3A_141 : i32
    %add3A_143 = arith.constant 200 : i32
    %add3A_144 = arith.addi %add3A_142, %add3A_143 : i32
    %dma_wait3A_145 = tpu.memref_slice %arg2[%add3A_144] : memref<320000xi32, #tpu.memory_space<hbm>> -> memref<200xi32, #tpu.memory_space<hbm>>
    %dma_wait3A_146 = tpu.memref_slice %arg2[%add3A_144] : memref<320000xi32, #tpu.memory_space<hbm>> -> memref<200xi32, #tpu.memory_space<hbm>>
    tpu.wait_dma2 semaphore(%arg20 : memref<!tpu.dma_semaphore, #tpu.memory_space<semaphore_mem>>) src(%dma_wait3A_146 : memref<200xi32, #tpu.memory_space<hbm>>) dst(%arg8 : memref<200xi32, #tpu.memory_space<vmem>>)
    %dma_wait3A_147 = tpu.memref_slice %arg3[%add3A_144] : memref<320000xi32, #tpu.memory_space<hbm>> -> memref<200xi32, #tpu.memory_space<hbm>>
    %dma_wait3A_148 = tpu.memref_slice %arg3[%add3A_144] : memref<320000xi32, #tpu.memory_space<hbm>> -> memref<200xi32, #tpu.memory_space<hbm>>
    tpu.wait_dma2 semaphore(%arg20 : memref<!tpu.dma_semaphore, #tpu.memory_space<semaphore_mem>>) src(%dma_wait3A_148 : memref<200xi32, #tpu.memory_space<hbm>>) dst(%arg9 : memref<200xi32, #tpu.memory_space<vmem>>)
    %dma_start3A_149 = arith.constant 0 : i32
    %dma_start3A_150 = arith.constant 0 : i32
    %dma_start3A_151 = tpu.memref_slice %arg4[%dma_start3A_149, %dma_start3A_150] : memref<10000x16xf32, #tpu.memory_space<hbm>> -> memref<10000x16xf32, #tpu.memory_space<hbm>>
    tpu.enqueue_indirect_dma source(%dma_start3A_151 : memref<10000x16xf32, #tpu.memory_space<hbm>>) target(%arg10 : memref<200x16xf32, #tpu.memory_space<vmem>>) offsets(%arg9 : memref<200xi32, #tpu.memory_space<vmem>>) semaphore(%arg23 : memref<!tpu.dma_semaphore, #tpu.memory_space<semaphore_mem>>)
    %eq3A_152 = arith.constant 0 : i32
    %eq3A_153 = arith.cmpi eq, %arg0, %eq3A_152 : i32
    %convert_element_type3A_154 = arith.extui %eq3A_153 : i1 to i32
    %cond3A_155 = arith.constant 0 : i32
    %cond3A_156 = arith.cmpi ne, %convert_element_type3A_154, %cond3A_155 : i32
    scf.if %cond3A_156 {
      %dma_start3A_217 = arith.constant 0 : i32
      %dma_start3A_218 = arith.constant 0 : i32
      %dma_start3A_219 = tpu.memref_slice %arg5[%dma_start3A_217, %dma_start3A_218] : memref<10000x80xf32, #tpu.memory_space<hbm>> -> memref<10000x80xf32, #tpu.memory_space<hbm>>
      tpu.enqueue_indirect_dma source(%dma_start3A_219 : memref<10000x80xf32, #tpu.memory_space<hbm>>) target(%arg11 : memref<200x80xf32, #tpu.memory_space<vmem>>) offsets(%arg8 : memref<200xi32, #tpu.memory_space<vmem>>) semaphore(%arg23 : memref<!tpu.dma_semaphore, #tpu.memory_space<semaphore_mem>>)
    } else {
    }
    %eq3A_157 = arith.constant 1 : i32
    %eq3A_158 = arith.cmpi eq, %arg0, %eq3A_157 : i32
    %convert_element_type3A_159 = arith.extui %eq3A_158 : i1 to i32
    %cond3A_160 = arith.constant 0 : i32
    %cond3A_161 = arith.cmpi ne, %convert_element_type3A_159, %cond3A_160 : i32
    scf.if %cond3A_161 {
      %dma_start3A_217 = arith.constant 0 : i32
      %dma_start3A_218 = arith.constant 0 : i32
      %dma_start3A_219 = tpu.memref_slice %arg6[%dma_start3A_217, %dma_start3A_218] : memref<10000x80xf32, #tpu.memory_space<hbm>> -> memref<10000x80xf32, #tpu.memory_space<hbm>>
      tpu.enqueue_indirect_dma source(%dma_start3A_219 : memref<10000x80xf32, #tpu.memory_space<hbm>>) target(%arg11 : memref<200x80xf32, #tpu.memory_space<vmem>>) offsets(%arg8 : memref<200xi32, #tpu.memory_space<vmem>>) semaphore(%arg23 : memref<!tpu.dma_semaphore, #tpu.memory_space<semaphore_mem>>)
    } else {
    }
    %dma_wait3A_162 = arith.constant 0 : i32
    %dma_wait3A_163 = arith.constant 0 : i32
    %dma_wait3A_164 = tpu.memref_slice %arg4[%dma_wait3A_162, %dma_wait3A_163] : memref<10000x16xf32, #tpu.memory_space<hbm>> -> memref<10000x16xf32, #tpu.memory_space<hbm>>
    tpu.wait_indirect_dma semaphore(%arg25 : memref<!tpu.dma_semaphore, #tpu.memory_space<semaphore_mem>>) src(%dma_wait3A_164 : memref<10000x16xf32, #tpu.memory_space<hbm>>) dst(%arg18 : memref<200x16xf32, #tpu.memory_space<vmem>>)
    %eq3A_165 = arith.constant 0 : i32
    %eq3A_166 = arith.cmpi eq, %arg0, %eq3A_165 : i32
    %convert_element_type3A_167 = arith.extui %eq3A_166 : i1 to i32
    %cond3A_168 = arith.constant 0 : i32
    %cond3A_169 = arith.cmpi ne, %convert_element_type3A_167, %cond3A_168 : i32
    scf.if %cond3A_169 {
      %dma_wait3A_217 = arith.constant 0 : i32
      %dma_wait3A_218 = arith.constant 0 : i32
      %dma_wait3A_219 = tpu.memref_slice %arg5[%dma_wait3A_217, %dma_wait3A_218] : memref<10000x80xf32, #tpu.memory_space<hbm>> -> memref<10000x80xf32, #tpu.memory_space<hbm>>
      tpu.wait_indirect_dma semaphore(%arg25 : memref<!tpu.dma_semaphore, #tpu.memory_space<semaphore_mem>>) src(%dma_wait3A_219 : memref<10000x80xf32, #tpu.memory_space<hbm>>) dst(%arg19 : memref<200x80xf32, #tpu.memory_space<vmem>>)
    } else {
    }
    %eq3A_170 = arith.constant 1 : i32
    %eq3A_171 = arith.cmpi eq, %arg0, %eq3A_170 : i32
    %convert_element_type3A_172 = arith.extui %eq3A_171 : i1 to i32
    %cond3A_173 = arith.constant 0 : i32
    %cond3A_174 = arith.cmpi ne, %convert_element_type3A_172, %cond3A_173 : i32
    scf.if %cond3A_174 {
      %dma_wait3A_217 = arith.constant 0 : i32
      %dma_wait3A_218 = arith.constant 0 : i32
      %dma_wait3A_219 = tpu.memref_slice %arg6[%dma_wait3A_217, %dma_wait3A_218] : memref<10000x80xf32, #tpu.memory_space<hbm>> -> memref<10000x80xf32, #tpu.memory_space<hbm>>
      tpu.wait_indirect_dma semaphore(%arg25 : memref<!tpu.dma_semaphore, #tpu.memory_space<semaphore_mem>>) src(%dma_wait3A_219 : memref<10000x80xf32, #tpu.memory_space<hbm>>) dst(%arg19 : memref<200x80xf32, #tpu.memory_space<vmem>>)
    } else {
    }
    %parallel_loop3A_175 = arith.constant 0 : i32
    %parallel_loop3A_176 = arith.constant 200 : i32
    %parallel_loop3A_177 = arith.constant 1 : i32
    scf.for %parallel_loop3A_217 = %parallel_loop3A_175 to %parallel_loop3A_176 step %parallel_loop3A_177  : i32 {
      %parallel_loop3A_218 = arith.index_cast %parallel_loop3A_217 : i32 to index
      %parallel_loop3A_219 = arith.constant 64 : index
      %parallel_loop3A_220 = tpu.vector_load %arg19[%parallel_loop3A_218, %parallel_loop3A_219] {strides = array<i32>} : memref<200x80xf32, #tpu.memory_space<vmem>>, vector<1x16xf32>,
      %parallel_loop3A_221 = vector.shape_cast %parallel_loop3A_220 : vector<1x16xf32> to vector<16xf32>
      %parallel_loop3A_222 = arith.index_cast %parallel_loop3A_217 : i32 to index
      %parallel_loop3A_223 = arith.constant 0 : index
      %parallel_loop3A_224 = tpu.vector_load %arg18[%parallel_loop3A_222, %parallel_loop3A_223] {strides = array<i32>} : memref<200x16xf32, #tpu.memory_space<vmem>>, vector<1x16xf32>,
      %parallel_loop3A_225 = vector.shape_cast %parallel_loop3A_224 : vector<1x16xf32> to vector<16xf32>
      %parallel_loop3A_226 = arith.addf %parallel_loop3A_221, %parallel_loop3A_225 : vector<16xf32>
      %parallel_loop3A_227 = arith.constant 0.000000e+00 : f32
      %parallel_loop3A_228 = vector.broadcast %parallel_loop3A_227 : f32 to vector<16xf32>
      %parallel_loop3A_229 = arith.cmpf oge, %parallel_loop3A_226, %parallel_loop3A_228 : vector<16xf32>
      %parallel_loop3A_230 = arith.constant 2.000000e-01 : f32
      %parallel_loop3A_231 = vector.broadcast %parallel_loop3A_230 : f32 to vector<16xf32>
      %parallel_loop3A_232 = arith.mulf %parallel_loop3A_226, %parallel_loop3A_231 : vector<16xf32>
      %parallel_loop3A_233 = arith.select %parallel_loop3A_229, %parallel_loop3A_226, %parallel_loop3A_232 : vector<16xi1>, vector<16xf32>
      %parallel_loop3A_234 = math.exp %parallel_loop3A_233 : vector<16xf32>
      %parallel_loop3A_235 = arith.index_cast %parallel_loop3A_217 : i32 to index
      %parallel_loop3A_236 = arith.constant 64 : index
      %parallel_loop3A_237 = tpu.vector_load %arg19[%parallel_loop3A_235, %parallel_loop3A_236] {strides = array<i32>} : memref<200x80xf32, #tpu.memory_space<vmem>>, vector<1x16xf32>,
      %parallel_loop3A_238 = vector.shape_cast %parallel_loop3A_237 : vector<1x16xf32> to vector<16xf32>
      %parallel_loop3A_239 = vector.shape_cast %parallel_loop3A_234 : vector<16xf32> to vector<1x16xf32>
      tpu.vector_store %arg19[%parallel_loop3A_235, %parallel_loop3A_236], %parallel_loop3A_239 {strides = array<i32>} : memref<200x80xf32, #tpu.memory_space<vmem>>, vector<1x16xf32>,
      %parallel_loop3A_240 = arith.constant 0 : i32
      %parallel_loop3A_241 = arith.addi %mul3A_1, %parallel_loop3A_240 : i32
      %parallel_loop3A_242 = vector.broadcast %parallel_loop3A_241 : i32 to vector<16x1xi32>
      %parallel_loop3A_243 = vector.shape_cast %parallel_loop3A_242 : vector<16x1xi32> to vector<16xi32>
      %parallel_loop3A_244 = tpu.dynamic_gather %parallel_loop3A_234[%parallel_loop3A_243] in [0] : vector<16xf32>, vector<16xi32> -> vector<16xf32>
      %parallel_loop3A_245 = arith.index_cast %parallel_loop3A_217 : i32 to index
      %parallel_loop3A_246 = arith.constant 0 : index
      %parallel_loop3A_247 = tpu.vector_load %arg19[%parallel_loop3A_245, %parallel_loop3A_246] {strides = array<i32>} : memref<200x80xf32, #tpu.memory_space<vmem>>, vector<1x16xf32>,
      %parallel_loop3A_248 = vector.shape_cast %parallel_loop3A_247 : vector<1x16xf32> to vector<16xf32>
      %parallel_loop3A_249 = arith.mulf %parallel_loop3A_248, %parallel_loop3A_244 : vector<16xf32>
      %parallel_loop3A_250 = arith.index_cast %parallel_loop3A_217 : i32 to index
      %parallel_loop3A_251 = arith.constant 0 : index
      %parallel_loop3A_252 = tpu.vector_load %arg19[%parallel_loop3A_250, %parallel_loop3A_251] {strides = array<i32>} : memref<200x80xf32, #tpu.memory_space<vmem>>, vector<1x16xf32>,
      %parallel_loop3A_253 = vector.shape_cast %parallel_loop3A_252 : vector<1x16xf32> to vector<16xf32>
      %parallel_loop3A_254 = vector.shape_cast %parallel_loop3A_249 : vector<16xf32> to vector<1x16xf32>
      tpu.vector_store %arg19[%parallel_loop3A_250, %parallel_loop3A_251], %parallel_loop3A_254 {strides = array<i32>} : memref<200x80xf32, #tpu.memory_space<vmem>>, vector<1x16xf32>,
      %parallel_loop3A_255 = arith.constant 1 : i32
      %parallel_loop3A_256 = arith.addi %mul3A_1, %parallel_loop3A_255 : i32
      %parallel_loop3A_257 = vector.broadcast %parallel_loop3A_256 : i32 to vector<16x1xi32>
      %parallel_loop3A_258 = vector.shape_cast %parallel_loop3A_257 : vector<16x1xi32> to vector<16xi32>
      %parallel_loop3A_259 = tpu.dynamic_gather %parallel_loop3A_234[%parallel_loop3A_258] in [0] : vector<16xf32>, vector<16xi32> -> vector<16xf32>
      %parallel_loop3A_260 = arith.index_cast %parallel_loop3A_217 : i32 to index
      %parallel_loop3A_261 = arith.constant 16 : index
      %parallel_loop3A_262 = tpu.vector_load %arg19[%parallel_loop3A_260, %parallel_loop3A_261] {strides = array<i32>} : memref<200x80xf32, #tpu.memory_space<vmem>>, vector<1x16xf32>,
      %parallel_loop3A_263 = vector.shape_cast %parallel_loop3A_262 : vector<1x16xf32> to vector<16xf32>
      %parallel_loop3A_264 = arith.mulf %parallel_loop3A_263, %parallel_loop3A_259 : vector<16xf32>
      %parallel_loop3A_265 = arith.index_cast %parallel_loop3A_217 : i32 to index
      %parallel_loop3A_266 = arith.constant 16 : index
      %parallel_loop3A_267 = tpu.vector_load %arg19[%parallel_loop3A_265, %parallel_loop3A_266] {strides = array<i32>} : memref<200x80xf32, #tpu.memory_space<vmem>>, vector<1x16xf32>,
      %parallel_loop3A_268 = vector.shape_cast %parallel_loop3A_267 : vector<1x16xf32> to vector<16xf32>
      %parallel_loop3A_269 = vector.shape_cast %parallel_loop3A_264 : vector<16xf32> to vector<1x16xf32>
      tpu.vector_store %arg19[%parallel_loop3A_265, %parallel_loop3A_266], %parallel_loop3A_269 {strides = array<i32>} : memref<200x80xf32, #tpu.memory_space<vmem>>, vector<1x16xf32>,
      %parallel_loop3A_270 = arith.constant 2 : i32
      %parallel_loop3A_271 = arith.addi %mul3A_1, %parallel_loop3A_270 : i32
      %parallel_loop3A_272 = vector.broadcast %parallel_loop3A_271 : i32 to vector<16x1xi32>
      %parallel_loop3A_273 = vector.shape_cast %parallel_loop3A_272 : vector<16x1xi32> to vector<16xi32>
      %parallel_loop3A_274 = tpu.dynamic_gather %parallel_loop3A_234[%parallel_loop3A_273] in [0] : vector<16xf32>, vector<16xi32> -> vector<16xf32>
      %parallel_loop3A_275 = arith.index_cast %parallel_loop3A_217 : i32 to index
      %parallel_loop3A_276 = arith.constant 32 : index
      %parallel_loop3A_277 = tpu.vector_load %arg19[%parallel_loop3A_275, %parallel_loop3A_276] {strides = array<i32>} : memref<200x80xf32, #tpu.memory_space<vmem>>, vector<1x16xf32>,
      %parallel_loop3A_278 = vector.shape_cast %parallel_loop3A_277 : vector<1x16xf32> to vector<16xf32>
      %parallel_loop3A_279 = arith.mulf %parallel_loop3A_278, %parallel_loop3A_274 : vector<16xf32>
      %parallel_loop3A_280 = arith.index_cast %parallel_loop3A_217 : i32 to index
      %parallel_loop3A_281 = arith.constant 32 : index
      %parallel_loop3A_282 = tpu.vector_load %arg19[%parallel_loop3A_280, %parallel_loop3A_281] {strides = array<i32>} : memref<200x80xf32, #tpu.memory_space<vmem>>, vector<1x16xf32>,
      %parallel_loop3A_283 = vector.shape_cast %parallel_loop3A_282 : vector<1x16xf32> to vector<16xf32>
      %parallel_loop3A_284 = vector.shape_cast %parallel_loop3A_279 : vector<16xf32> to vector<1x16xf32>
      tpu.vector_store %arg19[%parallel_loop3A_280, %parallel_loop3A_281], %parallel_loop3A_284 {strides = array<i32>} : memref<200x80xf32, #tpu.memory_space<vmem>>, vector<1x16xf32>,
      %parallel_loop3A_285 = arith.constant 3 : i32
      %parallel_loop3A_286 = arith.addi %mul3A_1, %parallel_loop3A_285 : i32
      %parallel_loop3A_287 = vector.broadcast %parallel_loop3A_286 : i32 to vector<16x1xi32>
      %parallel_loop3A_288 = vector.shape_cast %parallel_loop3A_287 : vector<16x1xi32> to vector<16xi32>
      %parallel_loop3A_289 = tpu.dynamic_gather %parallel_loop3A_234[%parallel_loop3A_288] in [0] : vector<16xf32>, vector<16xi32> -> vector<16xf32>
      %parallel_loop3A_290 = arith.index_cast %parallel_loop3A_217 : i32 to index
      %parallel_loop3A_291 = arith.constant 48 : index
      %parallel_loop3A_292 = tpu.vector_load %arg19[%parallel_loop3A_290, %parallel_loop3A_291] {strides = array<i32>} : memref<200x80xf32, #tpu.memory_space<vmem>>, vector<1x16xf32>,
      %parallel_loop3A_293 = vector.shape_cast %parallel_loop3A_292 : vector<1x16xf32> to vector<16xf32>
      %parallel_loop3A_294 = arith.mulf %parallel_loop3A_293, %parallel_loop3A_289 : vector<16xf32>
      %parallel_loop3A_295 = arith.index_cast %parallel_loop3A_217 : i32 to index
      %parallel_loop3A_296 = arith.constant 48 : index
      %parallel_loop3A_297 = tpu.vector_load %arg19[%parallel_loop3A_295, %parallel_loop3A_296] {strides = array<i32>} : memref<200x80xf32, #tpu.memory_space<vmem>>, vector<1x16xf32>,
      %parallel_loop3A_298 = vector.shape_cast %parallel_loop3A_297 : vector<1x16xf32> to vector<16xf32>
      %parallel_loop3A_299 = vector.shape_cast %parallel_loop3A_294 : vector<16xf32> to vector<1x16xf32>
      tpu.vector_store %arg19[%parallel_loop3A_295, %parallel_loop3A_296], %parallel_loop3A_299 {strides = array<i32>} : memref<200x80xf32, #tpu.memory_space<vmem>>, vector<1x16xf32>,
    } {sc.loop_unroll_factor = 2 : i64, sc.parallel_access}
    %dma_wait3A_178 = arith.constant 0 : i32
    %dma_wait3A_179 = arith.constant 0 : i32
    %dma_wait3A_180 = tpu.memref_slice %arg29[%dma_wait3A_178, %dma_wait3A_179] : memref<10000x80xf32, #tpu.memory_space<vmem_shared>> -> memref<10000x80xf32, #tpu.memory_space<vmem_shared>>
    tpu.wait_indirect_dma semaphore(%arg27 : memref<!tpu.dma_semaphore, #tpu.memory_space<semaphore_mem>>) src(%arg15 : memref<200x80xf32, #tpu.memory_space<vmem>>) dst(%dma_wait3A_180 : memref<10000x80xf32, #tpu.memory_space<vmem_shared>>)
    %dma_start3A_181 = arith.constant 0 : i32
    %dma_start3A_182 = arith.constant 0 : i32
    %dma_start3A_183 = tpu.memref_slice %arg29[%dma_start3A_181, %dma_start3A_182] : memref<10000x80xf32, #tpu.memory_space<vmem_shared>> -> memref<10000x80xf32, #tpu.memory_space<vmem_shared>>
    tpu.enqueue_indirect_dma source(%arg19 : memref<200x80xf32, #tpu.memory_space<vmem>>) target(%dma_start3A_183 : memref<10000x80xf32, #tpu.memory_space<vmem_shared>>) offsets(%arg17 : memref<200xi32, #tpu.memory_space<vmem>>) semaphore(%arg28 : memref<!tpu.dma_semaphore, #tpu.memory_space<semaphore_mem>>) {add = true}
    %add3A_184 = arith.constant 400 : i32
    %add3A_185 = arith.addi %add3A_93, %add3A_184 : i32
    %dma_wait3A_186 = arith.constant 0 : i32
    %dma_wait3A_187 = arith.constant 0 : i32
    %dma_wait3A_188 = tpu.memref_slice %arg4[%dma_wait3A_186, %dma_wait3A_187] : memref<10000x16xf32, #tpu.memory_space<hbm>> -> memref<10000x16xf32, #tpu.memory_space<hbm>>
    tpu.wait_indirect_dma semaphore(%arg23 : memref<!tpu.dma_semaphore, #tpu.memory_space<semaphore_mem>>) src(%dma_wait3A_188 : memref<10000x16xf32, #tpu.memory_space<hbm>>) dst(%arg10 : memref<200x16xf32, #tpu.memory_space<vmem>>)
    %eq3A_189 = arith.constant 0 : i32
    %eq3A_190 = arith.cmpi eq, %arg0, %eq3A_189 : i32
    %convert_element_type3A_191 = arith.extui %eq3A_190 : i1 to i32
    %cond3A_192 = arith.constant 0 : i32
    %cond3A_193 = arith.cmpi ne, %convert_element_type3A_191, %cond3A_192 : i32
    scf.if %cond3A_193 {
      %dma_wait3A_217 = arith.constant 0 : i32
      %dma_wait3A_218 = arith.constant 0 : i32
      %dma_wait3A_219 = tpu.memref_slice %arg5[%dma_wait3A_217, %dma_wait3A_218] : memref<10000x80xf32, #tpu.memory_space<hbm>> -> memref<10000x80xf32, #tpu.memory_space<hbm>>
      tpu.wait_indirect_dma semaphore(%arg23 : memref<!tpu.dma_semaphore, #tpu.memory_space<semaphore_mem>>) src(%dma_wait3A_219 : memref<10000x80xf32, #tpu.memory_space<hbm>>) dst(%arg11 : memref<200x80xf32, #tpu.memory_space<vmem>>)
    } else {
    }
    %eq3A_194 = arith.constant 1 : i32
    %eq3A_195 = arith.cmpi eq, %arg0, %eq3A_194 : i32
    %convert_element_type3A_196 = arith.extui %eq3A_195 : i1 to i32
    %cond3A_197 = arith.constant 0 : i32
    %cond3A_198 = arith.cmpi ne, %convert_element_type3A_196, %cond3A_197 : i32
    scf.if %cond3A_198 {
      %dma_wait3A_217 = arith.constant 0 : i32
      %dma_wait3A_218 = arith.constant 0 : i32
      %dma_wait3A_219 = tpu.memref_slice %arg6[%dma_wait3A_217, %dma_wait3A_218] : memref<10000x80xf32, #tpu.memory_space<hbm>> -> memref<10000x80xf32, #tpu.memory_space<hbm>>
      tpu.wait_indirect_dma semaphore(%arg23 : memref<!tpu.dma_semaphore, #tpu.memory_space<semaphore_mem>>) src(%dma_wait3A_219 : memref<10000x80xf32, #tpu.memory_space<hbm>>) dst(%arg11 : memref<200x80xf32, #tpu.memory_space<vmem>>)
    } else {
    }
    %parallel_loop3A_199 = arith.constant 0 : i32
    %parallel_loop3A_200 = arith.constant 200 : i32
    %parallel_loop3A_201 = arith.constant 1 : i32
    scf.for %parallel_loop3A_217 = %parallel_loop3A_199 to %parallel_loop3A_200 step %parallel_loop3A_201  : i32 {
      %parallel_loop3A_218 = arith.index_cast %parallel_loop3A_217 : i32 to index
      %parallel_loop3A_219 = arith.constant 64 : index
      %parallel_loop3A_220 = tpu.vector_load %arg11[%parallel_loop3A_218, %parallel_loop3A_219] {strides = array<i32>} : memref<200x80xf32, #tpu.memory_space<vmem>>, vector<1x16xf32>,
      %parallel_loop3A_221 = vector.shape_cast %parallel_loop3A_220 : vector<1x16xf32> to vector<16xf32>
      %parallel_loop3A_222 = arith.index_cast %parallel_loop3A_217 : i32 to index
      %parallel_loop3A_223 = arith.constant 0 : index
      %parallel_loop3A_224 = tpu.vector_load %arg10[%parallel_loop3A_222, %parallel_loop3A_223] {strides = array<i32>} : memref<200x16xf32, #tpu.memory_space<vmem>>, vector<1x16xf32>,
      %parallel_loop3A_225 = vector.shape_cast %parallel_loop3A_224 : vector<1x16xf32> to vector<16xf32>
      %parallel_loop3A_226 = arith.addf %parallel_loop3A_221, %parallel_loop3A_225 : vector<16xf32>
      %parallel_loop3A_227 = arith.constant 0.000000e+00 : f32
      %parallel_loop3A_228 = vector.broadcast %parallel_loop3A_227 : f32 to vector<16xf32>
      %parallel_loop3A_229 = arith.cmpf oge, %parallel_loop3A_226, %parallel_loop3A_228 : vector<16xf32>
      %parallel_loop3A_230 = arith.constant 2.000000e-01 : f32
      %parallel_loop3A_231 = vector.broadcast %parallel_loop3A_230 : f32 to vector<16xf32>
      %parallel_loop3A_232 = arith.mulf %parallel_loop3A_226, %parallel_loop3A_231 : vector<16xf32>
      %parallel_loop3A_233 = arith.select %parallel_loop3A_229, %parallel_loop3A_226, %parallel_loop3A_232 : vector<16xi1>, vector<16xf32>
      %parallel_loop3A_234 = math.exp %parallel_loop3A_233 : vector<16xf32>
      %parallel_loop3A_235 = arith.index_cast %parallel_loop3A_217 : i32 to index
      %parallel_loop3A_236 = arith.constant 64 : index
      %parallel_loop3A_237 = tpu.vector_load %arg11[%parallel_loop3A_235, %parallel_loop3A_236] {strides = array<i32>} : memref<200x80xf32, #tpu.memory_space<vmem>>, vector<1x16xf32>,
      %parallel_loop3A_238 = vector.shape_cast %parallel_loop3A_237 : vector<1x16xf32> to vector<16xf32>
      %parallel_loop3A_239 = vector.shape_cast %parallel_loop3A_234 : vector<16xf32> to vector<1x16xf32>
      tpu.vector_store %arg11[%parallel_loop3A_235, %parallel_loop3A_236], %parallel_loop3A_239 {strides = array<i32>} : memref<200x80xf32, #tpu.memory_space<vmem>>, vector<1x16xf32>,
      %parallel_loop3A_240 = arith.constant 0 : i32
      %parallel_loop3A_241 = arith.addi %mul3A_1, %parallel_loop3A_240 : i32
      %parallel_loop3A_242 = vector.broadcast %parallel_loop3A_241 : i32 to vector<16x1xi32>
      %parallel_loop3A_243 = vector.shape_cast %parallel_loop3A_242 : vector<16x1xi32> to vector<16xi32>
      %parallel_loop3A_244 = tpu.dynamic_gather %parallel_loop3A_234[%parallel_loop3A_243] in [0] : vector<16xf32>, vector<16xi32> -> vector<16xf32>
      %parallel_loop3A_245 = arith.index_cast %parallel_loop3A_217 : i32 to index
      %parallel_loop3A_246 = arith.constant 0 : index
      %parallel_loop3A_247 = tpu.vector_load %arg11[%parallel_loop3A_245, %parallel_loop3A_246] {strides = array<i32>} : memref<200x80xf32, #tpu.memory_space<vmem>>, vector<1x16xf32>,
      %parallel_loop3A_248 = vector.shape_cast %parallel_loop3A_247 : vector<1x16xf32> to vector<16xf32>
      %parallel_loop3A_249 = arith.mulf %parallel_loop3A_248, %parallel_loop3A_244 : vector<16xf32>
      %parallel_loop3A_250 = arith.index_cast %parallel_loop3A_217 : i32 to index
      %parallel_loop3A_251 = arith.constant 0 : index
      %parallel_loop3A_252 = tpu.vector_load %arg11[%parallel_loop3A_250, %parallel_loop3A_251] {strides = array<i32>} : memref<200x80xf32, #tpu.memory_space<vmem>>, vector<1x16xf32>,
      %parallel_loop3A_253 = vector.shape_cast %parallel_loop3A_252 : vector<1x16xf32> to vector<16xf32>
      %parallel_loop3A_254 = vector.shape_cast %parallel_loop3A_249 : vector<16xf32> to vector<1x16xf32>
      tpu.vector_store %arg11[%parallel_loop3A_250, %parallel_loop3A_251], %parallel_loop3A_254 {strides = array<i32>} : memref<200x80xf32, #tpu.memory_space<vmem>>, vector<1x16xf32>,
      %parallel_loop3A_255 = arith.constant 1 : i32
      %parallel_loop3A_256 = arith.addi %mul3A_1, %parallel_loop3A_255 : i32
      %parallel_loop3A_257 = vector.broadcast %parallel_loop3A_256 : i32 to vector<16x1xi32>
      %parallel_loop3A_258 = vector.shape_cast %parallel_loop3A_257 : vector<16x1xi32> to vector<16xi32>
      %parallel_loop3A_259 = tpu.dynamic_gather %parallel_loop3A_234[%parallel_loop3A_258] in [0] : vector<16xf32>, vector<16xi32> -> vector<16xf32>
      %parallel_loop3A_260 = arith.index_cast %parallel_loop3A_217 : i32 to index
      %parallel_loop3A_261 = arith.constant 16 : index
      %parallel_loop3A_262 = tpu.vector_load %arg11[%parallel_loop3A_260, %parallel_loop3A_261] {strides = array<i32>} : memref<200x80xf32, #tpu.memory_space<vmem>>, vector<1x16xf32>,
      %parallel_loop3A_263 = vector.shape_cast %parallel_loop3A_262 : vector<1x16xf32> to vector<16xf32>
      %parallel_loop3A_264 = arith.mulf %parallel_loop3A_263, %parallel_loop3A_259 : vector<16xf32>
      %parallel_loop3A_265 = arith.index_cast %parallel_loop3A_217 : i32 to index
      %parallel_loop3A_266 = arith.constant 16 : index
      %parallel_loop3A_267 = tpu.vector_load %arg11[%parallel_loop3A_265, %parallel_loop3A_266] {strides = array<i32>} : memref<200x80xf32, #tpu.memory_space<vmem>>, vector<1x16xf32>,
      %parallel_loop3A_268 = vector.shape_cast %parallel_loop3A_267 : vector<1x16xf32> to vector<16xf32>
      %parallel_loop3A_269 = vector.shape_cast %parallel_loop3A_264 : vector<16xf32> to vector<1x16xf32>
      tpu.vector_store %arg11[%parallel_loop3A_265, %parallel_loop3A_266], %parallel_loop3A_269 {strides = array<i32>} : memref<200x80xf32, #tpu.memory_space<vmem>>, vector<1x16xf32>,
      %parallel_loop3A_270 = arith.constant 2 : i32
      %parallel_loop3A_271 = arith.addi %mul3A_1, %parallel_loop3A_270 : i32
      %parallel_loop3A_272 = vector.broadcast %parallel_loop3A_271 : i32 to vector<16x1xi32>
      %parallel_loop3A_273 = vector.shape_cast %parallel_loop3A_272 : vector<16x1xi32> to vector<16xi32>
      %parallel_loop3A_274 = tpu.dynamic_gather %parallel_loop3A_234[%parallel_loop3A_273] in [0] : vector<16xf32>, vector<16xi32> -> vector<16xf32>
      %parallel_loop3A_275 = arith.index_cast %parallel_loop3A_217 : i32 to index
      %parallel_loop3A_276 = arith.constant 32 : index
      %parallel_loop3A_277 = tpu.vector_load %arg11[%parallel_loop3A_275, %parallel_loop3A_276] {strides = array<i32>} : memref<200x80xf32, #tpu.memory_space<vmem>>, vector<1x16xf32>,
      %parallel_loop3A_278 = vector.shape_cast %parallel_loop3A_277 : vector<1x16xf32> to vector<16xf32>
      %parallel_loop3A_279 = arith.mulf %parallel_loop3A_278, %parallel_loop3A_274 : vector<16xf32>
      %parallel_loop3A_280 = arith.index_cast %parallel_loop3A_217 : i32 to index
      %parallel_loop3A_281 = arith.constant 32 : index
      %parallel_loop3A_282 = tpu.vector_load %arg11[%parallel_loop3A_280, %parallel_loop3A_281] {strides = array<i32>} : memref<200x80xf32, #tpu.memory_space<vmem>>, vector<1x16xf32>,
      %parallel_loop3A_283 = vector.shape_cast %parallel_loop3A_282 : vector<1x16xf32> to vector<16xf32>
      %parallel_loop3A_284 = vector.shape_cast %parallel_loop3A_279 : vector<16xf32> to vector<1x16xf32>
      tpu.vector_store %arg11[%parallel_loop3A_280, %parallel_loop3A_281], %parallel_loop3A_284 {strides = array<i32>} : memref<200x80xf32, #tpu.memory_space<vmem>>, vector<1x16xf32>,
      %parallel_loop3A_285 = arith.constant 3 : i32
      %parallel_loop3A_286 = arith.addi %mul3A_1, %parallel_loop3A_285 : i32
      %parallel_loop3A_287 = vector.broadcast %parallel_loop3A_286 : i32 to vector<16x1xi32>
      %parallel_loop3A_288 = vector.shape_cast %parallel_loop3A_287 : vector<16x1xi32> to vector<16xi32>
      %parallel_loop3A_289 = tpu.dynamic_gather %parallel_loop3A_234[%parallel_loop3A_288] in [0] : vector<16xf32>, vector<16xi32> -> vector<16xf32>
      %parallel_loop3A_290 = arith.index_cast %parallel_loop3A_217 : i32 to index
      %parallel_loop3A_291 = arith.constant 48 : index
      %parallel_loop3A_292 = tpu.vector_load %arg11[%parallel_loop3A_290, %parallel_loop3A_291] {strides = array<i32>} : memref<200x80xf32, #tpu.memory_space<vmem>>, vector<1x16xf32>,
      %parallel_loop3A_293 = vector.shape_cast %parallel_loop3A_292 : vector<1x16xf32> to vector<16xf32>
      %parallel_loop3A_294 = arith.mulf %parallel_loop3A_293, %parallel_loop3A_289 : vector<16xf32>
      %parallel_loop3A_295 = arith.index_cast %parallel_loop3A_217 : i32 to index
      %parallel_loop3A_296 = arith.constant 48 : index
      %parallel_loop3A_297 = tpu.vector_load %arg11[%parallel_loop3A_295, %parallel_loop3A_296] {strides = array<i32>} : memref<200x80xf32, #tpu.memory_space<vmem>>, vector<1x16xf32>,
      %parallel_loop3A_298 = vector.shape_cast %parallel_loop3A_297 : vector<1x16xf32> to vector<16xf32>
      %parallel_loop3A_299 = vector.shape_cast %parallel_loop3A_294 : vector<16xf32> to vector<1x16xf32>
      tpu.vector_store %arg11[%parallel_loop3A_295, %parallel_loop3A_296], %parallel_loop3A_299 {strides = array<i32>} : memref<200x80xf32, #tpu.memory_space<vmem>>, vector<1x16xf32>,
    } {sc.loop_unroll_factor = 2 : i64, sc.parallel_access}
    %dma_wait3A_202 = arith.constant 0 : i32
    %dma_wait3A_203 = arith.constant 0 : i32
    %dma_wait3A_204 = tpu.memref_slice %arg29[%dma_wait3A_202, %dma_wait3A_203] : memref<10000x80xf32, #tpu.memory_space<vmem_shared>> -> memref<10000x80xf32, #tpu.memory_space<vmem_shared>>
    tpu.wait_indirect_dma semaphore(%arg28 : memref<!tpu.dma_semaphore, #tpu.memory_space<semaphore_mem>>) src(%arg19 : memref<200x80xf32, #tpu.memory_space<vmem>>) dst(%dma_wait3A_204 : memref<10000x80xf32, #tpu.memory_space<vmem_shared>>)
    %dma_start3A_205 = arith.constant 0 : i32
    %dma_start3A_206 = arith.constant 0 : i32
    %dma_start3A_207 = tpu.memref_slice %arg29[%dma_start3A_205, %dma_start3A_206] : memref<10000x80xf32, #tpu.memory_space<vmem_shared>> -> memref<10000x80xf32, #tpu.memory_space<vmem_shared>>
    tpu.enqueue_indirect_dma source(%arg11 : memref<200x80xf32, #tpu.memory_space<vmem>>) target(%dma_start3A_207 : memref<10000x80xf32, #tpu.memory_space<vmem_shared>>) offsets(%arg9 : memref<200xi32, #tpu.memory_space<vmem>>) semaphore(%arg26 : memref<!tpu.dma_semaphore, #tpu.memory_space<semaphore_mem>>) {add = true}
    %dma_wait3A_208 = arith.constant 0 : i32
    %dma_wait3A_209 = arith.constant 0 : i32
    %dma_wait3A_210 = tpu.memref_slice %arg29[%dma_wait3A_208, %dma_wait3A_209] : memref<10000x80xf32, #tpu.memory_space<vmem_shared>> -> memref<10000x80xf32, #tpu.memory_space<vmem_shared>>
    tpu.wait_indirect_dma semaphore(%arg26 : memref<!tpu.dma_semaphore, #tpu.memory_space<semaphore_mem>>) src(%arg11 : memref<200x80xf32, #tpu.memory_space<vmem>>) dst(%dma_wait3A_210 : memref<10000x80xf32, #tpu.memory_space<vmem_shared>>)
    %barrier3A_211 = arith.constant 0 : index
    tpu.barrier barrier_id(%barrier3A_211)
    "tpu.region"() ({
      %run_scoped3A = tpu.sem_alloc : memref<!tpu.dma_semaphore, #tpu.memory_space<semaphore_mem>>
      %dma_start3A_217 = arith.constant 0 : i32
      %dma_start3A_218 = tpu.memref_slice %arg7[%arg0, %mul3A_17, %dma_start3A_217] : memref<2x10000x80xf32, #tpu.memory_space<hbm>> -> memref<1x624x80xf32, #tpu.memory_space<hbm>>
      %dma_start3A_219 = tpu.memref_squeeze %dma_start3A_218 : memref<1x624x80xf32, #tpu.memory_space<hbm>> -> memref<624x80xf32, #tpu.memory_space<hbm>>
      %dma_start3A_220 = arith.constant 0 : i32
      %dma_start3A_221 = tpu.memref_slice %arg29[%mul3A_17, %dma_start3A_220] : memref<10000x80xf32, #tpu.memory_space<vmem_shared>> -> memref<624x80xf32, #tpu.memory_space<vmem_shared>>
      tpu.enqueue_dma source(%dma_start3A_221 : memref<624x80xf32, #tpu.memory_space<vmem_shared>>) target(%dma_start3A_219 : memref<624x80xf32, #tpu.memory_space<hbm>>) target_semaphore(%run_scoped3A : memref<!tpu.dma_semaphore, #tpu.memory_space<semaphore_mem>>)
      %dma_wait3A_222 = arith.constant 0 : i32
      %dma_wait3A_223 = tpu.memref_slice %arg7[%arg0, %mul3A_17, %dma_wait3A_222] : memref<2x10000x80xf32, #tpu.memory_space<hbm>> -> memref<1x624x80xf32, #tpu.memory_space<hbm>>
      %dma_wait3A_224 = tpu.memref_squeeze %dma_wait3A_223 : memref<1x624x80xf32, #tpu.memory_space<hbm>> -> memref<624x80xf32, #tpu.memory_space<hbm>>
      %dma_wait3A_225 = arith.constant 0 : i32
      %dma_wait3A_226 = tpu.memref_slice %arg29[%mul3A_17, %dma_wait3A_225] : memref<10000x80xf32, #tpu.memory_space<vmem_shared>> -> memref<624x80xf32, #tpu.memory_space<vmem_shared>>
      tpu.wait_dma2 semaphore(%run_scoped3A : memref<!tpu.dma_semaphore, #tpu.memory_space<semaphore_mem>>) src(%dma_wait3A_226 : memref<624x80xf32, #tpu.memory_space<vmem_shared>>) dst(%dma_wait3A_224 : memref<624x80xf32, #tpu.memory_space<hbm>>)
      tpu.yield
    }) : () -> ()
    %eq3A_212 = arith.constant 0 : i32
    %eq3A_213 = arith.cmpi eq, %arg1, %eq3A_212 : i32
    %convert_element_type3A_214 = arith.extui %eq3A_213 : i1 to i32
    %cond3A_215 = arith.constant 0 : i32
    %cond3A_216 = arith.cmpi ne, %convert_element_type3A_214, %cond3A_215 : i32
    scf.if %cond3A_216 {
      "tpu.region"() ({
        %run_scoped3A = tpu.sem_alloc : memref<!tpu.dma_semaphore, #tpu.memory_space<semaphore_mem>>
        %dma_start3A_217 = arith.constant 9984 : i32
        %dma_start3A_218 = arith.constant 0 : i32
        %dma_start3A_219 = tpu.memref_slice %arg7[%arg0, %dma_start3A_217, %dma_start3A_218] : memref<2x10000x80xf32, #tpu.memory_space<hbm>> -> memref<1x16x80xf32, #tpu.memory_space<hbm>>
        %dma_start3A_220 = tpu.memref_squeeze %dma_start3A_219 : memref<1x16x80xf32, #tpu.memory_space<hbm>> -> memref<16x80xf32, #tpu.memory_space<hbm>>
        %dma_start3A_221 = arith.constant 9984 : i32
        %dma_start3A_222 = arith.constant 0 : i32
        %dma_start3A_223 = tpu.memref_slice %arg29[%dma_start3A_221, %dma_start3A_222] : memref<10000x80xf32, #tpu.memory_space<vmem_shared>> -> memref<16x80xf32, #tpu.memory_space<vmem_shared>>
        tpu.enqueue_dma source(%dma_start3A_223 : memref<16x80xf32, #tpu.memory_space<vmem_shared>>) target(%dma_start3A_220 : memref<16x80xf32, #tpu.memory_space<hbm>>) target_semaphore(%run_scoped3A : memref<!tpu.dma_semaphore, #tpu.memory_space<semaphore_mem>>)
        %dma_wait3A_224 = arith.constant 9984 : i32
        %dma_wait3A_225 = arith.constant 0 : i32
        %dma_wait3A_226 = tpu.memref_slice %arg7[%arg0, %dma_wait3A_224, %dma_wait3A_225] : memref<2x10000x80xf32, #tpu.memory_space<hbm>> -> memref<1x16x80xf32, #tpu.memory_space<hbm>>
        %dma_wait3A_227 = tpu.memref_squeeze %dma_wait3A_226 : memref<1x16x80xf32, #tpu.memory_space<hbm>> -> memref<16x80xf32, #tpu.memory_space<hbm>>
        %dma_wait3A_228 = arith.constant 9984 : i32
        %dma_wait3A_229 = arith.constant 0 : i32
        %dma_wait3A_230 = tpu.memref_slice %arg29[%dma_wait3A_228, %dma_wait3A_229] : memref<10000x80xf32, #tpu.memory_space<vmem_shared>> -> memref<16x80xf32, #tpu.memory_space<vmem_shared>>
        tpu.wait_dma2 semaphore(%run_scoped3A : memref<!tpu.dma_semaphore, #tpu.memory_space<semaphore_mem>>) src(%dma_wait3A_230 : memref<16x80xf32, #tpu.memory_space<vmem_shared>>) dst(%dma_wait3A_227 : memref<16x80xf32, #tpu.memory_space<hbm>>)
        tpu.yield
      }) : () -> ()
    } else {
    }
    return
  }
}

module attributes {stable_mosaic.version = 14 : i64} {
  func.func @_front_body(%arg0: i32, %arg1: memref<1000x128xf32, #tpu.memory_space<vmem>>, %arg2: memref<128x128xf32, #tpu.memory_space<vmem>>, %arg3: memref<128x16xf32, #tpu.memory_space<vmem>>, %arg4: memref<128x16xf32, #tpu.memory_space<vmem>>, %arg5: memref<1000x80xf32, #tpu.memory_space<vmem>>, %arg6: memref<1000x80xf32, #tpu.memory_space<vmem>>, %arg7: memref<1000x16xf32, #tpu.memory_space<vmem>>) attributes {dimension_semantics = [#tpu.dimension_semantics<arbitrary>], iteration_bounds = array<i64: 10>, scalar_prefetch = 0 : i64, scratch_operands = 0 : i64, tpu.core_type = #tpu.core_type<tc>, window_params = [{transform_indices = @transform_0, window_bounds = array<i64: 1000, 128>}, {pipeline_mode = #tpu.pipeline_mode<synchronous>, transform_indices = @transform_1, window_bounds = array<i64: 128, 128>}, {pipeline_mode = #tpu.pipeline_mode<synchronous>, transform_indices = @transform_2, window_bounds = array<i64: 128, 16>}, {pipeline_mode = #tpu.pipeline_mode<synchronous>, transform_indices = @transform_3, window_bounds = array<i64: 128, 16>}, {transform_indices = @transform_4, window_bounds = array<i64: 1000, 80>}, {transform_indices = @transform_5, window_bounds = array<i64: 1000, 80>}, {transform_indices = @transform_6, window_bounds = array<i64: 1000, 16>}]} {
    %get3A = arith.constant 0 : index
    %get3A_0 = arith.constant 0 : index
    %get3A_1 = vector.load %arg1[%get3A, %get3A_0] : memref<1000x128xf32, #tpu.memory_space<vmem>>, vector<1000x128xf32>
    %get3A_2 = arith.constant 0 : index
    %get3A_3 = arith.constant 0 : index
    %get3A_4 = vector.load %arg2[%get3A_2, %get3A_3] : memref<128x128xf32, #tpu.memory_space<vmem>>, vector<128x128xf32>
    %dot_general3A = arith.constant dense<0.000000e+00> : vector<1000x128xf32>
    %dot_general3A_5 = tpu.matmul %get3A_1, %get3A_4, %dot_general3A {dimension_numbers = #tpu.dot_dimension_numbers<[1], [0], [0], [1], [0, 0, 1, 1], [], []>, transpose_lhs_hint = false} : vector<1000x128xf32>, vector<128x128xf32>, vector<1000x128xf32> -> vector<1000x128xf32>
    %get3A_6 = arith.constant 0 : index
    %get3A_7 = arith.constant 0 : index
    %get3A_8 = vector.load %arg3[%get3A_6, %get3A_7] : memref<128x16xf32, #tpu.memory_space<vmem>>, vector<128x16xf32>
    %dot_general3A_9 = arith.constant dense<0.000000e+00> : vector<1000x16xf32>
    %dot_general3A_10 = tpu.matmul %dot_general3A_5, %get3A_8, %dot_general3A_9 {dimension_numbers = #tpu.dot_dimension_numbers<[1], [0], [0], [1], [0, 0, 1, 1], [], []>, transpose_lhs_hint = false} : vector<1000x128xf32>, vector<128x16xf32>, vector<1000x16xf32> -> vector<1000x16xf32>
    %slice3A = vector.extract_strided_slice %dot_general3A_5 {offsets = [0, 0], sizes = [1000, 64], strides = [1, 1]} : vector<1000x128xf32> to vector<1000x64xf32>
    %concatenate3A = tpu.concatenate %slice3A, %dot_general3A_10 in 1 : vector<1000x64xf32>, vector<1000x16xf32> -> vector<1000x80xf32>
    %swap3A = arith.constant 0 : index
    %swap3A_11 = arith.constant 0 : index
    %swap3A_12 = vector.load %arg5[%swap3A, %swap3A_11] : memref<1000x80xf32, #tpu.memory_space<vmem>>, vector<1000x80xf32>
    tpu.vector_store %arg5[%swap3A, %swap3A_11], %concatenate3A {strides = array<i32>} : memref<1000x80xf32, #tpu.memory_space<vmem>>, vector<1000x80xf32>,
    %slice3A_13 = vector.extract_strided_slice %dot_general3A_5 {offsets = [0, 64], sizes = [1000, 64], strides = [1, 1]} : vector<1000x128xf32> to vector<1000x64xf32>
    %concatenate3A_14 = tpu.concatenate %slice3A_13, %dot_general3A_10 in 1 : vector<1000x64xf32>, vector<1000x16xf32> -> vector<1000x80xf32>
    %swap3A_15 = arith.constant 0 : index
    %swap3A_16 = arith.constant 0 : index
    %swap3A_17 = vector.load %arg6[%swap3A_15, %swap3A_16] : memref<1000x80xf32, #tpu.memory_space<vmem>>, vector<1000x80xf32>
    tpu.vector_store %arg6[%swap3A_15, %swap3A_16], %concatenate3A_14 {strides = array<i32>} : memref<1000x80xf32, #tpu.memory_space<vmem>>, vector<1000x80xf32>,
    %get3A_18 = arith.constant 0 : index
    %get3A_19 = arith.constant 0 : index
    %get3A_20 = vector.load %arg4[%get3A_18, %get3A_19] : memref<128x16xf32, #tpu.memory_space<vmem>>, vector<128x16xf32>
    %dot_general3A_21 = arith.constant dense<0.000000e+00> : vector<1000x16xf32>
    %dot_general3A_22 = tpu.matmul %dot_general3A_5, %get3A_20, %dot_general3A_21 {dimension_numbers = #tpu.dot_dimension_numbers<[1], [0], [0], [1], [0, 0, 1, 1], [], []>, transpose_lhs_hint = false} : vector<1000x128xf32>, vector<128x16xf32>, vector<1000x16xf32> -> vector<1000x16xf32>
    %swap3A_23 = arith.constant 0 : index
    %swap3A_24 = arith.constant 0 : index
    %swap3A_25 = vector.load %arg7[%swap3A_23, %swap3A_24] : memref<1000x16xf32, #tpu.memory_space<vmem>>, vector<1000x16xf32>
    tpu.vector_store %arg7[%swap3A_23, %swap3A_24], %dot_general3A_22 {strides = array<i32>} : memref<1000x16xf32, #tpu.memory_space<vmem>>, vector<1000x16xf32>,
    return
  }
  func.func @transform_0(%arg0: i32) -> (i32, i32) {
    %c0_i32 = arith.constant 0 : i32
    %c0_i32_0 = arith.constant 0 : i32
    return %arg0, %c0_i32 : i32, i32
  }
  func.func @transform_1(%arg0: i32) -> (i32, i32) {
    %c0_i32 = arith.constant 0 : i32
    %c0_i32_0 = arith.constant 0 : i32
    %c0_i32_1 = arith.constant 0 : i32
    return %c0_i32, %c0_i32_0 : i32, i32
  }
  func.func @transform_2(%arg0: i32) -> (i32, i32) {
    %c0_i32 = arith.constant 0 : i32
    %c0_i32_0 = arith.constant 0 : i32
    %c0_i32_1 = arith.constant 0 : i32
    return %c0_i32, %c0_i32_0 : i32, i32
  }
  func.func @transform_3(%arg0: i32) -> (i32, i32) {
    %c0_i32 = arith.constant 0 : i32
    %c0_i32_0 = arith.constant 0 : i32
    %c0_i32_1 = arith.constant 0 : i32
    return %c0_i32, %c0_i32_0 : i32, i32
  }
  func.func @transform_4(%arg0: i32) -> (i32, i32) {
    %c0_i32 = arith.constant 0 : i32
    %c0_i32_0 = arith.constant 0 : i32
    return %arg0, %c0_i32 : i32, i32
  }
  func.func @transform_5(%arg0: i32) -> (i32, i32) {
    %c0_i32 = arith.constant 0 : i32
    %c0_i32_0 = arith.constant 0 : i32
    return %arg0, %c0_i32 : i32, i32
  }
  func.func @transform_6(%arg0: i32) -> (i32, i32) {
    %c0_i32 = arith.constant 0 : i32
    %c0_i32_0 = arith.constant 0 : i32
    return %arg0, %c0_i32 : i32, i32
  }
}

module attributes {stable_mosaic.version = 14 : i64} {
  func.func @_epi_body(%arg0: i32, %arg1: memref<2x1000x80xf32, #tpu.memory_space<vmem>>, %arg2: memref<1000x128xf32, #tpu.memory_space<vmem>>, %arg3: memref<1x128xf32, #tpu.memory_space<vmem>>, %arg4: memref<1000x128xf32, #tpu.memory_space<vmem>>) attributes {dimension_semantics = [#tpu.dimension_semantics<arbitrary>], iteration_bounds = array<i64: 10>, scalar_prefetch = 0 : i64, scratch_operands = 0 : i64, tpu.core_type = #tpu.core_type<tc>, window_params = [{transform_indices = @transform_0, window_bounds = array<i64: 2, 1000, 80>}, {transform_indices = @transform_1, window_bounds = array<i64: 1000, 128>}, {pipeline_mode = #tpu.pipeline_mode<synchronous>, transform_indices = @transform_2, window_bounds = array<i64: 1, 128>}, {transform_indices = @transform_3, window_bounds = array<i64: 1000, 128>}]} {
    %get3A = arith.constant 0 : index
    %get3A_0 = arith.constant 0 : index
    %get3A_1 = arith.constant 0 : index
    %get3A_2 = vector.load %arg1[%get3A, %get3A_0, %get3A_1] : memref<2x1000x80xf32, #tpu.memory_space<vmem>>, vector<1x1000x80xf32>
    %get3A_3 = vector.shape_cast %get3A_2 : vector<1x1000x80xf32> to vector<1000x80xf32>
    %slice3A = vector.extract_strided_slice %get3A_3 {offsets = [0, 64], sizes = [1000, 1], strides = [1, 1]} : vector<1000x80xf32> to vector<1000x1xf32>
    %max3A = arith.constant 9.99999971E-10 : f32
    %max3A_4 = vector.broadcast %max3A : f32 to vector<1000x1xf32>
    %max3A_5 = arith.maximumf %slice3A, %max3A_4 : vector<1000x1xf32>
    %get3A_6 = arith.constant 0 : index
    %get3A_7 = arith.constant 0 : index
    %get3A_8 = arith.constant 0 : index
    %get3A_9 = vector.load %arg1[%get3A_6, %get3A_7, %get3A_8] : memref<2x1000x80xf32, #tpu.memory_space<vmem>>, vector<1x1000x80xf32>
    %get3A_10 = vector.shape_cast %get3A_9 : vector<1x1000x80xf32> to vector<1000x80xf32>
    %slice3A_11 = vector.extract_strided_slice %get3A_10 {offsets = [0, 0], sizes = [1000, 16], strides = [1, 1]} : vector<1000x80xf32> to vector<1000x16xf32>
    %div3A = vector.broadcast %max3A_5 : vector<1000x1xf32> to vector<1000x16xf32>
    %div3A_12 = arith.divf %slice3A_11, %div3A : vector<1000x16xf32>
    %get3A_13 = arith.constant 0 : index
    %get3A_14 = arith.constant 0 : index
    %get3A_15 = arith.constant 0 : index
    %get3A_16 = vector.load %arg1[%get3A_13, %get3A_14, %get3A_15] : memref<2x1000x80xf32, #tpu.memory_space<vmem>>, vector<1x1000x80xf32>
    %get3A_17 = vector.shape_cast %get3A_16 : vector<1x1000x80xf32> to vector<1000x80xf32>
    %slice3A_18 = vector.extract_strided_slice %get3A_17 {offsets = [0, 65], sizes = [1000, 1], strides = [1, 1]} : vector<1000x80xf32> to vector<1000x1xf32>
    %max3A_19 = arith.constant 9.99999971E-10 : f32
    %max3A_20 = vector.broadcast %max3A_19 : f32 to vector<1000x1xf32>
    %max3A_21 = arith.maximumf %slice3A_18, %max3A_20 : vector<1000x1xf32>
    %get3A_22 = arith.constant 0 : index
    %get3A_23 = arith.constant 0 : index
    %get3A_24 = arith.constant 0 : index
    %get3A_25 = vector.load %arg1[%get3A_22, %get3A_23, %get3A_24] : memref<2x1000x80xf32, #tpu.memory_space<vmem>>, vector<1x1000x80xf32>
    %get3A_26 = vector.shape_cast %get3A_25 : vector<1x1000x80xf32> to vector<1000x80xf32>
    %slice3A_27 = vector.extract_strided_slice %get3A_26 {offsets = [0, 16], sizes = [1000, 16], strides = [1, 1]} : vector<1000x80xf32> to vector<1000x16xf32>
    %div3A_28 = vector.broadcast %max3A_21 : vector<1000x1xf32> to vector<1000x16xf32>
    %div3A_29 = arith.divf %slice3A_27, %div3A_28 : vector<1000x16xf32>
    %get3A_30 = arith.constant 0 : index
    %get3A_31 = arith.constant 0 : index
    %get3A_32 = arith.constant 0 : index
    %get3A_33 = vector.load %arg1[%get3A_30, %get3A_31, %get3A_32] : memref<2x1000x80xf32, #tpu.memory_space<vmem>>, vector<1x1000x80xf32>
    %get3A_34 = vector.shape_cast %get3A_33 : vector<1x1000x80xf32> to vector<1000x80xf32>
    %slice3A_35 = vector.extract_strided_slice %get3A_34 {offsets = [0, 66], sizes = [1000, 1], strides = [1, 1]} : vector<1000x80xf32> to vector<1000x1xf32>
    %max3A_36 = arith.constant 9.99999971E-10 : f32
    %max3A_37 = vector.broadcast %max3A_36 : f32 to vector<1000x1xf32>
    %max3A_38 = arith.maximumf %slice3A_35, %max3A_37 : vector<1000x1xf32>
    %get3A_39 = arith.constant 0 : index
    %get3A_40 = arith.constant 0 : index
    %get3A_41 = arith.constant 0 : index
    %get3A_42 = vector.load %arg1[%get3A_39, %get3A_40, %get3A_41] : memref<2x1000x80xf32, #tpu.memory_space<vmem>>, vector<1x1000x80xf32>
    %get3A_43 = vector.shape_cast %get3A_42 : vector<1x1000x80xf32> to vector<1000x80xf32>
    %slice3A_44 = vector.extract_strided_slice %get3A_43 {offsets = [0, 32], sizes = [1000, 16], strides = [1, 1]} : vector<1000x80xf32> to vector<1000x16xf32>
    %div3A_45 = vector.broadcast %max3A_38 : vector<1000x1xf32> to vector<1000x16xf32>
    %div3A_46 = arith.divf %slice3A_44, %div3A_45 : vector<1000x16xf32>
    %get3A_47 = arith.constant 0 : index
    %get3A_48 = arith.constant 0 : index
    %get3A_49 = arith.constant 0 : index
    %get3A_50 = vector.load %arg1[%get3A_47, %get3A_48, %get3A_49] : memref<2x1000x80xf32, #tpu.memory_space<vmem>>, vector<1x1000x80xf32>
    %get3A_51 = vector.shape_cast %get3A_50 : vector<1x1000x80xf32> to vector<1000x80xf32>
    %slice3A_52 = vector.extract_strided_slice %get3A_51 {offsets = [0, 67], sizes = [1000, 1], strides = [1, 1]} : vector<1000x80xf32> to vector<1000x1xf32>
    %max3A_53 = arith.constant 9.99999971E-10 : f32
    %max3A_54 = vector.broadcast %max3A_53 : f32 to vector<1000x1xf32>
    %max3A_55 = arith.maximumf %slice3A_52, %max3A_54 : vector<1000x1xf32>
    %get3A_56 = arith.constant 0 : index
    %get3A_57 = arith.constant 0 : index
    %get3A_58 = arith.constant 0 : index
    %get3A_59 = vector.load %arg1[%get3A_56, %get3A_57, %get3A_58] : memref<2x1000x80xf32, #tpu.memory_space<vmem>>, vector<1x1000x80xf32>
    %get3A_60 = vector.shape_cast %get3A_59 : vector<1x1000x80xf32> to vector<1000x80xf32>
    %slice3A_61 = vector.extract_strided_slice %get3A_60 {offsets = [0, 48], sizes = [1000, 16], strides = [1, 1]} : vector<1000x80xf32> to vector<1000x16xf32>
    %div3A_62 = vector.broadcast %max3A_55 : vector<1000x1xf32> to vector<1000x16xf32>
    %div3A_63 = arith.divf %slice3A_61, %div3A_62 : vector<1000x16xf32>
    %get3A_64 = arith.constant 1 : index
    %get3A_65 = arith.constant 0 : index
    %get3A_66 = arith.constant 0 : index
    %get3A_67 = vector.load %arg1[%get3A_64, %get3A_65, %get3A_66] : memref<2x1000x80xf32, #tpu.memory_space<vmem>>, vector<1x1000x80xf32>
    %get3A_68 = vector.shape_cast %get3A_67 : vector<1x1000x80xf32> to vector<1000x80xf32>
    %slice3A_69 = vector.extract_strided_slice %get3A_68 {offsets = [0, 68], sizes = [1000, 1], strides = [1, 1]} : vector<1000x80xf32> to vector<1000x1xf32>
    %max3A_70 = arith.constant 9.99999971E-10 : f32
    %max3A_71 = vector.broadcast %max3A_70 : f32 to vector<1000x1xf32>
    %max3A_72 = arith.maximumf %slice3A_69, %max3A_71 : vector<1000x1xf32>
    %get3A_73 = arith.constant 1 : index
    %get3A_74 = arith.constant 0 : index
    %get3A_75 = arith.constant 0 : index
    %get3A_76 = vector.load %arg1[%get3A_73, %get3A_74, %get3A_75] : memref<2x1000x80xf32, #tpu.memory_space<vmem>>, vector<1x1000x80xf32>
    %get3A_77 = vector.shape_cast %get3A_76 : vector<1x1000x80xf32> to vector<1000x80xf32>
    %slice3A_78 = vector.extract_strided_slice %get3A_77 {offsets = [0, 0], sizes = [1000, 16], strides = [1, 1]} : vector<1000x80xf32> to vector<1000x16xf32>
    %div3A_79 = vector.broadcast %max3A_72 : vector<1000x1xf32> to vector<1000x16xf32>
    %div3A_80 = arith.divf %slice3A_78, %div3A_79 : vector<1000x16xf32>
    %get3A_81 = arith.constant 1 : index
    %get3A_82 = arith.constant 0 : index
    %get3A_83 = arith.constant 0 : index
    %get3A_84 = vector.load %arg1[%get3A_81, %get3A_82, %get3A_83] : memref<2x1000x80xf32, #tpu.memory_space<vmem>>, vector<1x1000x80xf32>
    %get3A_85 = vector.shape_cast %get3A_84 : vector<1x1000x80xf32> to vector<1000x80xf32>
    %slice3A_86 = vector.extract_strided_slice %get3A_85 {offsets = [0, 69], sizes = [1000, 1], strides = [1, 1]} : vector<1000x80xf32> to vector<1000x1xf32>
    %max3A_87 = arith.constant 9.99999971E-10 : f32
    %max3A_88 = vector.broadcast %max3A_87 : f32 to vector<1000x1xf32>
    %max3A_89 = arith.maximumf %slice3A_86, %max3A_88 : vector<1000x1xf32>
    %get3A_90 = arith.constant 1 : index
    %get3A_91 = arith.constant 0 : index
    %get3A_92 = arith.constant 0 : index
    %get3A_93 = vector.load %arg1[%get3A_90, %get3A_91, %get3A_92] : memref<2x1000x80xf32, #tpu.memory_space<vmem>>, vector<1x1000x80xf32>
    %get3A_94 = vector.shape_cast %get3A_93 : vector<1x1000x80xf32> to vector<1000x80xf32>
    %slice3A_95 = vector.extract_strided_slice %get3A_94 {offsets = [0, 16], sizes = [1000, 16], strides = [1, 1]} : vector<1000x80xf32> to vector<1000x16xf32>
    %div3A_96 = vector.broadcast %max3A_89 : vector<1000x1xf32> to vector<1000x16xf32>
    %div3A_97 = arith.divf %slice3A_95, %div3A_96 : vector<1000x16xf32>
    %get3A_98 = arith.constant 1 : index
    %get3A_99 = arith.constant 0 : index
    %get3A_100 = arith.constant 0 : index
    %get3A_101 = vector.load %arg1[%get3A_98, %get3A_99, %get3A_100] : memref<2x1000x80xf32, #tpu.memory_space<vmem>>, vector<1x1000x80xf32>
    %get3A_102 = vector.shape_cast %get3A_101 : vector<1x1000x80xf32> to vector<1000x80xf32>
    %slice3A_103 = vector.extract_strided_slice %get3A_102 {offsets = [0, 70], sizes = [1000, 1], strides = [1, 1]} : vector<1000x80xf32> to vector<1000x1xf32>
    %max3A_104 = arith.constant 9.99999971E-10 : f32
    %max3A_105 = vector.broadcast %max3A_104 : f32 to vector<1000x1xf32>
    %max3A_106 = arith.maximumf %slice3A_103, %max3A_105 : vector<1000x1xf32>
    %get3A_107 = arith.constant 1 : index
    %get3A_108 = arith.constant 0 : index
    %get3A_109 = arith.constant 0 : index
    %get3A_110 = vector.load %arg1[%get3A_107, %get3A_108, %get3A_109] : memref<2x1000x80xf32, #tpu.memory_space<vmem>>, vector<1x1000x80xf32>
    %get3A_111 = vector.shape_cast %get3A_110 : vector<1x1000x80xf32> to vector<1000x80xf32>
    %slice3A_112 = vector.extract_strided_slice %get3A_111 {offsets = [0, 32], sizes = [1000, 16], strides = [1, 1]} : vector<1000x80xf32> to vector<1000x16xf32>
    %div3A_113 = vector.broadcast %max3A_106 : vector<1000x1xf32> to vector<1000x16xf32>
    %div3A_114 = arith.divf %slice3A_112, %div3A_113 : vector<1000x16xf32>
    %get3A_115 = arith.constant 1 : index
    %get3A_116 = arith.constant 0 : index
    %get3A_117 = arith.constant 0 : index
    %get3A_118 = vector.load %arg1[%get3A_115, %get3A_116, %get3A_117] : memref<2x1000x80xf32, #tpu.memory_space<vmem>>, vector<1x1000x80xf32>
    %get3A_119 = vector.shape_cast %get3A_118 : vector<1x1000x80xf32> to vector<1000x80xf32>
    %slice3A_120 = vector.extract_strided_slice %get3A_119 {offsets = [0, 71], sizes = [1000, 1], strides = [1, 1]} : vector<1000x80xf32> to vector<1000x1xf32>
    %max3A_121 = arith.constant 9.99999971E-10 : f32
    %max3A_122 = vector.broadcast %max3A_121 : f32 to vector<1000x1xf32>
    %max3A_123 = arith.maximumf %slice3A_120, %max3A_122 : vector<1000x1xf32>
    %get3A_124 = arith.constant 1 : index
    %get3A_125 = arith.constant 0 : index
    %get3A_126 = arith.constant 0 : index
    %get3A_127 = vector.load %arg1[%get3A_124, %get3A_125, %get3A_126] : memref<2x1000x80xf32, #tpu.memory_space<vmem>>, vector<1x1000x80xf32>
    %get3A_128 = vector.shape_cast %get3A_127 : vector<1x1000x80xf32> to vector<1000x80xf32>
    %slice3A_129 = vector.extract_strided_slice %get3A_128 {offsets = [0, 48], sizes = [1000, 16], strides = [1, 1]} : vector<1000x80xf32> to vector<1000x16xf32>
    %div3A_130 = vector.broadcast %max3A_123 : vector<1000x1xf32> to vector<1000x16xf32>
    %div3A_131 = arith.divf %slice3A_129, %div3A_130 : vector<1000x16xf32>
    %concatenate3A = tpu.concatenate %div3A_12, %div3A_29, %div3A_46, %div3A_63, %div3A_80, %div3A_97, %div3A_114, %div3A_131 in 1 : vector<1000x16xf32>, vector<1000x16xf32>, vector<1000x16xf32>, vector<1000x16xf32>, vector<1000x16xf32>, vector<1000x16xf32>, vector<1000x16xf32>, vector<1000x16xf32> -> vector<1000x128xf32>
    %get3A_132 = arith.constant 0 : index
    %get3A_133 = arith.constant 0 : index
    %get3A_134 = vector.load %arg2[%get3A_132, %get3A_133] : memref<1000x128xf32, #tpu.memory_space<vmem>>, vector<1000x128xf32>
    %add3A = arith.addf %concatenate3A, %get3A_134 : vector<1000x128xf32>
    %get3A_135 = arith.constant 0 : index
    %get3A_136 = arith.constant 0 : index
    %get3A_137 = vector.load %arg3[%get3A_135, %get3A_136] : memref<1x128xf32, #tpu.memory_space<vmem>>, vector<1x128xf32>
    %add3A_138 = vector.broadcast %get3A_137 : vector<1x128xf32> to vector<1000x128xf32>
    %add3A_139 = arith.addf %add3A, %add3A_138 : vector<1000x128xf32>
    %gt3A = arith.constant 0.000000e+00 : f32
    %gt3A_140 = vector.broadcast %gt3A : f32 to vector<1000x128xf32>
    %gt3A_141 = arith.cmpf ogt, %add3A_139, %gt3A_140 : vector<1000x128xf32>
    %min3A = arith.constant 0.000000e+00 : f32
    %min3A_142 = vector.broadcast %min3A : f32 to vector<1000x128xf32>
    %min3A_143 = arith.minimumf %add3A_139, %min3A_142 : vector<1000x128xf32>
    %exp3A = math.exp %min3A_143 : vector<1000x128xf32>
    %sub3A = arith.constant 1.000000e+00 : f32
    %sub3A_144 = vector.broadcast %sub3A : f32 to vector<1000x128xf32>
    %sub3A_145 = arith.subf %exp3A, %sub3A_144 : vector<1000x128xf32>
    %select_n3A = arith.select %gt3A_141, %add3A_139, %sub3A_145 : vector<1000x128xi1>, vector<1000x128xf32>
    %swap3A = arith.constant 0 : index
    %swap3A_146 = arith.constant 0 : index
    %swap3A_147 = vector.load %arg4[%swap3A, %swap3A_146] : memref<1000x128xf32, #tpu.memory_space<vmem>>, vector<1000x128xf32>
    tpu.vector_store %arg4[%swap3A, %swap3A_146], %select_n3A {strides = array<i32>} : memref<1000x128xf32, #tpu.memory_space<vmem>>, vector<1000x128xf32>,
    return
  }
  func.func @transform_0(%arg0: i32) -> (i32, i32, i32) {
    %c0_i32 = arith.constant 0 : i32
    %c0_i32_0 = arith.constant 0 : i32
    %c0_i32_1 = arith.constant 0 : i32
    return %c0_i32, %arg0, %c0_i32_0 : i32, i32, i32
  }
  func.func @transform_1(%arg0: i32) -> (i32, i32) {
    %c0_i32 = arith.constant 0 : i32
    %c0_i32_0 = arith.constant 0 : i32
    return %arg0, %c0_i32 : i32, i32
  }
  func.func @transform_2(%arg0: i32) -> (i32, i32) {
    %c0_i32 = arith.constant 0 : i32
    %c0_i32_0 = arith.constant 0 : i32
    %c0_i32_1 = arith.constant 0 : i32
    return %c0_i32, %c0_i32_0 : i32, i32
  }
  func.func @transform_3(%arg0: i32) -> (i32, i32) {
    %c0_i32 = arith.constant 0 : i32
    %c0_i32_0 = arith.constant 0 : i32
    return %arg0, %c0_i32 : i32, i32
  }
}

</mosaic_0001>

<sc_bundles>
// kernel: kernel.5.cloned.1.call-start
scs
__scs_entry_jumppad:
0x0: {  	(pc) =	sbr.rel $0x88, $3  }
0x1: {  	(tag) =	ssettag $0x0;
	lr =	simm.s32 $0x1  }
0x2: {  	[smem:$0x3F9B] =	sst lr;
	_ =	strace $0xD0000000  }
0x3: {  	_ = 	snop  }
0x4: {  	_ = 	snop  }
0x5: {  	_ = 	snop  }
0x6: {  	_ = 	snop  }
0x7: {  	_ = 	snop  }
__scs_overlays_trampoline_lowered:
0x8: {  	[smem:$0x3FAA] =	sst s0  }
0x9: {  	[smem:$0x3FAB] =	sst s1  }
0xa: {  	[smem:$0x3FAC] =	sst s2  }
0xb: {  	[smem:$0x3FAD] =	sst s3  }
0xc: {  	[smem:$0x3FAE] =	sst s4  }
0xd: {  	[smem:$0x3FAF] =	sst s5  }
0xe: {  	[smem:$0x3FB0] =	sst s6  }
0xf: {  	[smem:$0x3FB1] =	sst s7  }
0x10: {  	[smem:$0x3FB2] =	sst s8  }
0x11: {  	[smem:$0x3FB3] =	sst s9;
	s0 =	simm.s32 @!p0 $0x0  }
0x12: {  	s1 =	sld [smem:$0x3F99];
	s0 =	simm.s32 @p0 $0x1  }
0x13: {  	[smem:$0x3FB4] =	sst s0;
	s0 =	simm.s32 @!p1 $0x0  }
0x14: {  	s2 =	sld [smem:$0x3F98];
	s0 =	simm.s32 @p1 $0x1  }
0x15: {  	[smem:$0x3FB5] =	sst s0;
	s0 =	simm.s32 @!p2 $0x0  }
0x16: {  	s3 =	sld [smem:$0x3FDB];
	s0 =	simm.s32 @p2 $0x1  }
0x17: {  	s4 =	simm.s32 $0x1BF5;
	[smem:$0x3FB7] =	sst s0  }
0x18: {  	s0 =	sld [smem:$0x3F9A];
	_ =	swait.ge [sflag:s4], $0x0  }
0x19: {  	s7 =	sld [smem:$0x3F9B]  }
0x1a: {  	s8 =	sadd.s32 $0xFFFFE003, lr  }
0x1b: {  	s9 =	sadd.s32 $0xFFFFFEF7, lr;
	s5 =	simm.s32 $0xFFFFFFFF;
	p2 =	slt.u32 s8, $0xFFFFF086  }
0x1c: {  	p1 =	slt.u32 s9, $0xF7A;
	s5 =	simm.s32 @!p2 $0x0  }
0x1d: {  	s5 =	simm.s32 @p1 $0x1;
	p0 =	seq.s32 s7, s2  }
0x1e: {  	s7 =	smul.u32 @!p0 $0xF7A, s2;
	p2 =	seq.s32 @!p0 s5, $0x0  }
0x1f: {  	s9 =	smul.u32 $0xF7A, s1;
	s8 =	simm.s32 @!p0 $0x1BF5;
	p2 =	por !p2, p0  }
0x20: {  	[sflag:s8] =	ssyncset.s32 @!p0 $0xFFFFF086;
	s6 =	sadd.s32 @!p0 s3, s7;
	s7 =	simm.s32 @!p0 $0x108  }
0x21: {  	s3 =	sadd.s32 s3, s9;
	s6 =	sadd.s32 @!p0 $0x88, s6;
	s7 =	simm.s32 @p2 $0x1082  }
0x22: {  	[simem:s7], [sflag:s8] =	dma.local @!p0 [hbm:s6], $0xF7A  }
0x23: {  	s9 =	sor.u32 $0xD0000000, s2;
	s6 =	simm.s32 $0x108;
	_ =	swait.ge @!p0 [sflag:s8], $0x0  }
0x24: {  	s3 =	sadd.s32 $0x88, s3;
	s6 =	simm.s32 @!p1 $0x1082;
	[sflag:s4] =	ssyncset.s32 $0xFFFFF086  }
0x25: {  	[simem:s6], [sflag:s4] =	dma.local [hbm:s3], $0xF7A  }
0x26: {  	[smem:$0x3F9B] =	sst s1;
	(tag) =	ssettag s2;
	_ =	strace s9  }
0x27: {  	s1 =	sld [smem:$0x3FAB]  }
0x28: {  	s2 =	sld [smem:$0x3FAC]  }
0x29: {  	s4 =	sld [smem:$0x3FAE]  }
0x2a: {  	p0 =	seq.s32 s5, $0x0;
	s5 =	sld [smem:$0x3FAF]  }
0x2b: {  	s6 =	sld [smem:$0x3FB0]  }
0x2c: {  	s7 =	sld [smem:$0x3FB1]  }
0x2d: {  	s3 =	simm.s32 $0x108;
	s8 =	sld [smem:$0x3FB2]  }
0x2e: {  	s3 =	simm.s32 @!p0 $0x1082;
	s9 =	sld [smem:$0x3FB3]  }
0x2f: {  	lr =	sadd.s32 s0, s3;
	s0 =	sld [smem:$0x3FAA]  }
0x30: {  	s3 =	sld [smem:$0x3FAD]  }
0x31: {  	[smem:$0x3FB6] =	sst s10  }
0x32: {  	s10 =	sld [smem:$0x3FB4];
	_ =	sdelay $0x3  }
0x33: {  	p0 =	seq.s32 s10, $0x1;
	s10 =	sld [smem:$0x3FB6];
	_ =	sdelay $0x3  }
0x34: {  	[smem:$0x3FB6] =	sst s10  }
0x35: {  	s10 =	sld [smem:$0x3FB5];
	_ =	sdelay $0x3  }
0x36: {  	p1 =	seq.s32 s10, $0x1;
	s10 =	sld [smem:$0x3FB6];
	_ =	sdelay $0x3  }
0x37: {  	[smem:$0x3FB6] =	sst s10  }
0x38: {  	s10 =	sld [smem:$0x3FB7]  }
0x39: {  	_ = 	snop;
	(pc) =	sbr.ind lr, $3  }
0x3a: {  	_ = 	snop  }
0x3b: {  	_ = 	snop  }
0x3c: {  	p2 =	seq.s32 s10, $0x1;
	s10 =	sld [smem:$0x3FB6]  }
0x3d: {  	_ =	shalt  }
0x3e: {  	_ =	shalt  }
0x3f: {  	_ =	shalt  }
0x40: {  	_ =	shalt  }
0x41: {  	_ =	shalt  }
0x42: {  	_ =	shalt  }
0x43: {  	_ =	shalt  }
0x44: {  	_ =	shalt  }
0x45: {  	_ =	shalt  }
0x46: {  	_ =	shalt  }
0x47: {  	_ =	shalt  }
0x48: {  	_ =	shalt  }
0x49: {  	_ =	shalt  }
0x4a: {  	_ =	shalt  }
0x4b: {  	_ =	shalt  }
0x4c: {  	_ =	shalt  }
0x4d: {  	_ =	shalt  }
0x4e: {  	_ =	shalt  }
0x4f: {  	_ =	shalt  }
0x50: {  	_ =	shalt  }
0x51: {  	_ =	shalt  }
0x52: {  	_ =	shalt  }
0x53: {  	_ =	shalt  }
0x54: {  	_ =	shalt  }
0x55: {  	_ =	shalt  }
0x56: {  	_ =	shalt  }
0x57: {  	_ =	shalt  }
0x58: {  	_ =	shalt  }
0x59: {  	_ =	shalt  }
0x5a: {  	_ =	shalt  }
0x5b: {  	_ =	shalt  }
0x5c: {  	_ =	shalt  }
0x5d: {  	_ =	shalt  }
0x5e: {  	_ =	shalt  }
0x5f: {  	_ =	shalt  }
0x60: {  	_ =	shalt  }
0x61: {  	_ =	shalt  }
0x62: {  	_ =	shalt  }
0x63: {  	_ =	shalt  }
0x64: {  	_ =	shalt  }
0x65: {  	_ =	shalt  }
0x66: {  	_ =	shalt  }
0x67: {  	_ =	shalt  }
0x68: {  	_ =	shalt  }
0x69: {  	_ =	shalt  }
0x6a: {  	_ =	shalt  }
0x6b: {  	_ =	shalt  }
0x6c: {  	_ =	shalt  }
0x6d: {  	_ =	shalt  }
0x6e: {  	_ =	shalt  }
0x6f: {  	_ =	shalt  }
0x70: {  	_ =	shalt  }
0x71: {  	_ =	shalt  }
0x72: {  	_ =	shalt  }
0x73: {  	_ =	shalt  }
0x74: {  	_ =	shalt  }
0x75: {  	_ =	shalt  }
0x76: {  	_ =	shalt  }
0x77: {  	_ =	shalt  }
0x78: {  	_ =	shalt  }
0x79: {  	_ =	shalt  }
0x7a: {  	_ =	shalt  }
0x7b: {  	_ =	shalt  }
0x7c: {  	_ =	shalt  }
0x7d: {  	_ =	shalt  }
0x7e: {  	_ =	shalt  }
0x7f: {  	_ =	shalt  }
0x80: {  	_ =	shalt  }
0x81: {  	_ =	shalt  }
0x82: {  	_ =	shalt  }
0x83: {  	_ =	shalt  }
0x84: {  	_ =	shalt  }
0x85: {  	_ =	shalt  }
0x86: {  	_ =	shalt  }
0x87: {  	_ =	shalt  }
.Lfunc_end0:
.L_simem_size_0:
called_computation_lowered:
.L_overlay_start_0:
0x88: {  	s2 =	sld [smem:$0x3FD9]  }
0x89: {  	s3 =	sld [smem:$0x3FFE];
	_ =	sdelay $0x1  }
0x8a: {  	s1 =	srdreg.scid  }
0x8b: {  	s0 =	sand.u32 $0x1, s1  }
0x8c: {  	s17 =	sshll.u32 s0, $0xA;
	s2 =	sadd.s32 s3, s2  }
0x8d: {  	s2 =	sadd.s32 s2, s17  }
0x8e: {  	[smem:$0x3FC2] =	sst s2  }
0x8f: {  	_ = 	snop  }
0x90: {  	s2 =	sld [smem:$0x3FD0];
	(tm) =	ssettm $0x1  }
0x91: {  	s18 =	sld [smem:$0x3FFB];
	_ =	sdelay $0x3  }
0x92: {  	_ =	strace s18  }
0x93: {  	s3 =	sld [smem:$0x3FFC];
	_ =	sdelay $0x3  }
0x94: {  	_ =	strace s3  }
0x95: {  	s3 =	sld [smem:$0x3FFD];
	_ =	sdelay $0x3  }
0x96: {  	_ =	strace s3  }
0x97: {  	_ =	strace $0x8FFFFFFF  }
0x98: {  	s19 =	sld [smem:$0x3FDB];
	_ =	sdelay $0x1  }
0x99: {  	s4 =	simm.s32 $_scs_section_size  }
0x9a: {  	s5 =	simm.s32 $_size__tile_overlayer_lowered;
	s6 =	simm.s32 $_tile_overlayer_lowered  }
0x9b: {  	s22 =	simm.s32 $0x1BFF;
	s21 =	sshll.u32 s6, $0x1;
	s3 =	sadd.s32 s4, s19  }
0x9c: {  	s7 =	simm.s32 $0x0;
	s20 =	sshll.u32 s5, $0x1;
	s5 =	sadd.s32 s21, s3  }
0x9d: {  	[timem:s7], [sflag:s22] =	dma.local [hbm:s5], s20  }
0x9e: {  	_ =	swait.ge [sflag:s22], s20  }
0x9f: {  	s4 =	ssub.s32 $0x0, s20;
	[sflag:s22] =	ssyncset.done $0x0  }
0xa0: {  	[sflag:s22] =	ssyncadd.s32 s4;
	_ =	sdelay $0x1  }
0xa1: {  	s23 =	simm.s32 $0x1B8B  }
0xa2: {  	_ =	swait.ge [sflag:s23], $0x1  }
0xa3: {  	[sflag:s23] =	ssyncset.done $0x0  }
0xa4: {  	s25 =	simm.s32 $0x1B8E;
	s24 =	sld [smem:$0x3FFE];
	[sflag:s23] =	ssyncadd.s32 $0xFFFFFFFF  }
0xa5: {  	s26 =	simm.s32 $execute0_lowered;
	[smem:$0x3FD2] =	sst s25  }
0xa6: {  	s5 =	sshll.u32 s26, $0x1;
	_ =	strace $0x80000046;
	[dreg:$0x1] =	wrdreg $0xFFFFFFFF  }
0xa7: {  	s28 =	simm.s32 $_size_execute0_lowered;
	s3 =	sadd.s32 s3, s5;
	[dreg:$0x0] =	wrdreg $0x0  }
0xa8: {  	s5 =	sshll.u32 s28, $0x1;
	[dreg:$0x2] =	wrdreg s3  }
0xa9: {  	[dreg:$0x3] =	wrdreg s5  }
0xaa: {  	[dreg:$0x4] =	wrdreg $0xC0  }
0xab: {  	_ =	task [dreg:s7], $0x5FFFF  }
0xac: {  	[dreg:$0x1] =	wrdreg $0xFFFFFFFF  }
0xad: {  	[dreg:$0x0] =	wrdreg $0x60  }
0xae: {  	[dreg:$0x2] =	wrdreg s24  }
0xaf: {  	[dreg:$0x3] =	wrdreg s2  }
0xb0: {  	[dreg:$0x4] =	wrdreg $0xE5B00  }
0xb1: {  	[dreg:$0x5] =	wrdreg $0x9  }
0xb2: {  	_ =	task.clear_ibuf [dreg:s7], $0x6FFFF;
	_ =	strace $0x90000046  }
0xb3: {  	s29 =	simm.s32 $0x9;
	_ =	strace $0x80000048  }
0xb4: {  	_ =	swait.ge [sflag:s29], $0x1  }
0xb5: {  	[sflag:s29] =	ssyncadd.s32 $0xFFFFFFFF  }
0xb6: {  	_ =	strace $0x90000048  }
0xb7: {  	_ =	sfence  }
0xb8: {  	s30 =	sld [smem:$0x0];
	_ =	sdelay $0x2  }
0xb9: {  	s31 =	sshll.u32 s1, $0xD;
	s1 =	sshrl.u32 s1, $0x2  }
0xba: {  	s3 =	sand.u32 $0x4000, s31;
	s1 =	sadd.s32 s1, s30  }
0xbb: {  	s0 =	sor.u32 s3, s0;
	s1 =	sshll.u32 s1, $0x11  }
0xbc: {  	s0 =	sor.u32 s1, s0  }
0xbd: {  	s0 =	sadd.s32 $0x8F2B, s0  }
0xbe: {  	[sflag:s0] =	ssyncadd.remote.s32 $0x1  }
0xbf: {  	_ =	sfence.sel $0xFFFF  }
0xc0: {  	[dreg:$0x0] =	wrdreg $0xFFFFFFFF;
	(pc) =	sbr.abs _section_cstart, $3  }
0xc1: {  	[dreg:$0x1] =	wrdreg $0xFFFFFFFF  }
0xc2: {  	_ =	task.clear_ibuf [dreg:s7], $0x2FFFF;
	_ =	strace $0x9FFFFFFF  }
0xc3: {  	(tm) =	ssettm $0x7FFFFFFF  }
tec
execute0_lowered:
.L_overlay_start_1:
0x0: {  	(tag) =	ssettag $0x1  }
0x1: {  	s0 =	rddreg [dreg:$0x0]  }
0x2: {  	s5 =	rddreg [dreg:$0x1]  }
0x3: {  	s1 =	rddreg [dreg:$0x2];
	s2 =	simm.s32 $0x0;
	s4 =	srdreg.scid  }
0x4: {  	s17 =	stileid.u32;
	s30 =	simm.s32 $0x4C90;
	s28 =	simm.s32 $0x4D58  }
0x5: {  	s29 =	simm.s32 $0xE10;
	s31 =	simm.s32 $0x1;
	[smem:$0x7FF] =	sst s2  }
0x6: {  	s3 =	sadd.s32 $0x27E00, s0;
	s8 =	sand.u32 $0x1, s4;
	s11 =	smul.u32 $0x4E20, s17  }
0x7: {  	s4 =	sadd.s32 $0x1E000, s0;
	s6 =	sadd.s32 $0x19000, s0;
	s13 =	smul.u32 $0x30C00, s17  }
0x8: {  	s7 =	sadd.s32 $0x800, s0;
	s0 =	sadd.s32 $0x31C00, s0;
	s15 =	smul.u32 $0xC300, s17  }
0x9: {  	_ =	strace $0x80000047;
	s9 =	ssub.s32 $0x2, s8;
	s24 =	smul.u32 $0xC3500, s8  }
0xa: {  	p0 =	seq.s32 s8, $0x0;
	s10 =	sshrl.u32 s9, $0x1;
	s12 =	sshrl.u32 s11, $0x3  }
0xb: {  	s23 =	sadd.s32 $0xC8, s11;
	s13 =	sshrl.u32 s13, $0x2;
	s11 =	sadd.s32 $0x4D58, s11  }
0xc: {  	s7 =	smov.u32 @p0 s5;
	p0 =	sne.s32 s17, $0x0;
	s5 =	simm.s32 $0x2  }
0xd: {  	s17 =	simm.s32 $0xA730;
	s9 =	ssub.s32 s9, s10;
	s10 =	sshll.u32 s8, $0x2  }
0xe: {  	s14 =	sadd.s32 s3, s12;
	s22 =	sadd.s32 s4, s12;
	[dreg:$0x6] =	wrdreg s23  }
0xf: {  	s13 =	sadd.s32 s13, s1;
	s8 =	sshllo.u32 s8, $0x2;
	[dreg:$0x4] =	wrdreg s14  }
0x10: {  	s12 =	sadd.s32 $0x32, s12;
	s11 =	sshrl.u32 s11, $0x3;
	[dreg:$0x5] =	wrdreg s22  }
0x11: {  	s14 =	sshrl.u32 s23, $0x3;
	s23 =	sadd.s32 s15, s1;
	s25 =	sadd.s32 $0x3E80, s13  }
0x12: {  	s26 =	sadd.s32 $0x7D00, s13;
	s13 =	sadd.s32 $0xBB80, s13;
	[dreg:$0xa] =	wrdreg s25  }
0x13: {  	s15 =	sadd.s32 s15, s24;
	s18 =	sadd.s32 s3, s12;
	[dreg:$0xb] =	wrdreg s26  }
0x14: {  	s12 =	sadd.s32 s4, s12;
	s19 =	sadd.s32 s3, s11;
	[dreg:$0xc] =	wrdreg s13  }
0x15: {  	s20 =	sadd.s32 s4, s11;
	s21 =	smax.u32 s9, $0x1;
	[dreg:$0xe] =	wrdreg s18  }
0x16: {  	s22 =	sor.u32 $0x1, s10;
	s9 =	simm.s32 $0x5AA0;
	[dreg:$0xf] =	wrdreg s12  }
0x17: {  	s11 =	simm.s32 $0x4;
	s16 =	sadd.s32 s3, s14;
	[dreg:$0x10] =	wrdreg s19  }
0x18: {  	s14 =	sadd.s32 s4, s14;
	s13 =	sshrl.u32 s15, $0x3;
	[dreg:$0x11] =	wrdreg s20  }
0x19: {  	[dreg:$0x13] =	wrdreg s21;
	s26 =	sor.u32 $0x2, s10;
	s25 =	simm.s32 $0xC8  }
0x1a: {  	s12 =	simm.s32 $0x9920;
	s15 =	simm.s32 $0x3;
	s18 =	simm.s32 $0x5  }
0x1b: {  	s19 =	simm.s32 $0x7;
	s20 =	simm.s32 $0x6;
	[dreg:$0x9] =	wrdreg s23  }
0x1c: {  	v1 =	vmov s22;
	s21 =	simm.s32 $0x8;
	s22 =	simm.s32 $0x9;
	[dreg:$0x7] =	wrdreg s16  }
0x1d: {  	[dreg:$0x8] =	wrdreg s14;
	s13 =	sadd.s32 s0, s13;
	s16 =	sshrl.u32 s24, $0x3  }
0x1e: {  	v0 =	vmov s10;
	v3 =	vmov s8;
	[dreg:$0xd] =	wrdreg s13;
	s0 =	sadd.s32 s0, s16;
	s16 =	sadd.s32 $0xC3000, s1  }
0x1f: {  	v0 =	vbroadcast v0, $0x0;
	s10 =	simm.s32 $0x0;
	v2 =	vmov s26;
	v1 =	vbroadcast v1, $0x0;
	s0 =	sadd.s32 $0x18600, s0;
	[dreg:$0x14] =	wrdreg s16  }
0x20: {  	v4 =	vimm.f32 $0.0e+00;
	v3 =	vbroadcast v3, $0x0;
	s24 =	simm.s32 $0xA;
	s14 =	simm.s32 $0x99E8;
	v2 =	vbroadcast v2, $0x0;
	[dreg:$0x12] =	wrdreg s0  }
.LBB2_1:
0x21: {  	[dreg:$0x15] =	wrdreg s10  }
0x22: {  	s0 =	rddreg [dreg:$0x4]  }
0x23: {  	[tilespmem:s2], [sflag:$0x1] =	stream.linear.gather [hbm4b:s0+s2], $0xC8, $0x38;
	[tilespmem:$0x1A900] =	vst v63  }
0x24: {  	s10 =	rddreg [dreg:$0x5]  }
0x25: {  	[tilespmem:s25], [sflag:$0x1] =	stream.linear.gather [hbm4b:s10+s2], $0xC8, $0x38;
	[tilespmem:$0x1A900] =	vst v63  }
0x26: {  	s13 =	rddreg [dreg:$0x7]  }
0x27: {  	[tilespmem:s30], [sflag:$0x2] =	stream.linear.gather [hbm4b:s13+s2], $0xC8, $0x38;
	[tilespmem:$0x1A900] =	vst v63  }
0x28: {  	s26 =	rddreg [dreg:$0x8];
	s8 =	simm.s32 $0x140;
	s0 =	simm.s32 $0x0  }
0x29: {  	[tilespmem:s28], [sflag:$0x2] =	stream.linear.gather [hbm4b:s26+s2], $0xC8, $0x38;
	[tilespmem:$0x1A900] =	vst v63  }
.LBB2_2:
0x2a: {  	p1 =	sne.s32 s8, $0xF8C0;
	[tilespmem:s0+$0xE50] =	vst v4;
	s10 =	smov.u32 s8;
	s8 =	sadd.s32 $0x140, s8  }
.Ltmp0:
0x2b: {  	[tilespmem:s0+$0xE40] =	vst v4;
	(pc) =	sbr.rel @p1 .LBB2_2-.Ltmp0, $4  }
0x2c: {  	[tilespmem:s0+$0xE30] =	vst v4  }
0x2d: {  	[tilespmem:s0+$0xE10] =	vst v4  }
0x2e: {  	[tilespmem:s0+$0xE20] =	vst v4  }
0x2f: {  	s0 =	sshra.s32 s10, $0x2  }
0x30: {  	[tilespmem:s0+$0xE50] =	vst v4  }
0x31: {  	[tilespmem:s0+$0xE40] =	vst v4  }
0x32: {  	[tilespmem:s0+$0xE30] =	vst v4  }
0x33: {  	[tilespmem:s0+$0xE10] =	vst v4  }
0x34: {  	[tilespmem:s0+$0xE20] =	vst v4  }
0x35: {  	[spmem:s23] =	stream.linear.scatter [tilespmem:s29], [sflag:$0xA], $0x3E80, $0x38;
	[tilespmem:$0x1A900] =	vst v63  }
0x36: {  	_ =	swait.ge [sflag:s24], $0x3E80  }
0x37: {  	[sflag:s24] =	ssyncset.done $0x0  }
0x38: {  	s8 =	rddreg [dreg:$0xa];
	[sflag:s24] =	ssyncadd.s32 $0xFFFFC180  }
0x39: {  	[spmem:s8] =	stream.linear.scatter [tilespmem:s29], [sflag:$0xA], $0x3E80, $0x38;
	[tilespmem:$0x1A900] =	vst v63  }
0x3a: {  	_ =	swait.ge [sflag:s24], $0x3E80  }
0x3b: {  	[sflag:s24] =	ssyncset.done $0x0  }
0x3c: {  	s10 =	rddreg [dreg:$0xb];
	[sflag:s24] =	ssyncadd.s32 $0xFFFFC180  }
0x3d: {  	[spmem:s10] =	stream.linear.scatter [tilespmem:s29], [sflag:$0xA], $0x3E80, $0x38;
	[tilespmem:$0x1A900] =	vst v63  }
0x3e: {  	_ =	swait.ge [sflag:s24], $0x3E80  }
0x3f: {  	[sflag:s24] =	ssyncset.done $0x0  }
0x40: {  	s13 =	rddreg [dreg:$0xc];
	[sflag:s24] =	ssyncadd.s32 $0xFFFFC180  }
0x41: {  	[spmem:s13] =	stream.linear.scatter [tilespmem:s29], [sflag:$0xA], $0x780, $0x38;
	[tilespmem:$0x1A900] =	vst v63  }
0x42: {  	_ =	swait.ge [sflag:s24], $0x780  }
0x43: {  	[sflag:s24] =	ssyncset.done $0x0  }
0x44: {  	s0 =	simm.s32 @!p0 $0xE10;
	[sflag:s24] =	ssyncadd.s32 $0xFFFFF880  }
0x45: {  	[spmem:s16] =	stream.linear.scatter @!p0 [tilespmem:s0], [sflag:$0xA], $0x500, $0x38;
	[tilespmem:$0x1A900] =	vst v63  }
0x46: {  	s0 =	simm.s32 @!p0 $0xA  }
0x47: {  	_ =	swait.ge @!p0 [sflag:s0], $0x500  }
0x48: {  	[sflag:s0] =	ssyncset.done @!p0 $0x0  }
0x49: {  	[sflag:s0] =	ssyncadd.s32 @!p0 $0xFFFFFB00  }
0x4a: {  	[bflag:$0x0] =	sbarrier.arrive $0xFFFF  }
0x4b: {  	_ =	swait.ge [sflag:s31], $0xC8  }
0x4c: {  	[sflag:s31] =	ssyncset.done $0x0  }
0x4d: {  	[sflag:s31] =	ssyncadd.s32 $0xFFFFFF38  }
0x4e: {  	_ =	swait.ge [sflag:s31], $0xC8  }
0x4f: {  	[sflag:s31] =	ssyncset.done $0x0  }
0x50: {  	s23 =	simm.s32 $0x190;
	[sflag:s31] =	ssyncadd.s32 $0xFFFFFF38  }
0x51: {  	[tilespmem:s23], [sflag:$0x4] =	stream.indirect.gather [hbm4b:s6+s25], $0x10, s25, s25, $0xb8;
	[tilespmem:$0x1A900] =	vst v63  }
0x52: {  	_ = 	snop  }
0x53: {  	[tilespmem:s29], [sflag:$0x4] =	stream.indirect.gather [hbm4b:s7+s25], $0x50, s2, s25, $0xb8;
	[tilespmem:$0x1A900] =	vst v63  }
0x54: {  	_ =	swait.ge [sflag:s5], $0xC8  }
0x55: {  	[sflag:s5] =	ssyncset.done $0x0  }
0x56: {  	[sflag:s5] =	ssyncadd.s32 $0xFFFFFF38  }
0x57: {  	_ =	swait.ge [sflag:s5], $0xC8  }
0x58: {  	[sflag:s5] =	ssyncset.done $0x0  }
0x59: {  	s24 =	simm.s32 $0x4E20;
	[sflag:s5] =	ssyncadd.s32 $0xFFFFFF38  }
0x5a: {  	[tilespmem:s24], [sflag:$0x5] =	stream.indirect.gather [hbm4b:s6+s25], $0x10, s28, s25, $0xb8;
	[tilespmem:$0x1A900] =	vst v63  }
0x5b: {  	_ = 	snop  }
0x5c: {  	[tilespmem:s9], [sflag:$0x5] =	stream.indirect.gather [hbm4b:s7+s25], $0x50, s30, s25, $0xb8;
	[tilespmem:$0x1A900] =	vst v63  }
0x5d: {  	_ =	swait.ge [sflag:s11], $0xC80  }
0x5e: {  	[sflag:s11] =	ssyncset.done $0x0  }
0x5f: {  	[sflag:s11] =	ssyncadd.s32 $0xFFFFF380  }
0x60: {  	_ =	swait.ge [sflag:s11], $0x3E80  }
0x61: {  	[sflag:s11] =	ssyncset.done $0x0  }
0x62: {  	s8 =	simm.s32 $0xE60;
	[sflag:s11] =	ssyncadd.s32 $0xFFFFC180  }
0x63: {  	s26 =	simm.s32 $0x1A0;
	v5 =	vld [tilespmem:s8+$0x40]  }
0x64: {  	v6 =	vld [tilespmem:s26+$0x0]  }
0x65: {  	v7 =	vld [tilespmem:s26+$0xFFFFFFF0]  }
0x66: {  	v8 =	vld [tilespmem:s8+$0xFFFFFFF0]  }
0x67: {  	v12 =	vld [tilespmem:s8+$0xFFFFFFB0]  }
0x68: {  	v13 =	vld [tilespmem:s8+$0xFFFFFFC0]  }
0x69: {  	v14 =	vld [tilespmem:s8+$0xFFFFFFD0];
	v5 =	vadd.f32 v6, v5  }
0x6a: {  	v16 =	vld [tilespmem:s8+$0xFFFFFFE0]  }
0x6b: {  	v19 =	vld [tilespmem:s8+$0x0];
	v6 =	vadd.f32 v7, v8;
	v7 =	vmul.f32 $2.000000030e-01, v5  }
0x6c: {  	s30 =	simm.s32 $0x1C0;
	v22 =	vld [tilespmem:s8+$0x10];
	vm0 =	vge.f32 v5, $0.0e+00  }
0x6d: {  	s13 =	simm.s32 $0xF00;
	v10 =	vld [tilespmem:s30+$0x0];
	v5 =	vsel vm0, v5, v7  }
0x6e: {  	v8 =	vmul.f32 $2.000000030e-01, v6;
	v7 =	vld [tilespmem:s13+$0x40];
	v5 =	vmul.f32 $1.442695020e+00, v5  }
0x6f: {  	v15 =	vld [tilespmem:s30+$0xFFFFFFF0];
	vm0 =	vge.f32 v6, $0.0e+00  }
0x70: {  	s23 =	simm.s32 $0xFA0;
	v17 =	vld [tilespmem:s13+$0xFFFFFFF0];
	v6 =	vsel vm0, v6, v8;
	(erf) = vpow2.f32 v5  }
0x71: {  	s16 =	simm.s32 $0x1E0;
	v25 =	vld [tilespmem:s23+$0x40];
	v5 =	vmul.f32 $1.442695020e+00, v6  }
0x72: {  	v27 =	vld [tilespmem:s16+$0x0]  }
0x73: {  	v23 =	vld [tilespmem:s8+$0x20];
	(erf) = vpow2.f32 v5;
	v7 =	vadd.f32 v10, v7  }
0x74: {  	v9 =	vld [tilespmem:s13+$0xFFFFFFD0]  }
0x75: {  	v18 =	vld [tilespmem:s8+$0x30];
	v10 =	vmul.f32 $2.000000030e-01, v7  }
0x76: {  	v11 =	vld [tilespmem:s13+$0x0];
	v15 =	vadd.f32 v15, v17;
	vm0 =	vge.f32 v7, $0.0e+00  }
0x77: {  	v30 =	vld [tilespmem:s23+$0xFFFFFFF0];
	v25 =	vadd.f32 v27, v25;
	v7 =	vsel vm0, v7, v10  }
0x78: {  	v21 =	vmul.f32 $2.000000030e-01, v15;
	v8 =	vld [tilespmem:s13+$0xFFFFFFB0];
	v17 =	vmul.f32 $1.442695020e+00, v7  }
0x79: {  	v62 =	vmul.f32 $2.000000030e-01, v25;
	v6 =	vld [tilespmem:s13+$0xFFFFFFC0];
	v20 =	vpop (erf)  }
0x7a: {  	v5 =	vld [tilespmem:s13+$0xFFFFFFE0];
	vm0 =	vge.f32 v15, $0.0e+00;
	(erf) = vpow2.f32 v17;
	v24 =	vperm.xlane v20, v3  }
0x7b: {  	v10 =	vld [tilespmem:s13+$0x10];
	v15 =	vsel vm0, v15, v21;
	v26 =	vperm.xlane v20, v0;
	v28 =	vperm.xlane v20, v1  }
0x7c: {  	v7 =	vld [tilespmem:s13+$0x20];
	v21 =	vpop (erf);
	v17 =	vmul.f32 v18, v24;
	v18 =	vmul.f32 $1.442695020e+00, v15  }
0x7d: {  	v27 =	vperm.xlane v20, v2;
	v24 =	vld [tilespmem:s16+$0xFFFFFFF0];
	v29 =	vperm.xlane v21, v0  }
0x7e: {  	[tilespmem:s8+$0x40] =	vst v20;
	v20 =	vld [tilespmem:s13+$0x30];
	v31 =	vperm.xlane v21, v1;
	(erf) = vpow2.f32 v18  }
0x7f: {  	v32 =	vperm.xlane v21, v2;
	v15 =	vld [tilespmem:s23+$0xFFFFFFB0];
	[tilespmem:s8+$0xFFFFFFF0] =	vst v21;
	v63 =	vmul.f32 v19, v26  }
0x80: {  	vm0 =	vge.f32 v25, $0.0e+00;
	v21 =	vperm.xlane v21, v3;
	[tilespmem:s8+$0x30] =	vst v17;
	v18 =	vld [tilespmem:s23+$0xFFFFFFC0];
	v29 =	vmul.f32 v12, v29  }
0x81: {  	v25 =	vsel vm0, v25, v62;
	v17 =	vld [tilespmem:s23+$0xFFFFFFD0];
	v13 =	vmul.f32 v13, v31;
	[tilespmem:s8+$0x0] =	vst v63  }
0x82: {  	v14 =	vmul.f32 v14, v32;
	v12 =	vld [tilespmem:s23+$0xFFFFFFE0];
	v16 =	vmul.f32 v16, v21;
	[tilespmem:s8+$0xFFFFFFB0] =	vst v29;
	v21 =	vadd.f32 v24, v30  }
0x83: {  	v25 =	vmul.f32 $1.442695020e+00, v25;
	[tilespmem:s8+$0xFFFFFFC0] =	vst v13;
	v13 =	vld [tilespmem:s23+$0x0]  }
0x84: {  	v22 =	vmul.f32 v22, v28;
	[tilespmem:s8+$0xFFFFFFD0] =	vst v14;
	v14 =	vld [tilespmem:s23+$0x10];
	v19 =	vpop (erf);
	v24 =	vmul.f32 $2.000000030e-01, v21  }
0x85: {  	s10 =	simm.s32 $0x1040;
	s0 =	simm.s32 $0x4;
	v23 =	vmul.f32 v23, v27;
	[tilespmem:s8+$0xFFFFFFE0] =	vst v16;
	v16 =	vld [tilespmem:s23+$0x20];
	vm0 =	vge.f32 v21, $0.0e+00;
	v26 =	vperm.xlane v19, v3  }
.LBB2_4:
0x86: {  	v27 =	vld [tilespmem:s10+$0x40];
	v21 =	vsel vm0, v21, v24;
	s16 =	sadd.s32 $0x20, s16;
	v24 =	vperm.xlane v19, v0;
	v28 =	vperm.xlane v19, v1;
	[tilespmem:s8+$0x10] =	vst v22  }
0x87: {  	s0 =	sadd.s32 $0x2, s0;
	v22 =	vld [tilespmem:s16+$0x0];
	(erf) = vpow2.f32 v25;
	v20 =	vmul.f32 v20, v26;
	v25 =	vpop (erf);
	[tilespmem:s8+$0x20] =	vst v23;
	s8 =	smov.u32 s13;
	s13 =	smov.u32 s23  }
0x88: {  	p1 =	slt.u32 s0, $0xC6;
	v21 =	vmul.f32 $1.442695020e+00, v21;
	s23 =	smov.u32 s10;
	v23 =	vld [tilespmem:s16+$0xFFFFFFF0];
	[tilespmem:s8+$0xFFFFFFF0] =	vst v25;
	v26 =	vperm.xlane v25, v0  }
0x89: {  	v30 =	vperm.xlane v25, v1;
	v31 =	vperm.xlane v25, v2;
	v29 =	vld [tilespmem:s10+$0xFFFFFFF0];
	[tilespmem:s8+$0x30] =	vst v20  }
0x8a: {  	v20 =	vperm.xlane v25, v3;
	v32 =	vld [tilespmem:s10+$0xFFFFFFB0];
	(erf) = vpow2.f32 v21;
	[tilespmem:s8+$0x40] =	vst v19  }
0x8b: {  	v21 =	vmul.f32 v8, v26;
	v19 =	vperm.xlane v19, v2;
	v8 =	vmov v15;
	v33 =	vld [tilespmem:s10+$0xFFFFFFC0]  }
0x8c: {  	v30 =	vmul.f32 v6, v30;
	v26 =	vmul.f32 v9, v31;
	v6 =	vmovc v18;
	v34 =	vld [tilespmem:s10+$0xFFFFFFD0];
	v25 =	vadd.f32 v22, v27  }
.Ltmp1:
0x8d: {  	v9 =	vmovc v17;
	v18 =	vmul.f32 v5, v20;
	v5 =	vmov v12;
	v27 =	vmul.f32 v11, v24;
	[tilespmem:s8+$0xFFFFFFB0] =	vst v21;
	v12 =	vld [tilespmem:s10+$0xFFFFFFE0];
	(pc) =	sbr.rel @p1 .LBB2_4-.Ltmp1, $4  }
0x8e: {  	v22 =	vmul.f32 v10, v28;
	v11 =	vmovc v13;
	v21 =	vadd.f32 v23, v29;
	v29 =	vmul.f32 $2.000000030e-01, v25;
	v20 =	vld [tilespmem:s13+$0x30];
	[tilespmem:s8+$0xFFFFFFC0] =	vst v30  }
0x8f: {  	v10 =	vmovc v14;
	vm1 =	vge.f32 v25, $0.0e+00;
	v23 =	vmul.f32 v7, v19;
	v7 =	vmovc v16;
	v13 =	vld [tilespmem:s10+$0x0];
	[tilespmem:s8+$0xFFFFFFD0] =	vst v26;
	v15 =	vmov v32  }
0x90: {  	vm0 =	vge.f32 v21, $0.0e+00;
	v24 =	vmul.f32 $2.000000030e-01, v21;
	v16 =	vsel vm1, v25, v29;
	v14 =	vld [tilespmem:s10+$0x10];
	v19 =	vpop (erf);
	[tilespmem:s8+$0xFFFFFFE0] =	vst v18  }
0x91: {  	s10 =	sadd.s32 $0xA0, s10;
	v18 =	vmovc v33;
	v25 =	vmul.f32 $1.442695020e+00, v16;
	v16 =	vld [tilespmem:s23+$0x20];
	v26 =	vperm.xlane v19, v3;
	[tilespmem:s8+$0x0] =	vst v27;
	v17 =	vmov v34  }
0x92: {  	v21 =	vsel vm0, v21, v24  }
0x93: {  	[tilespmem:s8+$0x10] =	vst v22;
	(erf) = vpow2.f32 v25;
	v21 =	vmul.f32 $1.442695020e+00, v21  }
0x94: {  	[tilespmem:s8+$0x20] =	vst v23;
	v57 =	vperm.xlane v19, v0;
	v20 =	vmul.f32 v20, v26;
	v52 =	vpop (erf)  }
0x95: {  	[tilespmem:s13+$0x40] =	vst v19;
	v53 =	vperm.xlane v52, v0;
	(erf) = vpow2.f32 v21  }
0x96: {  	[tilespmem:s13+$0xFFFFFFF0] =	vst v52;
	v54 =	vperm.xlane v52, v1;
	v11 =	vmul.f32 v11, v57  }
0x97: {  	v55 =	vperm.xlane v52, v2;
	[tilespmem:s13+$0x30] =	vst v20;
	v8 =	vmul.f32 v8, v53  }
0x98: {  	v56 =	vperm.xlane v52, v3;
	v6 =	vmul.f32 v6, v54;
	[tilespmem:s13+$0x0] =	vst v11  }
0x99: {  	v58 =	vperm.xlane v19, v1;
	v9 =	vmul.f32 v9, v55;
	[tilespmem:s13+$0xFFFFFFB0] =	vst v8  }
0x9a: {  	v59 =	vld [tilespmem:s23+$0x30];
	v5 =	vmul.f32 v5, v56;
	[tilespmem:s13+$0xFFFFFFC0] =	vst v6;
	v6 =	vperm.xlane v19, v2  }
0x9b: {  	[tilespmem:s13+$0xFFFFFFD0] =	vst v9;
	v8 =	vmul.f32 v10, v58  }
0x9c: {  	[tilespmem:s13+$0xFFFFFFE0] =	vst v5;
	v5 =	vmul.f32 v7, v6;
	v60 =	vpop (erf)  }
0x9d: {  	[tilespmem:s13+$0x10] =	vst v8;
	v6 =	vperm.xlane v60, v3  }
0x9e: {  	[tilespmem:s13+$0x20] =	vst v5;
	v63 =	vperm.xlane v60, v0;
	v7 =	vpop (erf)  }
0x9f: {  	[tilespmem:s23+$0x40] =	vst v60;
	v6 =	vmul.f32 v59, v6;
	v5 =	vperm.xlane v7, v0  }
0xa0: {  	[tilespmem:s23+$0xFFFFFFF0] =	vst v7;
	v61 =	vperm.xlane v7, v1;
	v8 =	vmul.f32 v13, v63  }
0xa1: {  	v62 =	vperm.xlane v7, v2;
	[tilespmem:s23+$0x30] =	vst v6;
	v5 =	vmul.f32 v15, v5  }
0xa2: {  	v6 =	vperm.xlane v7, v3;
	v7 =	vmul.f32 v18, v61;
	[tilespmem:s23+$0x0] =	vst v8  }
0xa3: {  	v10 =	vmul.f32 v17, v62;
	[tilespmem:s23+$0xFFFFFFB0] =	vst v5;
	v5 =	vperm.xlane v60, v1  }
0xa4: {  	v6 =	vmul.f32 v12, v6;
	[tilespmem:s23+$0xFFFFFFC0] =	vst v7;
	v7 =	vperm.xlane v60, v2  }
0xa5: {  	[tilespmem:s23+$0xFFFFFFD0] =	vst v10;
	v5 =	vmul.f32 v14, v5  }
0xa6: {  	[tilespmem:s23+$0xFFFFFFE0] =	vst v6;
	v6 =	vmul.f32 v16, v7  }
0xa7: {  	[tilespmem:s23+$0x10] =	vst v5  }
0xa8: {  	[tilespmem:s23+$0x20] =	vst v6  }
0xa9: {  	[spmem:s1] =	stream.indirect.scatter.add.f32 [tilespmem:s29], [sflag:$0x7], $0x50, s25, s25, $0xb8;
	[tilespmem:$0x1A900] =	vst v63  }
0xaa: {  	s13 =	simm.s32 $0x0;
	s0 =	rddreg [dreg:$0xe]  }
0xab: {  	[tilespmem:s12], [sflag:$0x3] =	stream.linear.gather [hbm4b:s0+s13], $0xC8, $0x38;
	[tilespmem:$0x1A900] =	vst v63  }
0xac: {  	s30 =	rddreg [dreg:$0xf]  }
0xad: {  	[tilespmem:s14], [sflag:$0x3] =	stream.linear.gather [hbm4b:s30+s13], $0xC8, $0x38;
	[tilespmem:$0x1A900] =	vst v63  }
.LBB2_6:
0xae: {  	_ =	swait.ge [sflag:s15], $0xC8  }
0xaf: {  	[sflag:s15] =	ssyncset.done $0x0  }
0xb0: {  	[sflag:s15] =	ssyncadd.s32 $0xFFFFFF38  }
0xb1: {  	_ =	swait.ge [sflag:s15], $0xC8  }
0xb2: {  	[sflag:s15] =	ssyncset.done $0x0  }
0xb3: {  	s0 =	simm.s32 $0x9AB0;
	[sflag:s15] =	ssyncadd.s32 $0xFFFFFF38  }
0xb4: {  	[tilespmem:s0], [sflag:$0x6] =	stream.indirect.gather [hbm4b:s6+s25], $0x10, s14, s25, $0xb8;
	[tilespmem:$0x1A900] =	vst v63  }
0xb5: {  	_ = 	snop  }
0xb6: {  	[tilespmem:s17], [sflag:$0x6] =	stream.indirect.gather [hbm4b:s7+s25], $0x50, s12, s25, $0xb8;
	[tilespmem:$0x1A900] =	vst v63  }
0xb7: {  	_ =	swait.ge [sflag:s18], $0xC80  }
0xb8: {  	[sflag:s18] =	ssyncset.done $0x0  }
0xb9: {  	[sflag:s18] =	ssyncadd.s32 $0xFFFFF380  }
0xba: {  	_ =	swait.ge [sflag:s18], $0x3E80  }
0xbb: {  	[sflag:s18] =	ssyncset.done $0x0  }
0xbc: {  	s8 =	simm.s32 $0x5AF0;
	[sflag:s18] =	ssyncadd.s32 $0xFFFFC180  }
0xbd: {  	s16 =	simm.s32 $0x4E30;
	v5 =	vld [tilespmem:s8+$0x40]  }
0xbe: {  	v6 =	vld [tilespmem:s16+$0x0]  }
0xbf: {  	v7 =	vld [tilespmem:s16+$0xFFFFFFF0]  }
0xc0: {  	v8 =	vld [tilespmem:s8+$0xFFFFFFF0];
	_ =	sdelay $0x1  }
0xc1: {  	v12 =	vld [tilespmem:s8+$0xFFFFFFB0]  }
0xc2: {  	v13 =	vld [tilespmem:s8+$0xFFFFFFC0];
	v5 =	vadd.f32 v6, v5  }
0xc3: {  	v14 =	vld [tilespmem:s8+$0xFFFFFFD0]  }
0xc4: {  	v16 =	vld [tilespmem:s8+$0xFFFFFFE0];
	v6 =	vadd.f32 v7, v8;
	v7 =	vmul.f32 $2.000000030e-01, v5  }
0xc5: {  	s23 =	simm.s32 $0x4E50;
	v19 =	vld [tilespmem:s8+$0x0];
	vm0 =	vge.f32 v5, $0.0e+00  }
0xc6: {  	s24 =	simm.s32 $0x5B90;
	v10 =	vld [tilespmem:s23+$0x0];
	v5 =	vsel vm0, v5, v7  }
0xc7: {  	v8 =	vmul.f32 $2.000000030e-01, v6;
	v7 =	vld [tilespmem:s24+$0x40];
	v5 =	vmul.f32 $1.442695020e+00, v5  }
0xc8: {  	v22 =	vld [tilespmem:s8+$0x10];
	vm0 =	vge.f32 v6, $0.0e+00  }
0xc9: {  	v15 =	vld [tilespmem:s23+$0xFFFFFFF0];
	v6 =	vsel vm0, v6, v8;
	(erf) = vpow2.f32 v5  }
0xca: {  	v17 =	vld [tilespmem:s24+$0xFFFFFFF0];
	v5 =	vmul.f32 $1.442695020e+00, v6  }
0xcb: {  	v23 =	vld [tilespmem:s8+$0x20]  }
0xcc: {  	s30 =	simm.s32 $0x5C30;
	v9 =	vld [tilespmem:s24+$0xFFFFFFD0];
	(erf) = vpow2.f32 v5;
	v7 =	vadd.f32 v10, v7  }
0xcd: {  	v25 =	vld [tilespmem:s30+$0x40];
	s16 =	simm.s32 $0x4E70  }
0xce: {  	v27 =	vld [tilespmem:s16+$0x0];
	v10 =	vmul.f32 $2.000000030e-01, v7  }
0xcf: {  	v18 =	vld [tilespmem:s8+$0x30];
	v15 =	vadd.f32 v15, v17;
	vm0 =	vge.f32 v7, $0.0e+00  }
0xd0: {  	v11 =	vld [tilespmem:s24+$0x0];
	v7 =	vsel vm0, v7, v10  }
0xd1: {  	v30 =	vld [tilespmem:s30+$0xFFFFFFF0];
	v21 =	vmul.f32 $2.000000030e-01, v15;
	v17 =	vmul.f32 $1.442695020e+00, v7  }
0xd2: {  	v8 =	vld [tilespmem:s24+$0xFFFFFFB0];
	v20 =	vpop (erf)  }
0xd3: {  	v25 =	vadd.f32 v27, v25;
	v6 =	vld [tilespmem:s24+$0xFFFFFFC0];
	(erf) = vpow2.f32 v17;
	v24 =	vperm.xlane v20, v3  }
0xd4: {  	v5 =	vld [tilespmem:s24+$0xFFFFFFE0];
	vm0 =	vge.f32 v15, $0.0e+00;
	v26 =	vperm.xlane v20, v0;
	v28 =	vperm.xlane v20, v1  }
0xd5: {  	v10 =	vld [tilespmem:s24+$0x10];
	v15 =	vsel vm0, v15, v21;
	v27 =	vperm.xlane v20, v2;
	v21 =	vpop (erf);
	v17 =	vmul.f32 v18, v24  }
0xd6: {  	v7 =	vld [tilespmem:s24+$0x20];
	v18 =	vmul.f32 $1.442695020e+00, v15;
	v29 =	vperm.xlane v21, v0  }
0xd7: {  	[tilespmem:s8+$0x40] =	vst v20;
	v24 =	vld [tilespmem:s16+$0xFFFFFFF0];
	v31 =	vperm.xlane v21, v1;
	v32 =	vperm.xlane v21, v2  }
0xd8: {  	v20 =	vld [tilespmem:s24+$0x30];
	[tilespmem:s8+$0xFFFFFFF0] =	vst v21;
	(erf) = vpow2.f32 v18;
	v29 =	vmul.f32 v12, v29  }
0xd9: {  	v15 =	vld [tilespmem:s30+$0xFFFFFFB0];
	v21 =	vperm.xlane v21, v3;
	[tilespmem:s8+$0x30] =	vst v17;
	v13 =	vmul.f32 v13, v31  }
0xda: {  	v62 =	vmul.f32 $2.000000030e-01, v25;
	v18 =	vld [tilespmem:s30+$0xFFFFFFC0];
	v14 =	vmul.f32 v14, v32;
	[tilespmem:s8+$0xFFFFFFB0] =	vst v29  }
0xdb: {  	vm0 =	vge.f32 v25, $0.0e+00;
	v17 =	vld [tilespmem:s30+$0xFFFFFFD0];
	v16 =	vmul.f32 v16, v21;
	[tilespmem:s8+$0xFFFFFFC0] =	vst v13  }
0xdc: {  	v25 =	vsel vm0, v25, v62;
	v12 =	vld [tilespmem:s30+$0xFFFFFFE0];
	[tilespmem:s8+$0xFFFFFFD0] =	vst v14;
	v21 =	vadd.f32 v24, v30  }
0xdd: {  	s26 =	smul.u32 $0x258, s13;
	v25 =	vmul.f32 $1.442695020e+00, v25;
	v63 =	vmul.f32 v19, v26;
	v13 =	vld [tilespmem:s30+$0x0];
	[tilespmem:s8+$0xFFFFFFE0] =	vst v16  }
0xde: {  	v22 =	vmul.f32 v22, v28;
	v14 =	vld [tilespmem:s30+$0x10];
	s10 =	rddreg [dreg:$0x6];
	v19 =	vpop (erf);
	v24 =	vmul.f32 $2.000000030e-01, v21  }
0xdf: {  	s0 =	simm.s32 $0x4;
	v23 =	vmul.f32 v23, v27;
	v16 =	vld [tilespmem:s30+$0x20];
	[tilespmem:s8+$0x0] =	vst v63;
	s23 =	sadd.s32 s26, s10;
	s10 =	simm.s32 $0x5CD0;
	vm0 =	vge.f32 v21, $0.0e+00;
	v26 =	vperm.xlane v19, v3  }
.LBB2_7:
0xe0: {  	v27 =	vld [tilespmem:s10+$0x40];
	v21 =	vsel vm0, v21, v24;
	s16 =	sadd.s32 $0x20, s16;
	v24 =	vperm.xlane v19, v0;
	v28 =	vperm.xlane v19, v1;
	[tilespmem:s8+$0x10] =	vst v22  }
0xe1: {  	s0 =	sadd.s32 $0x2, s0;
	v22 =	vld [tilespmem:s16+$0x0];
	(erf) = vpow2.f32 v25;
	v20 =	vmul.f32 v20, v26;
	v25 =	vpop (erf);
	[tilespmem:s8+$0x20] =	vst v23;
	s8 =	smov.u32 s24;
	s24 =	smov.u32 s30  }
0xe2: {  	p1 =	slt.u32 s0, $0xC6;
	v21 =	vmul.f32 $1.442695020e+00, v21;
	s30 =	smov.u32 s10;
	v23 =	vld [tilespmem:s16+$0xFFFFFFF0];
	[tilespmem:s8+$0xFFFFFFF0] =	vst v25;
	v26 =	vperm.xlane v25, v0  }
0xe3: {  	v30 =	vperm.xlane v25, v1;
	v31 =	vperm.xlane v25, v2;
	v29 =	vld [tilespmem:s10+$0xFFFFFFF0];
	[tilespmem:s8+$0x30] =	vst v20  }
0xe4: {  	v20 =	vperm.xlane v25, v3;
	v32 =	vld [tilespmem:s10+$0xFFFFFFB0];
	(erf) = vpow2.f32 v21;
	[tilespmem:s8+$0x40] =	vst v19  }
0xe5: {  	v21 =	vmul.f32 v8, v26;
	v19 =	vperm.xlane v19, v2;
	v8 =	vmov v15;
	v33 =	vld [tilespmem:s10+$0xFFFFFFC0]  }
0xe6: {  	v30 =	vmul.f32 v6, v30;
	v26 =	vmul.f32 v9, v31;
	v6 =	vmovc v18;
	v34 =	vld [tilespmem:s10+$0xFFFFFFD0];
	v25 =	vadd.f32 v22, v27  }
.Ltmp2:
0xe7: {  	v9 =	vmovc v17;
	v18 =	vmul.f32 v5, v20;
	v5 =	vmov v12;
	v27 =	vmul.f32 v11, v24;
	[tilespmem:s8+$0xFFFFFFB0] =	vst v21;
	v12 =	vld [tilespmem:s10+$0xFFFFFFE0];
	(pc) =	sbr.rel @p1 .LBB2_7-.Ltmp2, $4  }
0xe8: {  	v22 =	vmul.f32 v10, v28;
	v11 =	vmovc v13;
	v21 =	vadd.f32 v23, v29;
	v29 =	vmul.f32 $2.000000030e-01, v25;
	v20 =	vld [tilespmem:s24+$0x30];
	[tilespmem:s8+$0xFFFFFFC0] =	vst v30  }
0xe9: {  	v10 =	vmovc v14;
	vm1 =	vge.f32 v25, $0.0e+00;
	v23 =	vmul.f32 v7, v19;
	v7 =	vmovc v16;
	v13 =	vld [tilespmem:s10+$0x0];
	[tilespmem:s8+$0xFFFFFFD0] =	vst v26;
	v15 =	vmov v32  }
0xea: {  	vm0 =	vge.f32 v21, $0.0e+00;
	v24 =	vmul.f32 $2.000000030e-01, v21;
	v16 =	vsel vm1, v25, v29;
	v14 =	vld [tilespmem:s10+$0x10];
	v19 =	vpop (erf);
	[tilespmem:s8+$0xFFFFFFE0] =	vst v18  }
0xeb: {  	s10 =	sadd.s32 $0xA0, s10;
	v18 =	vmovc v33;
	v25 =	vmul.f32 $1.442695020e+00, v16;
	v16 =	vld [tilespmem:s30+$0x20];
	v26 =	vperm.xlane v19, v3;
	[tilespmem:s8+$0x0] =	vst v27;
	v17 =	vmov v34  }
0xec: {  	v21 =	vsel vm0, v21, v24  }
0xed: {  	v21 =	vmul.f32 $1.442695020e+00, v21  }
0xee: {  	[tilespmem:s8+$0x10] =	vst v22;
	(erf) = vpow2.f32 v25;
	v22 =	vpop (erf)  }
0xef: {  	[tilespmem:s8+$0x20] =	vst v23;
	v23 =	vperm.xlane v22, v0;
	(erf) = vpow2.f32 v21  }
0xf0: {  	[tilespmem:s24+$0x40] =	vst v19;
	v20 =	vmul.f32 v20, v26;
	v24 =	vperm.xlane v22, v2  }
0xf1: {  	[tilespmem:s24+$0xFFFFFFF0] =	vst v22;
	v21 =	vperm.xlane v22, v1;
	v8 =	vmul.f32 v8, v23  }
0xf2: {  	[tilespmem:s24+$0x30] =	vst v20;
	v20 =	vperm.xlane v22, v3;
	v9 =	vmul.f32 v9, v24  }
0xf3: {  	v6 =	vmul.f32 v6, v21;
	v21 =	vperm.xlane v19, v0;
	[tilespmem:s24+$0xFFFFFFB0] =	vst v8  }
0xf4: {  	v5 =	vmul.f32 v5, v20;
	v8 =	vperm.xlane v19, v1;
	[tilespmem:s24+$0xFFFFFFD0] =	vst v9  }
0xf5: {  	v20 =	vld [tilespmem:s30+$0x30];
	[tilespmem:s24+$0xFFFFFFC0] =	vst v6;
	v6 =	vperm.xlane v19, v2;
	v11 =	vmul.f32 v11, v21  }
0xf6: {  	[tilespmem:s24+$0xFFFFFFE0] =	vst v5;
	v8 =	vmul.f32 v10, v8  }
0xf7: {  	v5 =	vmul.f32 v7, v6;
	[tilespmem:s24+$0x0] =	vst v11;
	v9 =	vpop (erf)  }
0xf8: {  	[tilespmem:s24+$0x10] =	vst v8;
	v6 =	vperm.xlane v9, v3;
	v7 =	vpop (erf)  }
0xf9: {  	[tilespmem:s24+$0x20] =	vst v5;
	v5 =	vperm.xlane v7, v0  }
0xfa: {  	[tilespmem:s30+$0x40] =	vst v9;
	v6 =	vmul.f32 v20, v6;
	v8 =	vperm.xlane v7, v1  }
0xfb: {  	[tilespmem:s30+$0xFFFFFFF0] =	vst v7;
	v10 =	vperm.xlane v7, v2;
	v5 =	vmul.f32 v15, v5  }
0xfc: {  	[tilespmem:s30+$0x30] =	vst v6;
	v6 =	vperm.xlane v7, v3;
	v7 =	vmul.f32 v18, v8  }
0xfd: {  	v8 =	vperm.xlane v9, v0;
	v10 =	vmul.f32 v17, v10;
	[tilespmem:s30+$0xFFFFFFB0] =	vst v5  }
0xfe: {  	v5 =	vperm.xlane v9, v1;
	v6 =	vmul.f32 v12, v6;
	[tilespmem:s30+$0xFFFFFFC0] =	vst v7  }
0xff: {  	v7 =	vperm.xlane v9, v2;
	v8 =	vmul.f32 v13, v8;
	[tilespmem:s30+$0xFFFFFFD0] =	vst v10  }
0x100: {  	v5 =	vmul.f32 v14, v5;
	[tilespmem:s30+$0xFFFFFFE0] =	vst v6  }
0x101: {  	v6 =	vmul.f32 v16, v7;
	[tilespmem:s30+$0x0] =	vst v8  }
0x102: {  	[tilespmem:s30+$0x10] =	vst v5  }
0x103: {  	[tilespmem:s30+$0x20] =	vst v6  }
0x104: {  	_ =	swait.ge [sflag:s19], $0x3E80  }
0x105: {  	s24 =	sshrl.u32 s23, $0x3;
	[sflag:s19] =	ssyncset.done $0x0  }
0x106: {  	s0 =	sadd.s32 $0x32, s24;
	[sflag:s19] =	ssyncadd.s32 $0xFFFFC180  }
0x107: {  	[spmem:s1] =	stream.indirect.scatter.add.f32 [tilespmem:s9], [sflag:$0x8], $0x50, s28, s25, $0xb8;
	[tilespmem:$0x1A900] =	vst v63  }
0x108: {  	s26 =	sadd.s32 s3, s0  }
0x109: {  	[tilespmem:s2], [sflag:$0x1] =	stream.linear.gather [hbm4b:s26+s2], $0xC8, $0x38;
	[tilespmem:$0x1A900] =	vst v63  }
0x10a: {  	s0 =	sadd.s32 s4, s0  }
0x10b: {  	[tilespmem:s25], [sflag:$0x1] =	stream.linear.gather [hbm4b:s0+s2], $0xC8, $0x38;
	[tilespmem:$0x1A900] =	vst v63  }
0x10c: {  	_ =	swait.ge [sflag:s31], $0xC8  }
0x10d: {  	[sflag:s31] =	ssyncset.done $0x0  }
0x10e: {  	[sflag:s31] =	ssyncadd.s32 $0xFFFFFF38  }
0x10f: {  	_ =	swait.ge [sflag:s31], $0xC8  }
0x110: {  	[sflag:s31] =	ssyncset.done $0x0  }
0x111: {  	s8 =	simm.s32 $0x190;
	[sflag:s31] =	ssyncadd.s32 $0xFFFFFF38  }
0x112: {  	[tilespmem:s8], [sflag:$0x4] =	stream.indirect.gather [hbm4b:s6+s25], $0x10, s25, s25, $0xb8;
	[tilespmem:$0x1A900] =	vst v63  }
0x113: {  	_ = 	snop  }
0x114: {  	[tilespmem:s29], [sflag:$0x4] =	stream.indirect.gather [hbm4b:s7+s25], $0x50, s2, s25, $0xb8;
	[tilespmem:$0x1A900] =	vst v63  }
0x115: {  	_ =	swait.ge [sflag:s20], $0xC80  }
0x116: {  	[sflag:s20] =	ssyncset.done $0x0  }
0x117: {  	[sflag:s20] =	ssyncadd.s32 $0xFFFFF380  }
0x118: {  	_ =	swait.ge [sflag:s20], $0x3E80  }
0x119: {  	[sflag:s20] =	ssyncset.done $0x0  }
0x11a: {  	s16 =	simm.s32 $0xA780;
	[sflag:s20] =	ssyncadd.s32 $0xFFFFC180  }
0x11b: {  	s10 =	simm.s32 $0x9AC0;
	v5 =	vld [tilespmem:s16+$0x40]  }
0x11c: {  	v6 =	vld [tilespmem:s10+$0x0]  }
0x11d: {  	v7 =	vld [tilespmem:s10+$0xFFFFFFF0]  }
0x11e: {  	v8 =	vld [tilespmem:s16+$0xFFFFFFF0]  }
0x11f: {  	v12 =	vld [tilespmem:s16+$0xFFFFFFB0]  }
0x120: {  	v13 =	vld [tilespmem:s16+$0xFFFFFFC0]  }
0x121: {  	v14 =	vld [tilespmem:s16+$0xFFFFFFD0];
	v5 =	vadd.f32 v6, v5  }
0x122: {  	v16 =	vld [tilespmem:s16+$0xFFFFFFE0]  }
0x123: {  	v19 =	vld [tilespmem:s16+$0x0];
	v6 =	vadd.f32 v7, v8;
	v7 =	vmul.f32 $2.000000030e-01, v5  }
0x124: {  	s26 =	simm.s32 $0x9AE0;
	v22 =	vld [tilespmem:s16+$0x10];
	vm0 =	vge.f32 v5, $0.0e+00  }
0x125: {  	s30 =	simm.s32 $0xA820;
	v10 =	vld [tilespmem:s26+$0x0];
	v5 =	vsel vm0, v5, v7  }
0x126: {  	v8 =	vmul.f32 $2.000000030e-01, v6;
	v7 =	vld [tilespmem:s30+$0x40];
	v5 =	vmul.f32 $1.442695020e+00, v5  }
0x127: {  	v15 =	vld [tilespmem:s26+$0xFFFFFFF0];
	vm0 =	vge.f32 v6, $0.0e+00  }
0x128: {  	s8 =	simm.s32 $0xA8C0;
	v17 =	vld [tilespmem:s30+$0xFFFFFFF0];
	v6 =	vsel vm0, v6, v8;
	(erf) = vpow2.f32 v5  }
0x129: {  	s0 =	simm.s32 $0x9B00;
	v25 =	vld [tilespmem:s8+$0x40];
	v5 =	vmul.f32 $1.442695020e+00, v6  }
0x12a: {  	v27 =	vld [tilespmem:s0+$0x0]  }
0x12b: {  	v23 =	vld [tilespmem:s16+$0x20];
	(erf) = vpow2.f32 v5;
	v7 =	vadd.f32 v10, v7  }
0x12c: {  	v9 =	vld [tilespmem:s30+$0xFFFFFFD0]  }
0x12d: {  	v18 =	vld [tilespmem:s16+$0x30];
	v10 =	vmul.f32 $2.000000030e-01, v7  }
0x12e: {  	v11 =	vld [tilespmem:s30+$0x0];
	v15 =	vadd.f32 v15, v17;
	vm0 =	vge.f32 v7, $0.0e+00  }
0x12f: {  	v30 =	vld [tilespmem:s8+$0xFFFFFFF0];
	v25 =	vadd.f32 v27, v25;
	v7 =	vsel vm0, v7, v10  }
0x130: {  	v21 =	vmul.f32 $2.000000030e-01, v15;
	v8 =	vld [tilespmem:s30+$0xFFFFFFB0];
	v17 =	vmul.f32 $1.442695020e+00, v7  }
0x131: {  	v62 =	vmul.f32 $2.000000030e-01, v25;
	v6 =	vld [tilespmem:s30+$0xFFFFFFC0];
	v20 =	vpop (erf)  }
0x132: {  	v5 =	vld [tilespmem:s30+$0xFFFFFFE0];
	vm0 =	vge.f32 v15, $0.0e+00;
	(erf) = vpow2.f32 v17;
	v24 =	vperm.xlane v20, v3  }
0x133: {  	v10 =	vld [tilespmem:s30+$0x10];
	v15 =	vsel vm0, v15, v21;
	v26 =	vperm.xlane v20, v0;
	v28 =	vperm.xlane v20, v1  }
0x134: {  	v7 =	vld [tilespmem:s30+$0x20];
	v21 =	vpop (erf);
	v17 =	vmul.f32 v18, v24;
	v18 =	vmul.f32 $1.442695020e+00, v15  }
0x135: {  	v27 =	vperm.xlane v20, v2;
	v24 =	vld [tilespmem:s0+$0xFFFFFFF0];
	v29 =	vperm.xlane v21, v0  }
0x136: {  	[tilespmem:s16+$0x40] =	vst v20;
	v20 =	vld [tilespmem:s30+$0x30];
	v31 =	vperm.xlane v21, v1;
	(erf) = vpow2.f32 v18  }
0x137: {  	v32 =	vperm.xlane v21, v2;
	v15 =	vld [tilespmem:s8+$0xFFFFFFB0];
	[tilespmem:s16+$0xFFFFFFF0] =	vst v21;
	v63 =	vmul.f32 v19, v26  }
0x138: {  	vm0 =	vge.f32 v25, $0.0e+00;
	v21 =	vperm.xlane v21, v3;
	[tilespmem:s16+$0x30] =	vst v17;
	v18 =	vld [tilespmem:s8+$0xFFFFFFC0];
	v29 =	vmul.f32 v12, v29  }
0x139: {  	v25 =	vsel vm0, v25, v62;
	v17 =	vld [tilespmem:s8+$0xFFFFFFD0];
	v13 =	vmul.f32 v13, v31;
	[tilespmem:s16+$0x0] =	vst v63  }
0x13a: {  	v14 =	vmul.f32 v14, v32;
	v12 =	vld [tilespmem:s8+$0xFFFFFFE0];
	v16 =	vmul.f32 v16, v21;
	[tilespmem:s16+$0xFFFFFFB0] =	vst v29;
	v21 =	vadd.f32 v24, v30  }
0x13b: {  	v25 =	vmul.f32 $1.442695020e+00, v25;
	[tilespmem:s16+$0xFFFFFFC0] =	vst v13;
	v13 =	vld [tilespmem:s8+$0x0]  }
0x13c: {  	v22 =	vmul.f32 v22, v28;
	[tilespmem:s16+$0xFFFFFFD0] =	vst v14;
	v14 =	vld [tilespmem:s8+$0x10];
	v19 =	vpop (erf);
	v24 =	vmul.f32 $2.000000030e-01, v21  }
0x13d: {  	s10 =	simm.s32 $0x4;
	s26 =	simm.s32 $0xA960;
	v23 =	vmul.f32 v23, v27;
	[tilespmem:s16+$0xFFFFFFE0] =	vst v16;
	v16 =	vld [tilespmem:s8+$0x20];
	vm0 =	vge.f32 v21, $0.0e+00;
	v26 =	vperm.xlane v19, v3  }
.LBB2_9:
0x13e: {  	v27 =	vld [tilespmem:s26+$0x40];
	v21 =	vsel vm0, v21, v24;
	s0 =	sadd.s32 $0x20, s0;
	v24 =	vperm.xlane v19, v0;
	v28 =	vperm.xlane v19, v1;
	[tilespmem:s16+$0x10] =	vst v22  }
0x13f: {  	s10 =	sadd.s32 $0x2, s10;
	v22 =	vld [tilespmem:s0+$0x0];
	(erf) = vpow2.f32 v25;
	v20 =	vmul.f32 v20, v26;
	v25 =	vpop (erf);
	[tilespmem:s16+$0x20] =	vst v23;
	s16 =	smov.u32 s30;
	s30 =	smov.u32 s8  }
0x140: {  	p1 =	slt.u32 s10, $0xC6;
	v21 =	vmul.f32 $1.442695020e+00, v21;
	s8 =	smov.u32 s26;
	v23 =	vld [tilespmem:s0+$0xFFFFFFF0];
	[tilespmem:s16+$0xFFFFFFF0] =	vst v25;
	v26 =	vperm.xlane v25, v0  }
0x141: {  	v30 =	vperm.xlane v25, v1;
	v31 =	vperm.xlane v25, v2;
	v29 =	vld [tilespmem:s26+$0xFFFFFFF0];
	[tilespmem:s16+$0x30] =	vst v20  }
0x142: {  	v20 =	vperm.xlane v25, v3;
	v32 =	vld [tilespmem:s26+$0xFFFFFFB0];
	(erf) = vpow2.f32 v21;
	[tilespmem:s16+$0x40] =	vst v19  }
0x143: {  	v21 =	vmul.f32 v8, v26;
	v19 =	vperm.xlane v19, v2;
	v8 =	vmov v15;
	v33 =	vld [tilespmem:s26+$0xFFFFFFC0]  }
0x144: {  	v30 =	vmul.f32 v6, v30;
	v26 =	vmul.f32 v9, v31;
	v6 =	vmovc v18;
	v34 =	vld [tilespmem:s26+$0xFFFFFFD0];
	v25 =	vadd.f32 v22, v27  }
.Ltmp3:
0x145: {  	v9 =	vmovc v17;
	v18 =	vmul.f32 v5, v20;
	v5 =	vmov v12;
	v27 =	vmul.f32 v11, v24;
	[tilespmem:s16+$0xFFFFFFB0] =	vst v21;
	v12 =	vld [tilespmem:s26+$0xFFFFFFE0];
	(pc) =	sbr.rel @p1 .LBB2_9-.Ltmp3, $4  }
0x146: {  	v22 =	vmul.f32 v10, v28;
	v11 =	vmovc v13;
	v21 =	vadd.f32 v23, v29;
	v29 =	vmul.f32 $2.000000030e-01, v25;
	v20 =	vld [tilespmem:s30+$0x30];
	[tilespmem:s16+$0xFFFFFFC0] =	vst v30  }
0x147: {  	v10 =	vmovc v14;
	vm1 =	vge.f32 v25, $0.0e+00;
	v23 =	vmul.f32 v7, v19;
	v7 =	vmovc v16;
	v13 =	vld [tilespmem:s26+$0x0];
	[tilespmem:s16+$0xFFFFFFD0] =	vst v26;
	v15 =	vmov v32  }
0x148: {  	vm0 =	vge.f32 v21, $0.0e+00;
	v24 =	vmul.f32 $2.000000030e-01, v21;
	v16 =	vsel vm1, v25, v29;
	v14 =	vld [tilespmem:s26+$0x10];
	v19 =	vpop (erf);
	[tilespmem:s16+$0xFFFFFFE0] =	vst v18  }
0x149: {  	s26 =	sadd.s32 $0xA0, s26;
	v18 =	vmovc v33;
	v25 =	vmul.f32 $1.442695020e+00, v16;
	v16 =	vld [tilespmem:s8+$0x20];
	v26 =	vperm.xlane v19, v3;
	[tilespmem:s16+$0x0] =	vst v27;
	v17 =	vmov v34  }
0x14a: {  	v21 =	vsel vm0, v21, v24  }
0x14b: {  	v21 =	vmul.f32 $1.442695020e+00, v21  }
0x14c: {  	[tilespmem:s16+$0x10] =	vst v22;
	(erf) = vpow2.f32 v25;
	v22 =	vpop (erf)  }
0x14d: {  	[tilespmem:s16+$0x20] =	vst v23;
	v23 =	vperm.xlane v22, v0;
	(erf) = vpow2.f32 v21  }
0x14e: {  	[tilespmem:s30+$0x40] =	vst v19;
	v20 =	vmul.f32 v20, v26;
	v24 =	vperm.xlane v22, v2  }
0x14f: {  	[tilespmem:s30+$0xFFFFFFF0] =	vst v22;
	v21 =	vperm.xlane v22, v1;
	v8 =	vmul.f32 v8, v23  }
0x150: {  	[tilespmem:s30+$0x30] =	vst v20;
	v20 =	vperm.xlane v22, v3;
	v9 =	vmul.f32 v9, v24  }
0x151: {  	v6 =	vmul.f32 v6, v21;
	v21 =	vperm.xlane v19, v0;
	[tilespmem:s30+$0xFFFFFFB0] =	vst v8  }
0x152: {  	v5 =	vmul.f32 v5, v20;
	v8 =	vperm.xlane v19, v1;
	[tilespmem:s30+$0xFFFFFFD0] =	vst v9  }
0x153: {  	v20 =	vld [tilespmem:s8+$0x30];
	[tilespmem:s30+$0xFFFFFFC0] =	vst v6;
	v6 =	vperm.xlane v19, v2;
	v11 =	vmul.f32 v11, v21  }
0x154: {  	[tilespmem:s30+$0xFFFFFFE0] =	vst v5;
	v8 =	vmul.f32 v10, v8  }
0x155: {  	v5 =	vmul.f32 v7, v6;
	[tilespmem:s30+$0x0] =	vst v11;
	v9 =	vpop (erf)  }
0x156: {  	[tilespmem:s30+$0x10] =	vst v8;
	v6 =	vperm.xlane v9, v3;
	v7 =	vpop (erf)  }
0x157: {  	[tilespmem:s30+$0x20] =	vst v5;
	v5 =	vperm.xlane v7, v0  }
0x158: {  	[tilespmem:s8+$0x40] =	vst v9;
	v6 =	vmul.f32 v20, v6;
	v8 =	vperm.xlane v7, v1  }
0x159: {  	[tilespmem:s8+$0xFFFFFFF0] =	vst v7;
	v10 =	vperm.xlane v7, v2;
	v5 =	vmul.f32 v15, v5  }
0x15a: {  	[tilespmem:s8+$0x30] =	vst v6;
	v6 =	vperm.xlane v7, v3;
	v7 =	vmul.f32 v18, v8  }
0x15b: {  	v8 =	vperm.xlane v9, v0;
	v10 =	vmul.f32 v17, v10;
	[tilespmem:s8+$0xFFFFFFB0] =	vst v5  }
0x15c: {  	v5 =	vperm.xlane v9, v1;
	v6 =	vmul.f32 v12, v6;
	[tilespmem:s8+$0xFFFFFFC0] =	vst v7  }
0x15d: {  	v7 =	vperm.xlane v9, v2;
	v8 =	vmul.f32 v13, v8;
	[tilespmem:s8+$0xFFFFFFD0] =	vst v10  }
0x15e: {  	v5 =	vmul.f32 v14, v5;
	[tilespmem:s8+$0xFFFFFFE0] =	vst v6  }
0x15f: {  	v6 =	vmul.f32 v16, v7;
	[tilespmem:s8+$0x0] =	vst v8  }
0x160: {  	[tilespmem:s8+$0x10] =	vst v5  }
0x161: {  	[tilespmem:s8+$0x20] =	vst v6  }
0x162: {  	_ =	swait.ge [sflag:s21], $0x3E80  }
0x163: {  	s0 =	sadd.s32 $0x258, s23;
	[sflag:s21] =	ssyncset.done $0x0  }
0x164: {  	s0 =	sshrl.u32 s0, $0x3;
	[sflag:s21] =	ssyncadd.s32 $0xFFFFC180  }
0x165: {  	[spmem:s1] =	stream.indirect.scatter.add.f32 [tilespmem:s17], [sflag:$0x9], $0x50, s14, s25, $0xb8;
	[tilespmem:$0x1A900] =	vst v63  }
0x166: {  	s10 =	simm.s32 $0x4C90;
	s26 =	sadd.s32 s3, s0  }
0x167: {  	[tilespmem:s10], [sflag:$0x2] =	stream.linear.gather [hbm4b:s26+s2], $0xC8, $0x38;
	[tilespmem:$0x1A900] =	vst v63  }
0x168: {  	s0 =	sadd.s32 s4, s0  }
0x169: {  	[tilespmem:s28], [sflag:$0x2] =	stream.linear.gather [hbm4b:s0+s2], $0xC8, $0x38;
	[tilespmem:$0x1A900] =	vst v63  }
0x16a: {  	_ =	swait.ge [sflag:s5], $0xC8  }
0x16b: {  	[sflag:s5] =	ssyncset.done $0x0  }
0x16c: {  	[sflag:s5] =	ssyncadd.s32 $0xFFFFFF38  }
0x16d: {  	_ =	swait.ge [sflag:s5], $0xC8  }
0x16e: {  	[sflag:s5] =	ssyncset.done $0x0  }
0x16f: {  	s16 =	simm.s32 $0x4E20;
	[sflag:s5] =	ssyncadd.s32 $0xFFFFFF38  }
0x170: {  	[tilespmem:s16], [sflag:$0x5] =	stream.indirect.gather [hbm4b:s6+s25], $0x10, s28, s25, $0xb8;
	[tilespmem:$0x1A900] =	vst v63  }
0x171: {  	_ = 	snop  }
0x172: {  	[tilespmem:s9], [sflag:$0x5] =	stream.indirect.gather [hbm4b:s7+s25], $0x50, s10, s25, $0xb8;
	[tilespmem:$0x1A900] =	vst v63  }
0x173: {  	_ =	swait.ge [sflag:s11], $0xC80  }
0x174: {  	[sflag:s11] =	ssyncset.done $0x0  }
0x175: {  	[sflag:s11] =	ssyncadd.s32 $0xFFFFF380  }
0x176: {  	_ =	swait.ge [sflag:s11], $0x3E80  }
0x177: {  	[sflag:s11] =	ssyncset.done $0x0  }
0x178: {  	s16 =	simm.s32 $0xE60;
	[sflag:s11] =	ssyncadd.s32 $0xFFFFC180  }
0x179: {  	s23 =	simm.s32 $0x1A0;
	v5 =	vld [tilespmem:s16+$0x40]  }
0x17a: {  	v6 =	vld [tilespmem:s23+$0x0]  }
0x17b: {  	v7 =	vld [tilespmem:s23+$0xFFFFFFF0]  }
0x17c: {  	v8 =	vld [tilespmem:s16+$0xFFFFFFF0]  }
0x17d: {  	v12 =	vld [tilespmem:s16+$0xFFFFFFB0]  }
0x17e: {  	v13 =	vld [tilespmem:s16+$0xFFFFFFC0]  }
0x17f: {  	v14 =	vld [tilespmem:s16+$0xFFFFFFD0];
	v5 =	vadd.f32 v6, v5  }
0x180: {  	v16 =	vld [tilespmem:s16+$0xFFFFFFE0]  }
0x181: {  	v19 =	vld [tilespmem:s16+$0x0];
	v6 =	vadd.f32 v7, v8;
	v7 =	vmul.f32 $2.000000030e-01, v5  }
0x182: {  	s26 =	simm.s32 $0x1C0;
	v22 =	vld [tilespmem:s16+$0x10];
	vm0 =	vge.f32 v5, $0.0e+00  }
0x183: {  	s23 =	simm.s32 $0xF00;
	v10 =	vld [tilespmem:s26+$0x0];
	v5 =	vsel vm0, v5, v7  }
0x184: {  	v8 =	vmul.f32 $2.000000030e-01, v6;
	v7 =	vld [tilespmem:s23+$0x40];
	v5 =	vmul.f32 $1.442695020e+00, v5  }
0x185: {  	s8 =	simm.s32 $0xFA0;
	v15 =	vld [tilespmem:s26+$0xFFFFFFF0];
	vm0 =	vge.f32 v6, $0.0e+00  }
0x186: {  	v25 =	vld [tilespmem:s8+$0x40];
	v6 =	vsel vm0, v6, v8;
	(erf) = vpow2.f32 v5  }
0x187: {  	s0 =	simm.s32 $0x1E0;
	v17 =	vld [tilespmem:s23+$0xFFFFFFF0];
	v5 =	vmul.f32 $1.442695020e+00, v6  }
0x188: {  	v27 =	vld [tilespmem:s0+$0x0]  }
0x189: {  	v23 =	vld [tilespmem:s16+$0x20];
	(erf) = vpow2.f32 v5;
	v7 =	vadd.f32 v10, v7  }
0x18a: {  	v18 =	vld [tilespmem:s16+$0x30]  }
0x18b: {  	v30 =	vld [tilespmem:s8+$0xFFFFFFF0];
	v10 =	vmul.f32 $2.000000030e-01, v7  }
0x18c: {  	v9 =	vld [tilespmem:s23+$0xFFFFFFD0];
	v15 =	vadd.f32 v15, v17;
	vm0 =	vge.f32 v7, $0.0e+00  }
0x18d: {  	v11 =	vld [tilespmem:s23+$0x0];
	v25 =	vadd.f32 v27, v25;
	v7 =	vsel vm0, v7, v10  }
0x18e: {  	v21 =	vmul.f32 $2.000000030e-01, v15;
	v8 =	vld [tilespmem:s23+$0xFFFFFFB0];
	v17 =	vmul.f32 $1.442695020e+00, v7  }
0x18f: {  	v62 =	vmul.f32 $2.000000030e-01, v25;
	v6 =	vld [tilespmem:s23+$0xFFFFFFC0];
	v20 =	vpop (erf)  }
0x190: {  	v5 =	vld [tilespmem:s23+$0xFFFFFFE0];
	vm0 =	vge.f32 v15, $0.0e+00;
	(erf) = vpow2.f32 v17;
	v24 =	vperm.xlane v20, v3  }
0x191: {  	v10 =	vld [tilespmem:s23+$0x10];
	v15 =	vsel vm0, v15, v21;
	v26 =	vperm.xlane v20, v0;
	v28 =	vperm.xlane v20, v1  }
0x192: {  	v7 =	vld [tilespmem:s23+$0x20];
	v21 =	vpop (erf);
	v17 =	vmul.f32 v18, v24;
	v18 =	vmul.f32 $1.442695020e+00, v15  }
0x193: {  	v27 =	vperm.xlane v20, v2;
	v24 =	vld [tilespmem:s0+$0xFFFFFFF0];
	v29 =	vperm.xlane v21, v0  }
0x194: {  	[tilespmem:s16+$0x40] =	vst v20;
	v20 =	vld [tilespmem:s23+$0x30];
	v31 =	vperm.xlane v21, v1;
	(erf) = vpow2.f32 v18  }
0x195: {  	v32 =	vperm.xlane v21, v2;
	v15 =	vld [tilespmem:s8+$0xFFFFFFB0];
	[tilespmem:s16+$0xFFFFFFF0] =	vst v21;
	v63 =	vmul.f32 v19, v26  }
0x196: {  	vm0 =	vge.f32 v25, $0.0e+00;
	v21 =	vperm.xlane v21, v3;
	[tilespmem:s16+$0x30] =	vst v17;
	v18 =	vld [tilespmem:s8+$0xFFFFFFC0];
	v29 =	vmul.f32 v12, v29  }
0x197: {  	v25 =	vsel vm0, v25, v62;
	v17 =	vld [tilespmem:s8+$0xFFFFFFD0];
	v13 =	vmul.f32 v13, v31;
	[tilespmem:s16+$0x0] =	vst v63  }
0x198: {  	v14 =	vmul.f32 v14, v32;
	v12 =	vld [tilespmem:s8+$0xFFFFFFE0];
	v16 =	vmul.f32 v16, v21;
	[tilespmem:s16+$0xFFFFFFB0] =	vst v29;
	v21 =	vadd.f32 v24, v30  }
0x199: {  	v25 =	vmul.f32 $1.442695020e+00, v25;
	[tilespmem:s16+$0xFFFFFFC0] =	vst v13;
	v13 =	vld [tilespmem:s8+$0x0]  }
0x19a: {  	v22 =	vmul.f32 v22, v28;
	[tilespmem:s16+$0xFFFFFFD0] =	vst v14;
	v14 =	vld [tilespmem:s8+$0x10];
	v19 =	vpop (erf);
	v24 =	vmul.f32 $2.000000030e-01, v21  }
0x19b: {  	s30 =	simm.s32 $0x4C90;
	s10 =	simm.s32 $0x4;
	s26 =	simm.s32 $0x1040;
	v23 =	vmul.f32 v23, v27;
	[tilespmem:s16+$0xFFFFFFE0] =	vst v16;
	v16 =	vld [tilespmem:s8+$0x20];
	vm0 =	vge.f32 v21, $0.0e+00;
	v26 =	vperm.xlane v19, v3  }
.LBB2_11:
0x19c: {  	v27 =	vld [tilespmem:s26+$0x40];
	v21 =	vsel vm0, v21, v24;
	s0 =	sadd.s32 $0x20, s0;
	v24 =	vperm.xlane v19, v0;
	v28 =	vperm.xlane v19, v1;
	[tilespmem:s16+$0x10] =	vst v22  }
0x19d: {  	s10 =	sadd.s32 $0x2, s10;
	v22 =	vld [tilespmem:s0+$0x0];
	(erf) = vpow2.f32 v25;
	v20 =	vmul.f32 v20, v26;
	v25 =	vpop (erf);
	[tilespmem:s16+$0x20] =	vst v23;
	s16 =	smov.u32 s23;
	s23 =	smov.u32 s8  }
0x19e: {  	p1 =	slt.u32 s10, $0xC6;
	v21 =	vmul.f32 $1.442695020e+00, v21;
	s8 =	smov.u32 s26;
	v23 =	vld [tilespmem:s0+$0xFFFFFFF0];
	[tilespmem:s16+$0xFFFFFFF0] =	vst v25;
	v26 =	vperm.xlane v25, v0  }
0x19f: {  	v30 =	vperm.xlane v25, v1;
	v31 =	vperm.xlane v25, v2;
	v29 =	vld [tilespmem:s26+$0xFFFFFFF0];
	[tilespmem:s16+$0x30] =	vst v20  }
0x1a0: {  	v20 =	vperm.xlane v25, v3;
	v32 =	vld [tilespmem:s26+$0xFFFFFFB0];
	(erf) = vpow2.f32 v21;
	[tilespmem:s16+$0x40] =	vst v19  }
0x1a1: {  	v21 =	vmul.f32 v8, v26;
	v19 =	vperm.xlane v19, v2;
	v8 =	vmov v15;
	v33 =	vld [tilespmem:s26+$0xFFFFFFC0]  }
0x1a2: {  	v30 =	vmul.f32 v6, v30;
	v26 =	vmul.f32 v9, v31;
	v6 =	vmovc v18;
	v34 =	vld [tilespmem:s26+$0xFFFFFFD0];
	v25 =	vadd.f32 v22, v27  }
.Ltmp4:
0x1a3: {  	v9 =	vmovc v17;
	v18 =	vmul.f32 v5, v20;
	v5 =	vmov v12;
	v27 =	vmul.f32 v11, v24;
	[tilespmem:s16+$0xFFFFFFB0] =	vst v21;
	v12 =	vld [tilespmem:s26+$0xFFFFFFE0];
	(pc) =	sbr.rel @p1 .LBB2_11-.Ltmp4, $4  }
0x1a4: {  	v22 =	vmul.f32 v10, v28;
	v11 =	vmovc v13;
	v21 =	vadd.f32 v23, v29;
	v29 =	vmul.f32 $2.000000030e-01, v25;
	v20 =	vld [tilespmem:s23+$0x30];
	[tilespmem:s16+$0xFFFFFFC0] =	vst v30  }
0x1a5: {  	v10 =	vmovc v14;
	vm1 =	vge.f32 v25, $0.0e+00;
	v23 =	vmul.f32 v7, v19;
	v7 =	vmovc v16;
	v13 =	vld [tilespmem:s26+$0x0];
	[tilespmem:s16+$0xFFFFFFD0] =	vst v26;
	v15 =	vmov v32  }
0x1a6: {  	vm0 =	vge.f32 v21, $0.0e+00;
	v24 =	vmul.f32 $2.000000030e-01, v21;
	v16 =	vsel vm1, v25, v29;
	v14 =	vld [tilespmem:s26+$0x10];
	v19 =	vpop (erf);
	[tilespmem:s16+$0xFFFFFFE0] =	vst v18  }
0x1a7: {  	s26 =	sadd.s32 $0xA0, s26;
	v18 =	vmovc v33;
	v25 =	vmul.f32 $1.442695020e+00, v16;
	v16 =	vld [tilespmem:s8+$0x20];
	v26 =	vperm.xlane v19, v3;
	[tilespmem:s16+$0x0] =	vst v27;
	v17 =	vmov v34  }
0x1a8: {  	v21 =	vsel vm0, v21, v24  }
0x1a9: {  	[tilespmem:s16+$0x10] =	vst v22;
	(erf) = vpow2.f32 v25;
	v21 =	vmul.f32 $1.442695020e+00, v21  }
0x1aa: {  	[tilespmem:s16+$0x20] =	vst v23;
	v57 =	vperm.xlane v19, v0;
	v20 =	vmul.f32 v20, v26;
	v52 =	vpop (erf)  }
0x1ab: {  	[tilespmem:s23+$0x40] =	vst v19;
	v53 =	vperm.xlane v52, v0;
	(erf) = vpow2.f32 v21  }
0x1ac: {  	[tilespmem:s23+$0xFFFFFFF0] =	vst v52;
	v54 =	vperm.xlane v52, v1;
	v11 =	vmul.f32 v11, v57  }
0x1ad: {  	v55 =	vperm.xlane v52, v2;
	[tilespmem:s23+$0x30] =	vst v20;
	v8 =	vmul.f32 v8, v53  }
0x1ae: {  	v56 =	vperm.xlane v52, v3;
	v6 =	vmul.f32 v6, v54;
	[tilespmem:s23+$0x0] =	vst v11  }
0x1af: {  	v58 =	vperm.xlane v19, v1;
	v9 =	vmul.f32 v9, v55;
	[tilespmem:s23+$0xFFFFFFB0] =	vst v8  }
0x1b0: {  	v59 =	vld [tilespmem:s8+$0x30];
	v5 =	vmul.f32 v5, v56;
	[tilespmem:s23+$0xFFFFFFC0] =	vst v6;
	v6 =	vperm.xlane v19, v2  }
0x1b1: {  	[tilespmem:s23+$0xFFFFFFD0] =	vst v9;
	v8 =	vmul.f32 v10, v58  }
0x1b2: {  	[tilespmem:s23+$0xFFFFFFE0] =	vst v5;
	v5 =	vmul.f32 v7, v6;
	v60 =	vpop (erf)  }
0x1b3: {  	[tilespmem:s23+$0x10] =	vst v8;
	v6 =	vperm.xlane v60, v3  }
0x1b4: {  	[tilespmem:s23+$0x20] =	vst v5;
	v63 =	vperm.xlane v60, v0;
	v7 =	vpop (erf)  }
0x1b5: {  	[tilespmem:s8+$0x40] =	vst v60;
	v6 =	vmul.f32 v59, v6;
	v5 =	vperm.xlane v7, v0  }
0x1b6: {  	[tilespmem:s8+$0xFFFFFFF0] =	vst v7;
	v61 =	vperm.xlane v7, v1;
	v8 =	vmul.f32 v13, v63  }
0x1b7: {  	v62 =	vperm.xlane v7, v2;
	[tilespmem:s8+$0x30] =	vst v6;
	v5 =	vmul.f32 v15, v5  }
0x1b8: {  	v6 =	vperm.xlane v7, v3;
	v7 =	vmul.f32 v18, v61;
	[tilespmem:s8+$0x0] =	vst v8  }
0x1b9: {  	v10 =	vmul.f32 v17, v62;
	[tilespmem:s8+$0xFFFFFFB0] =	vst v5;
	v5 =	vperm.xlane v60, v1  }
0x1ba: {  	v6 =	vmul.f32 v12, v6;
	[tilespmem:s8+$0xFFFFFFC0] =	vst v7;
	v7 =	vperm.xlane v60, v2  }
0x1bb: {  	[tilespmem:s8+$0xFFFFFFD0] =	vst v10;
	v5 =	vmul.f32 v14, v5  }
0x1bc: {  	[tilespmem:s8+$0xFFFFFFE0] =	vst v6;
	v6 =	vmul.f32 v16, v7  }
0x1bd: {  	[tilespmem:s8+$0x10] =	vst v5  }
0x1be: {  	[tilespmem:s8+$0x20] =	vst v6  }
0x1bf: {  	_ =	swait.ge [sflag:s22], $0x3E80  }
0x1c0: {  	s13 =	sadd.s32 $0x1, s13;
	[sflag:s22] =	ssyncset.done $0x0  }
0x1c1: {  	p1 =	sne.s32 s13, $0x20;
	[sflag:s22] =	ssyncadd.s32 $0xFFFFC180  }
0x1c2: {  	[spmem:s1] =	stream.indirect.scatter.add.f32 [tilespmem:s29], [sflag:$0x7], $0x50, s25, s25, $0xb8;
	[tilespmem:$0x1A900] =	vst v63  }
.Ltmp5:
0x1c3: {  	s0 =	sadd.s32 $0x64, s24;
	(pc) =	sbr.rel @p1 .LBB2_6-.Ltmp5, $4  }
0x1c4: {  	s26 =	sadd.s32 s3, s0  }
0x1c5: {  	[tilespmem:s12], [sflag:$0x3] =	stream.linear.gather [hbm4b:s26+s2], $0xC8, $0x38;
	[tilespmem:$0x1A900] =	vst v63  }
0x1c6: {  	s0 =	sadd.s32 s4, s0  }
0x1c7: {  	[tilespmem:s14], [sflag:$0x3] =	stream.linear.gather [hbm4b:s0+s2], $0xC8, $0x38;
	[tilespmem:$0x1A900] =	vst v63  }
0x1c8: {  	_ =	swait.ge [sflag:s15], $0xC8  }
0x1c9: {  	[sflag:s15] =	ssyncset.done $0x0  }
0x1ca: {  	[sflag:s15] =	ssyncadd.s32 $0xFFFFFF38  }
0x1cb: {  	_ =	swait.ge [sflag:s15], $0xC8  }
0x1cc: {  	[sflag:s15] =	ssyncset.done $0x0  }
0x1cd: {  	s0 =	simm.s32 $0x9AB0;
	[sflag:s15] =	ssyncadd.s32 $0xFFFFFF38  }
0x1ce: {  	[tilespmem:s0], [sflag:$0x6] =	stream.indirect.gather [hbm4b:s6+s25], $0x10, s14, s25, $0xb8;
	[tilespmem:$0x1A900] =	vst v63  }
0x1cf: {  	_ = 	snop  }
0x1d0: {  	[tilespmem:s17], [sflag:$0x6] =	stream.indirect.gather [hbm4b:s7+s25], $0x50, s12, s25, $0xb8;
	[tilespmem:$0x1A900] =	vst v63  }
0x1d1: {  	_ =	swait.ge [sflag:s18], $0xC80  }
0x1d2: {  	[sflag:s18] =	ssyncset.done $0x0  }
0x1d3: {  	[sflag:s18] =	ssyncadd.s32 $0xFFFFF380  }
0x1d4: {  	_ =	swait.ge [sflag:s18], $0x3E80  }
0x1d5: {  	[sflag:s18] =	ssyncset.done $0x0  }
0x1d6: {  	s16 =	simm.s32 $0x5AF0;
	[sflag:s18] =	ssyncadd.s32 $0xFFFFC180  }
0x1d7: {  	s24 =	simm.s32 $0x4E30;
	v5 =	vld [tilespmem:s16+$0x40]  }
0x1d8: {  	v6 =	vld [tilespmem:s24+$0x0]  }
0x1d9: {  	v7 =	vld [tilespmem:s24+$0xFFFFFFF0]  }
0x1da: {  	v8 =	vld [tilespmem:s16+$0xFFFFFFF0]  }
0x1db: {  	v12 =	vld [tilespmem:s16+$0xFFFFFFB0]  }
0x1dc: {  	v13 =	vld [tilespmem:s16+$0xFFFFFFC0]  }
0x1dd: {  	v14 =	vld [tilespmem:s16+$0xFFFFFFD0];
	v5 =	vadd.f32 v6, v5  }
0x1de: {  	v16 =	vld [tilespmem:s16+$0xFFFFFFE0]  }
0x1df: {  	v19 =	vld [tilespmem:s16+$0x0];
	v6 =	vadd.f32 v7, v8;
	v7 =	vmul.f32 $2.000000030e-01, v5  }
0x1e0: {  	s26 =	simm.s32 $0x4E50;
	v22 =	vld [tilespmem:s16+$0x10];
	vm0 =	vge.f32 v5, $0.0e+00  }
0x1e1: {  	s13 =	simm.s32 $0x5B90;
	v10 =	vld [tilespmem:s26+$0x0];
	v5 =	vsel vm0, v5, v7  }
0x1e2: {  	v8 =	vmul.f32 $2.000000030e-01, v6;
	v7 =	vld [tilespmem:s13+$0x40];
	v5 =	vmul.f32 $1.442695020e+00, v5  }
0x1e3: {  	v15 =	vld [tilespmem:s26+$0xFFFFFFF0];
	vm0 =	vge.f32 v6, $0.0e+00  }
0x1e4: {  	s8 =	simm.s32 $0x5C30;
	v17 =	vld [tilespmem:s13+$0xFFFFFFF0];
	v6 =	vsel vm0, v6, v8;
	(erf) = vpow2.f32 v5  }
0x1e5: {  	s0 =	simm.s32 $0x4E70;
	v25 =	vld [tilespmem:s8+$0x40];
	v5 =	vmul.f32 $1.442695020e+00, v6  }
0x1e6: {  	v27 =	vld [tilespmem:s0+$0x0]  }
0x1e7: {  	v23 =	vld [tilespmem:s16+$0x20];
	(erf) = vpow2.f32 v5;
	v7 =	vadd.f32 v10, v7  }
0x1e8: {  	v9 =	vld [tilespmem:s13+$0xFFFFFFD0]  }
0x1e9: {  	v18 =	vld [tilespmem:s16+$0x30];
	v10 =	vmul.f32 $2.000000030e-01, v7  }
0x1ea: {  	v11 =	vld [tilespmem:s13+$0x0];
	v15 =	vadd.f32 v15, v17;
	vm0 =	vge.f32 v7, $0.0e+00  }
0x1eb: {  	v30 =	vld [tilespmem:s8+$0xFFFFFFF0];
	v25 =	vadd.f32 v27, v25;
	v7 =	vsel vm0, v7, v10  }
0x1ec: {  	v21 =	vmul.f32 $2.000000030e-01, v15;
	v8 =	vld [tilespmem:s13+$0xFFFFFFB0];
	v17 =	vmul.f32 $1.442695020e+00, v7  }
0x1ed: {  	v62 =	vmul.f32 $2.000000030e-01, v25;
	v6 =	vld [tilespmem:s13+$0xFFFFFFC0];
	v20 =	vpop (erf)  }
0x1ee: {  	v5 =	vld [tilespmem:s13+$0xFFFFFFE0];
	vm0 =	vge.f32 v15, $0.0e+00;
	(erf) = vpow2.f32 v17;
	v24 =	vperm.xlane v20, v3  }
0x1ef: {  	v10 =	vld [tilespmem:s13+$0x10];
	v15 =	vsel vm0, v15, v21;
	v26 =	vperm.xlane v20, v0;
	v28 =	vperm.xlane v20, v1  }
0x1f0: {  	v7 =	vld [tilespmem:s13+$0x20];
	v21 =	vpop (erf);
	v17 =	vmul.f32 v18, v24;
	v18 =	vmul.f32 $1.442695020e+00, v15  }
0x1f1: {  	v27 =	vperm.xlane v20, v2;
	v24 =	vld [tilespmem:s0+$0xFFFFFFF0];
	v29 =	vperm.xlane v21, v0  }
0x1f2: {  	[tilespmem:s16+$0x40] =	vst v20;
	v20 =	vld [tilespmem:s13+$0x30];
	v31 =	vperm.xlane v21, v1;
	(erf) = vpow2.f32 v18  }
0x1f3: {  	v32 =	vperm.xlane v21, v2;
	v15 =	vld [tilespmem:s8+$0xFFFFFFB0];
	[tilespmem:s16+$0xFFFFFFF0] =	vst v21;
	v63 =	vmul.f32 v19, v26  }
0x1f4: {  	vm0 =	vge.f32 v25, $0.0e+00;
	v21 =	vperm.xlane v21, v3;
	[tilespmem:s16+$0x30] =	vst v17;
	v18 =	vld [tilespmem:s8+$0xFFFFFFC0];
	v29 =	vmul.f32 v12, v29  }
0x1f5: {  	v25 =	vsel vm0, v25, v62;
	v17 =	vld [tilespmem:s8+$0xFFFFFFD0];
	v13 =	vmul.f32 v13, v31;
	[tilespmem:s16+$0x0] =	vst v63  }
0x1f6: {  	v14 =	vmul.f32 v14, v32;
	v12 =	vld [tilespmem:s8+$0xFFFFFFE0];
	v16 =	vmul.f32 v16, v21;
	[tilespmem:s16+$0xFFFFFFB0] =	vst v29;
	v21 =	vadd.f32 v24, v30  }
0x1f7: {  	v25 =	vmul.f32 $1.442695020e+00, v25;
	[tilespmem:s16+$0xFFFFFFC0] =	vst v13;
	v13 =	vld [tilespmem:s8+$0x0]  }
0x1f8: {  	v22 =	vmul.f32 v22, v28;
	[tilespmem:s16+$0xFFFFFFD0] =	vst v14;
	v14 =	vld [tilespmem:s8+$0x10];
	v19 =	vpop (erf);
	v24 =	vmul.f32 $2.000000030e-01, v21  }
0x1f9: {  	s10 =	simm.s32 $0x4;
	s23 =	simm.s32 $0x5CD0;
	v23 =	vmul.f32 v23, v27;
	[tilespmem:s16+$0xFFFFFFE0] =	vst v16;
	v16 =	vld [tilespmem:s8+$0x20];
	vm0 =	vge.f32 v21, $0.0e+00;
	v26 =	vperm.xlane v19, v3  }
.LBB2_14:
0x1fa: {  	v27 =	vld [tilespmem:s23+$0x40];
	v21 =	vsel vm0, v21, v24;
	s0 =	sadd.s32 $0x20, s0;
	v24 =	vperm.xlane v19, v0;
	v28 =	vperm.xlane v19, v1;
	[tilespmem:s16+$0x10] =	vst v22  }
0x1fb: {  	s10 =	sadd.s32 $0x2, s10;
	v22 =	vld [tilespmem:s0+$0x0];
	(erf) = vpow2.f32 v25;
	v20 =	vmul.f32 v20, v26;
	v25 =	vpop (erf);
	[tilespmem:s16+$0x20] =	vst v23;
	s16 =	smov.u32 s13;
	s13 =	smov.u32 s8  }
0x1fc: {  	p1 =	slt.u32 s10, $0xC6;
	v21 =	vmul.f32 $1.442695020e+00, v21;
	s8 =	smov.u32 s23;
	v23 =	vld [tilespmem:s0+$0xFFFFFFF0];
	[tilespmem:s16+$0xFFFFFFF0] =	vst v25;
	v26 =	vperm.xlane v25, v0  }
0x1fd: {  	v30 =	vperm.xlane v25, v1;
	v31 =	vperm.xlane v25, v2;
	v29 =	vld [tilespmem:s23+$0xFFFFFFF0];
	[tilespmem:s16+$0x30] =	vst v20  }
0x1fe: {  	v20 =	vperm.xlane v25, v3;
	v32 =	vld [tilespmem:s23+$0xFFFFFFB0];
	(erf) = vpow2.f32 v21;
	[tilespmem:s16+$0x40] =	vst v19  }
0x1ff: {  	v21 =	vmul.f32 v8, v26;
	v19 =	vperm.xlane v19, v2;
	v8 =	vmov v15;
	v33 =	vld [tilespmem:s23+$0xFFFFFFC0]  }
0x200: {  	v30 =	vmul.f32 v6, v30;
	v26 =	vmul.f32 v9, v31;
	v6 =	vmovc v18;
	v34 =	vld [tilespmem:s23+$0xFFFFFFD0];
	v25 =	vadd.f32 v22, v27  }
.Ltmp6:
0x201: {  	v9 =	vmovc v17;
	v18 =	vmul.f32 v5, v20;
	v5 =	vmov v12;
	v27 =	vmul.f32 v11, v24;
	[tilespmem:s16+$0xFFFFFFB0] =	vst v21;
	v12 =	vld [tilespmem:s23+$0xFFFFFFE0];
	(pc) =	sbr.rel @p1 .LBB2_14-.Ltmp6, $4  }
0x202: {  	v22 =	vmul.f32 v10, v28;
	v11 =	vmovc v13;
	v21 =	vadd.f32 v23, v29;
	v29 =	vmul.f32 $2.000000030e-01, v25;
	v20 =	vld [tilespmem:s13+$0x30];
	[tilespmem:s16+$0xFFFFFFC0] =	vst v30  }
0x203: {  	v10 =	vmovc v14;
	vm1 =	vge.f32 v25, $0.0e+00;
	v23 =	vmul.f32 v7, v19;
	v7 =	vmovc v16;
	v13 =	vld [tilespmem:s23+$0x0];
	[tilespmem:s16+$0xFFFFFFD0] =	vst v26;
	v15 =	vmov v32  }
0x204: {  	vm0 =	vge.f32 v21, $0.0e+00;
	v24 =	vmul.f32 $2.000000030e-01, v21;
	v16 =	vsel vm1, v25, v29;
	v14 =	vld [tilespmem:s23+$0x10];
	v19 =	vpop (erf);
	[tilespmem:s16+$0xFFFFFFE0] =	vst v18  }
0x205: {  	s23 =	sadd.s32 $0xA0, s23;
	v18 =	vmovc v33;
	v25 =	vmul.f32 $1.442695020e+00, v16;
	v16 =	vld [tilespmem:s8+$0x20];
	v26 =	vperm.xlane v19, v3;
	[tilespmem:s16+$0x0] =	vst v27;
	v17 =	vmov v34  }
0x206: {  	v21 =	vsel vm0, v21, v24  }
0x207: {  	v21 =	vmul.f32 $1.442695020e+00, v21  }
0x208: {  	[tilespmem:s16+$0x10] =	vst v22;
	(erf) = vpow2.f32 v25;
	v22 =	vpop (erf)  }
0x209: {  	[tilespmem:s16+$0x20] =	vst v23;
	v23 =	vperm.xlane v22, v0;
	(erf) = vpow2.f32 v21  }
0x20a: {  	[tilespmem:s13+$0x40] =	vst v19;
	v20 =	vmul.f32 v20, v26;
	v24 =	vperm.xlane v22, v2  }
0x20b: {  	[tilespmem:s13+$0xFFFFFFF0] =	vst v22;
	v21 =	vperm.xlane v22, v1;
	v8 =	vmul.f32 v8, v23  }
0x20c: {  	[tilespmem:s13+$0x30] =	vst v20;
	v20 =	vperm.xlane v22, v3;
	v9 =	vmul.f32 v9, v24  }
0x20d: {  	v6 =	vmul.f32 v6, v21;
	v21 =	vperm.xlane v19, v0;
	[tilespmem:s13+$0xFFFFFFB0] =	vst v8  }
0x20e: {  	v5 =	vmul.f32 v5, v20;
	v8 =	vperm.xlane v19, v1;
	[tilespmem:s13+$0xFFFFFFD0] =	vst v9  }
0x20f: {  	v20 =	vld [tilespmem:s8+$0x30];
	[tilespmem:s13+$0xFFFFFFC0] =	vst v6;
	v6 =	vperm.xlane v19, v2;
	v11 =	vmul.f32 v11, v21  }
0x210: {  	[tilespmem:s13+$0xFFFFFFE0] =	vst v5;
	v8 =	vmul.f32 v10, v8  }
0x211: {  	v5 =	vmul.f32 v7, v6;
	[tilespmem:s13+$0x0] =	vst v11;
	v9 =	vpop (erf)  }
0x212: {  	[tilespmem:s13+$0x10] =	vst v8;
	v6 =	vperm.xlane v9, v3;
	v7 =	vpop (erf)  }
0x213: {  	[tilespmem:s13+$0x20] =	vst v5;
	v5 =	vperm.xlane v7, v0  }
0x214: {  	[tilespmem:s8+$0x40] =	vst v9;
	v6 =	vmul.f32 v20, v6;
	v8 =	vperm.xlane v7, v1  }
0x215: {  	[tilespmem:s8+$0xFFFFFFF0] =	vst v7;
	v10 =	vperm.xlane v7, v2;
	v5 =	vmul.f32 v15, v5  }
0x216: {  	[tilespmem:s8+$0x30] =	vst v6;
	v6 =	vperm.xlane v7, v3;
	v7 =	vmul.f32 v18, v8  }
0x217: {  	v8 =	vperm.xlane v9, v0;
	v10 =	vmul.f32 v17, v10;
	[tilespmem:s8+$0xFFFFFFB0] =	vst v5  }
0x218: {  	v5 =	vperm.xlane v9, v1;
	v6 =	vmul.f32 v12, v6;
	[tilespmem:s8+$0xFFFFFFC0] =	vst v7  }
0x219: {  	v7 =	vperm.xlane v9, v2;
	v8 =	vmul.f32 v13, v8;
	[tilespmem:s8+$0xFFFFFFD0] =	vst v10  }
0x21a: {  	v5 =	vmul.f32 v14, v5;
	[tilespmem:s8+$0xFFFFFFE0] =	vst v6  }
0x21b: {  	v6 =	vmul.f32 v16, v7;
	[tilespmem:s8+$0x0] =	vst v8  }
0x21c: {  	[tilespmem:s8+$0x10] =	vst v5  }
0x21d: {  	[tilespmem:s8+$0x20] =	vst v6  }
0x21e: {  	_ =	swait.ge [sflag:s19], $0x3E80  }
0x21f: {  	[sflag:s19] =	ssyncset.done $0x0  }
0x220: {  	[sflag:s19] =	ssyncadd.s32 $0xFFFFC180  }
0x221: {  	[spmem:s1] =	stream.indirect.scatter.add.f32 [tilespmem:s9], [sflag:$0x8], $0x50, s28, s25, $0xb8;
	[tilespmem:$0x1A900] =	vst v63  }
0x222: {  	s0 =	rddreg [dreg:$0x10]  }
0x223: {  	[tilespmem:s2], [sflag:$0x1] =	stream.linear.gather [hbm4b:s0+s2], $0xC8, $0x38;
	[tilespmem:$0x1A900] =	vst v63  }
0x224: {  	s16 =	rddreg [dreg:$0x11]  }
0x225: {  	[tilespmem:s25], [sflag:$0x1] =	stream.linear.gather [hbm4b:s16+s2], $0xC8, $0x38;
	[tilespmem:$0x1A900] =	vst v63  }
0x226: {  	_ =	swait.ge [sflag:s31], $0xC8  }
0x227: {  	[sflag:s31] =	ssyncset.done $0x0  }
0x228: {  	[sflag:s31] =	ssyncadd.s32 $0xFFFFFF38  }
0x229: {  	_ =	swait.ge [sflag:s31], $0xC8  }
0x22a: {  	[sflag:s31] =	ssyncset.done $0x0  }
0x22b: {  	s23 =	simm.s32 $0x190;
	[sflag:s31] =	ssyncadd.s32 $0xFFFFFF38  }
0x22c: {  	[tilespmem:s23], [sflag:$0x4] =	stream.indirect.gather [hbm4b:s6+s25], $0x10, s25, s25, $0xb8;
	[tilespmem:$0x1A900] =	vst v63  }
0x22d: {  	_ = 	snop  }
0x22e: {  	[tilespmem:s29], [sflag:$0x4] =	stream.indirect.gather [hbm4b:s7+s25], $0x50, s2, s25, $0xb8;
	[tilespmem:$0x1A900] =	vst v63  }
0x22f: {  	_ =	swait.ge [sflag:s20], $0xC80  }
0x230: {  	[sflag:s20] =	ssyncset.done $0x0  }
0x231: {  	[sflag:s20] =	ssyncadd.s32 $0xFFFFF380  }
0x232: {  	_ =	swait.ge [sflag:s20], $0x3E80  }
0x233: {  	[sflag:s20] =	ssyncset.done $0x0  }
0x234: {  	s16 =	simm.s32 $0xA780;
	[sflag:s20] =	ssyncadd.s32 $0xFFFFC180  }
0x235: {  	s24 =	simm.s32 $0x9AC0;
	v5 =	vld [tilespmem:s16+$0x40]  }
0x236: {  	v6 =	vld [tilespmem:s24+$0x0]  }
0x237: {  	v7 =	vld [tilespmem:s24+$0xFFFFFFF0]  }
0x238: {  	v8 =	vld [tilespmem:s16+$0xFFFFFFF0]  }
0x239: {  	v12 =	vld [tilespmem:s16+$0xFFFFFFB0]  }
0x23a: {  	v13 =	vld [tilespmem:s16+$0xFFFFFFC0]  }
0x23b: {  	v14 =	vld [tilespmem:s16+$0xFFFFFFD0];
	v5 =	vadd.f32 v6, v5  }
0x23c: {  	v16 =	vld [tilespmem:s16+$0xFFFFFFE0]  }
0x23d: {  	v19 =	vld [tilespmem:s16+$0x0];
	v6 =	vadd.f32 v7, v8;
	v7 =	vmul.f32 $2.000000030e-01, v5  }
0x23e: {  	s26 =	simm.s32 $0x9AE0;
	v22 =	vld [tilespmem:s16+$0x10];
	vm0 =	vge.f32 v5, $0.0e+00  }
0x23f: {  	s13 =	simm.s32 $0xA820;
	v10 =	vld [tilespmem:s26+$0x0];
	v5 =	vsel vm0, v5, v7  }
0x240: {  	v8 =	vmul.f32 $2.000000030e-01, v6;
	v7 =	vld [tilespmem:s13+$0x40];
	v5 =	vmul.f32 $1.442695020e+00, v5  }
0x241: {  	v15 =	vld [tilespmem:s26+$0xFFFFFFF0];
	vm0 =	vge.f32 v6, $0.0e+00  }
0x242: {  	s8 =	simm.s32 $0xA8C0;
	v17 =	vld [tilespmem:s13+$0xFFFFFFF0];
	v6 =	vsel vm0, v6, v8;
	(erf) = vpow2.f32 v5  }
0x243: {  	s0 =	simm.s32 $0x9B00;
	v25 =	vld [tilespmem:s8+$0x40];
	v5 =	vmul.f32 $1.442695020e+00, v6  }
0x244: {  	v27 =	vld [tilespmem:s0+$0x0]  }
0x245: {  	v23 =	vld [tilespmem:s16+$0x20];
	(erf) = vpow2.f32 v5;
	v7 =	vadd.f32 v10, v7  }
0x246: {  	v9 =	vld [tilespmem:s13+$0xFFFFFFD0]  }
0x247: {  	v18 =	vld [tilespmem:s16+$0x30];
	v10 =	vmul.f32 $2.000000030e-01, v7  }
0x248: {  	v11 =	vld [tilespmem:s13+$0x0];
	v15 =	vadd.f32 v15, v17;
	vm0 =	vge.f32 v7, $0.0e+00  }
0x249: {  	v30 =	vld [tilespmem:s8+$0xFFFFFFF0];
	v25 =	vadd.f32 v27, v25;
	v7 =	vsel vm0, v7, v10  }
0x24a: {  	v21 =	vmul.f32 $2.000000030e-01, v15;
	v8 =	vld [tilespmem:s13+$0xFFFFFFB0];
	v17 =	vmul.f32 $1.442695020e+00, v7  }
0x24b: {  	v62 =	vmul.f32 $2.000000030e-01, v25;
	v6 =	vld [tilespmem:s13+$0xFFFFFFC0];
	v20 =	vpop (erf)  }
0x24c: {  	v5 =	vld [tilespmem:s13+$0xFFFFFFE0];
	vm0 =	vge.f32 v15, $0.0e+00;
	(erf) = vpow2.f32 v17;
	v24 =	vperm.xlane v20, v3  }
0x24d: {  	v10 =	vld [tilespmem:s13+$0x10];
	v15 =	vsel vm0, v15, v21;
	v26 =	vperm.xlane v20, v0;
	v28 =	vperm.xlane v20, v1  }
0x24e: {  	v7 =	vld [tilespmem:s13+$0x20];
	v21 =	vpop (erf);
	v17 =	vmul.f32 v18, v24;
	v18 =	vmul.f32 $1.442695020e+00, v15  }
0x24f: {  	v27 =	vperm.xlane v20, v2;
	v24 =	vld [tilespmem:s0+$0xFFFFFFF0];
	v29 =	vperm.xlane v21, v0  }
0x250: {  	[tilespmem:s16+$0x40] =	vst v20;
	v20 =	vld [tilespmem:s13+$0x30];
	v31 =	vperm.xlane v21, v1;
	(erf) = vpow2.f32 v18  }
0x251: {  	v32 =	vperm.xlane v21, v2;
	v15 =	vld [tilespmem:s8+$0xFFFFFFB0];
	[tilespmem:s16+$0xFFFFFFF0] =	vst v21;
	v63 =	vmul.f32 v19, v26  }
0x252: {  	vm0 =	vge.f32 v25, $0.0e+00;
	v21 =	vperm.xlane v21, v3;
	[tilespmem:s16+$0x30] =	vst v17;
	v18 =	vld [tilespmem:s8+$0xFFFFFFC0];
	v29 =	vmul.f32 v12, v29  }
0x253: {  	v25 =	vsel vm0, v25, v62;
	v17 =	vld [tilespmem:s8+$0xFFFFFFD0];
	v13 =	vmul.f32 v13, v31;
	[tilespmem:s16+$0x0] =	vst v63  }
0x254: {  	v14 =	vmul.f32 v14, v32;
	v12 =	vld [tilespmem:s8+$0xFFFFFFE0];
	v16 =	vmul.f32 v16, v21;
	[tilespmem:s16+$0xFFFFFFB0] =	vst v29;
	v21 =	vadd.f32 v24, v30  }
0x255: {  	v25 =	vmul.f32 $1.442695020e+00, v25;
	[tilespmem:s16+$0xFFFFFFC0] =	vst v13;
	v13 =	vld [tilespmem:s8+$0x0]  }
0x256: {  	v22 =	vmul.f32 v22, v28;
	[tilespmem:s16+$0xFFFFFFD0] =	vst v14;
	v14 =	vld [tilespmem:s8+$0x10];
	v19 =	vpop (erf);
	v24 =	vmul.f32 $2.000000030e-01, v21  }
0x257: {  	s10 =	simm.s32 $0x4;
	s23 =	simm.s32 $0xA960;
	s24 =	simm.s32 $0xA;
	v23 =	vmul.f32 v23, v27;
	[tilespmem:s16+$0xFFFFFFE0] =	vst v16;
	v16 =	vld [tilespmem:s8+$0x20];
	vm0 =	vge.f32 v21, $0.0e+00;
	v26 =	vperm.xlane v19, v3  }
.LBB2_16:
0x258: {  	v27 =	vld [tilespmem:s23+$0x40];
	v21 =	vsel vm0, v21, v24;
	s0 =	sadd.s32 $0x20, s0;
	v24 =	vperm.xlane v19, v0;
	v28 =	vperm.xlane v19, v1;
	[tilespmem:s16+$0x10] =	vst v22  }
0x259: {  	s10 =	sadd.s32 $0x2, s10;
	v22 =	vld [tilespmem:s0+$0x0];
	(erf) = vpow2.f32 v25;
	v20 =	vmul.f32 v20, v26;
	v25 =	vpop (erf);
	[tilespmem:s16+$0x20] =	vst v23;
	s16 =	smov.u32 s13;
	s13 =	smov.u32 s8  }
0x25a: {  	p1 =	slt.u32 s10, $0xC6;
	v21 =	vmul.f32 $1.442695020e+00, v21;
	s8 =	smov.u32 s23;
	v23 =	vld [tilespmem:s0+$0xFFFFFFF0];
	[tilespmem:s16+$0xFFFFFFF0] =	vst v25;
	v26 =	vperm.xlane v25, v0  }
0x25b: {  	v30 =	vperm.xlane v25, v1;
	v31 =	vperm.xlane v25, v2;
	v29 =	vld [tilespmem:s23+$0xFFFFFFF0];
	[tilespmem:s16+$0x30] =	vst v20  }
0x25c: {  	v20 =	vperm.xlane v25, v3;
	v32 =	vld [tilespmem:s23+$0xFFFFFFB0];
	(erf) = vpow2.f32 v21;
	[tilespmem:s16+$0x40] =	vst v19  }
0x25d: {  	v21 =	vmul.f32 v8, v26;
	v19 =	vperm.xlane v19, v2;
	v8 =	vmov v15;
	v33 =	vld [tilespmem:s23+$0xFFFFFFC0]  }
0x25e: {  	v30 =	vmul.f32 v6, v30;
	v26 =	vmul.f32 v9, v31;
	v6 =	vmovc v18;
	v34 =	vld [tilespmem:s23+$0xFFFFFFD0];
	v25 =	vadd.f32 v22, v27  }
.Ltmp7:
0x25f: {  	v9 =	vmovc v17;
	v18 =	vmul.f32 v5, v20;
	v5 =	vmov v12;
	v27 =	vmul.f32 v11, v24;
	[tilespmem:s16+$0xFFFFFFB0] =	vst v21;
	v12 =	vld [tilespmem:s23+$0xFFFFFFE0];
	(pc) =	sbr.rel @p1 .LBB2_16-.Ltmp7, $4  }
0x260: {  	v22 =	vmul.f32 v10, v28;
	v11 =	vmovc v13;
	v21 =	vadd.f32 v23, v29;
	v29 =	vmul.f32 $2.000000030e-01, v25;
	v20 =	vld [tilespmem:s13+$0x30];
	[tilespmem:s16+$0xFFFFFFC0] =	vst v30  }
0x261: {  	v10 =	vmovc v14;
	vm1 =	vge.f32 v25, $0.0e+00;
	v23 =	vmul.f32 v7, v19;
	v7 =	vmovc v16;
	v13 =	vld [tilespmem:s23+$0x0];
	[tilespmem:s16+$0xFFFFFFD0] =	vst v26;
	v15 =	vmov v32  }
0x262: {  	vm0 =	vge.f32 v21, $0.0e+00;
	v24 =	vmul.f32 $2.000000030e-01, v21;
	v16 =	vsel vm1, v25, v29;
	v14 =	vld [tilespmem:s23+$0x10];
	v19 =	vpop (erf);
	[tilespmem:s16+$0xFFFFFFE0] =	vst v18  }
0x263: {  	s23 =	sadd.s32 $0xA0, s23;
	v18 =	vmovc v33;
	v25 =	vmul.f32 $1.442695020e+00, v16;
	v16 =	vld [tilespmem:s8+$0x20];
	v26 =	vperm.xlane v19, v3;
	[tilespmem:s16+$0x0] =	vst v27;
	v17 =	vmov v34  }
0x264: {  	v21 =	vsel vm0, v21, v24  }
0x265: {  	v21 =	vmul.f32 $1.442695020e+00, v21  }
0x266: {  	[tilespmem:s16+$0x10] =	vst v22;
	(erf) = vpow2.f32 v25;
	v22 =	vpop (erf)  }
0x267: {  	[tilespmem:s16+$0x20] =	vst v23;
	v23 =	vperm.xlane v22, v0;
	(erf) = vpow2.f32 v21  }
0x268: {  	[tilespmem:s13+$0x40] =	vst v19;
	v20 =	vmul.f32 v20, v26;
	v24 =	vperm.xlane v22, v2  }
0x269: {  	[tilespmem:s13+$0xFFFFFFF0] =	vst v22;
	v21 =	vperm.xlane v22, v1;
	v8 =	vmul.f32 v8, v23  }
0x26a: {  	[tilespmem:s13+$0x30] =	vst v20;
	v20 =	vperm.xlane v22, v3;
	v9 =	vmul.f32 v9, v24  }
0x26b: {  	v6 =	vmul.f32 v6, v21;
	v21 =	vperm.xlane v19, v0;
	[tilespmem:s13+$0xFFFFFFB0] =	vst v8  }
0x26c: {  	v5 =	vmul.f32 v5, v20;
	v8 =	vperm.xlane v19, v1;
	[tilespmem:s13+$0xFFFFFFD0] =	vst v9  }
0x26d: {  	v20 =	vld [tilespmem:s8+$0x30];
	[tilespmem:s13+$0xFFFFFFC0] =	vst v6;
	v6 =	vperm.xlane v19, v2;
	v11 =	vmul.f32 v11, v21  }
0x26e: {  	[tilespmem:s13+$0xFFFFFFE0] =	vst v5;
	v8 =	vmul.f32 v10, v8  }
0x26f: {  	v5 =	vmul.f32 v7, v6;
	[tilespmem:s13+$0x0] =	vst v11;
	v9 =	vpop (erf)  }
0x270: {  	[tilespmem:s13+$0x10] =	vst v8;
	v6 =	vperm.xlane v9, v3;
	v7 =	vpop (erf)  }
0x271: {  	[tilespmem:s13+$0x20] =	vst v5;
	v5 =	vperm.xlane v7, v0  }
0x272: {  	[tilespmem:s8+$0x40] =	vst v9;
	v6 =	vmul.f32 v20, v6;
	v8 =	vperm.xlane v7, v1  }
0x273: {  	[tilespmem:s8+$0xFFFFFFF0] =	vst v7;
	v10 =	vperm.xlane v7, v2;
	v5 =	vmul.f32 v15, v5  }
0x274: {  	[tilespmem:s8+$0x30] =	vst v6;
	v6 =	vperm.xlane v7, v3;
	v7 =	vmul.f32 v18, v8  }
0x275: {  	v8 =	vperm.xlane v9, v0;
	v10 =	vmul.f32 v17, v10;
	[tilespmem:s8+$0xFFFFFFB0] =	vst v5  }
0x276: {  	v5 =	vperm.xlane v9, v1;
	v6 =	vmul.f32 v12, v6;
	[tilespmem:s8+$0xFFFFFFC0] =	vst v7  }
0x277: {  	v7 =	vperm.xlane v9, v2;
	v8 =	vmul.f32 v13, v8;
	[tilespmem:s8+$0xFFFFFFD0] =	vst v10  }
0x278: {  	v5 =	vmul.f32 v14, v5;
	[tilespmem:s8+$0xFFFFFFE0] =	vst v6  }
0x279: {  	v6 =	vmul.f32 v16, v7;
	[tilespmem:s8+$0x0] =	vst v8  }
0x27a: {  	[tilespmem:s8+$0x10] =	vst v5  }
0x27b: {  	[tilespmem:s8+$0x20] =	vst v6  }
0x27c: {  	_ =	swait.ge [sflag:s21], $0x3E80  }
0x27d: {  	[sflag:s21] =	ssyncset.done $0x0  }
0x27e: {  	[sflag:s21] =	ssyncadd.s32 $0xFFFFC180  }
0x27f: {  	[spmem:s1] =	stream.indirect.scatter.add.f32 [tilespmem:s17], [sflag:$0x9], $0x50, s14, s25, $0xb8;
	[tilespmem:$0x1A900] =	vst v63  }
0x280: {  	_ =	swait.ge [sflag:s11], $0xC80  }
0x281: {  	[sflag:s11] =	ssyncset.done $0x0  }
0x282: {  	[sflag:s11] =	ssyncadd.s32 $0xFFFFF380  }
0x283: {  	_ =	swait.ge [sflag:s11], $0x3E80  }
0x284: {  	[sflag:s11] =	ssyncset.done $0x0  }
0x285: {  	s16 =	simm.s32 $0xE60;
	[sflag:s11] =	ssyncadd.s32 $0xFFFFC180  }
0x286: {  	s0 =	simm.s32 $0x1A0;
	v5 =	vld [tilespmem:s16+$0x40]  }
0x287: {  	v6 =	vld [tilespmem:s0+$0x0]  }
0x288: {  	v7 =	vld [tilespmem:s0+$0xFFFFFFF0]  }
0x289: {  	v8 =	vld [tilespmem:s16+$0xFFFFFFF0]  }
0x28a: {  	v12 =	vld [tilespmem:s16+$0xFFFFFFB0]  }
0x28b: {  	v13 =	vld [tilespmem:s16+$0xFFFFFFC0]  }
0x28c: {  	v14 =	vld [tilespmem:s16+$0xFFFFFFD0];
	v5 =	vadd.f32 v6, v5  }
0x28d: {  	v16 =	vld [tilespmem:s16+$0xFFFFFFE0]  }
0x28e: {  	v19 =	vld [tilespmem:s16+$0x0];
	v6 =	vadd.f32 v7, v8;
	v7 =	vmul.f32 $2.000000030e-01, v5  }
0x28f: {  	s26 =	simm.s32 $0x1C0;
	v22 =	vld [tilespmem:s16+$0x10];
	vm0 =	vge.f32 v5, $0.0e+00  }
0x290: {  	s13 =	simm.s32 $0xF00;
	v10 =	vld [tilespmem:s26+$0x0];
	v5 =	vsel vm0, v5, v7  }
0x291: {  	v8 =	vmul.f32 $2.000000030e-01, v6;
	v7 =	vld [tilespmem:s13+$0x40];
	v5 =	vmul.f32 $1.442695020e+00, v5  }
0x292: {  	v15 =	vld [tilespmem:s26+$0xFFFFFFF0];
	vm0 =	vge.f32 v6, $0.0e+00  }
0x293: {  	s8 =	simm.s32 $0xFA0;
	v17 =	vld [tilespmem:s13+$0xFFFFFFF0];
	v6 =	vsel vm0, v6, v8;
	(erf) = vpow2.f32 v5  }
0x294: {  	v25 =	vld [tilespmem:s8+$0x40];
	s0 =	simm.s32 $0x1E0;
	v5 =	vmul.f32 $1.442695020e+00, v6  }
0x295: {  	v27 =	vld [tilespmem:s0+$0x0]  }
0x296: {  	v23 =	vld [tilespmem:s16+$0x20];
	(erf) = vpow2.f32 v5;
	v7 =	vadd.f32 v10, v7  }
0x297: {  	v9 =	vld [tilespmem:s13+$0xFFFFFFD0]  }
0x298: {  	v18 =	vld [tilespmem:s16+$0x30];
	v10 =	vmul.f32 $2.000000030e-01, v7  }
0x299: {  	v11 =	vld [tilespmem:s13+$0x0];
	v15 =	vadd.f32 v15, v17;
	vm0 =	vge.f32 v7, $0.0e+00  }
0x29a: {  	v30 =	vld [tilespmem:s8+$0xFFFFFFF0];
	v25 =	vadd.f32 v27, v25;
	v7 =	vsel vm0, v7, v10  }
0x29b: {  	v21 =	vmul.f32 $2.000000030e-01, v15;
	v8 =	vld [tilespmem:s13+$0xFFFFFFB0];
	v17 =	vmul.f32 $1.442695020e+00, v7  }
0x29c: {  	v62 =	vmul.f32 $2.000000030e-01, v25;
	v6 =	vld [tilespmem:s13+$0xFFFFFFC0];
	v20 =	vpop (erf)  }
0x29d: {  	v5 =	vld [tilespmem:s13+$0xFFFFFFE0];
	vm0 =	vge.f32 v15, $0.0e+00;
	(erf) = vpow2.f32 v17;
	v24 =	vperm.xlane v20, v3  }
0x29e: {  	v10 =	vld [tilespmem:s13+$0x10];
	v15 =	vsel vm0, v15, v21;
	v26 =	vperm.xlane v20, v0;
	v28 =	vperm.xlane v20, v1  }
0x29f: {  	v7 =	vld [tilespmem:s13+$0x20];
	v21 =	vpop (erf);
	v17 =	vmul.f32 v18, v24;
	v18 =	vmul.f32 $1.442695020e+00, v15  }
0x2a0: {  	v27 =	vperm.xlane v20, v2;
	v24 =	vld [tilespmem:s0+$0xFFFFFFF0];
	v29 =	vperm.xlane v21, v0  }
0x2a1: {  	[tilespmem:s16+$0x40] =	vst v20;
	v20 =	vld [tilespmem:s13+$0x30];
	v31 =	vperm.xlane v21, v1;
	(erf) = vpow2.f32 v18  }
0x2a2: {  	v32 =	vperm.xlane v21, v2;
	v15 =	vld [tilespmem:s8+$0xFFFFFFB0];
	[tilespmem:s16+$0xFFFFFFF0] =	vst v21;
	v63 =	vmul.f32 v19, v26  }
0x2a3: {  	vm0 =	vge.f32 v25, $0.0e+00;
	v21 =	vperm.xlane v21, v3;
	[tilespmem:s16+$0x30] =	vst v17;
	v18 =	vld [tilespmem:s8+$0xFFFFFFC0];
	v29 =	vmul.f32 v12, v29  }
0x2a4: {  	v25 =	vsel vm0, v25, v62;
	v17 =	vld [tilespmem:s8+$0xFFFFFFD0];
	v13 =	vmul.f32 v13, v31;
	[tilespmem:s16+$0x0] =	vst v63  }
0x2a5: {  	v14 =	vmul.f32 v14, v32;
	v12 =	vld [tilespmem:s8+$0xFFFFFFE0];
	v16 =	vmul.f32 v16, v21;
	[tilespmem:s16+$0xFFFFFFB0] =	vst v29;
	v21 =	vadd.f32 v24, v30  }
0x2a6: {  	v25 =	vmul.f32 $1.442695020e+00, v25;
	[tilespmem:s16+$0xFFFFFFC0] =	vst v13;
	v13 =	vld [tilespmem:s8+$0x0]  }
0x2a7: {  	v22 =	vmul.f32 v22, v28;
	[tilespmem:s16+$0xFFFFFFD0] =	vst v14;
	v14 =	vld [tilespmem:s8+$0x10];
	v19 =	vpop (erf);
	v24 =	vmul.f32 $2.000000030e-01, v21  }
0x2a8: {  	s10 =	simm.s32 $0x4;
	s23 =	simm.s32 $0x1040;
	v23 =	vmul.f32 v23, v27;
	[tilespmem:s16+$0xFFFFFFE0] =	vst v16;
	v16 =	vld [tilespmem:s8+$0x20];
	vm0 =	vge.f32 v21, $0.0e+00;
	v26 =	vperm.xlane v19, v3  }
.LBB2_18:
0x2a9: {  	v27 =	vld [tilespmem:s23+$0x40];
	v21 =	vsel vm0, v21, v24;
	s0 =	sadd.s32 $0x20, s0;
	v24 =	vperm.xlane v19, v0;
	v28 =	vperm.xlane v19, v1;
	[tilespmem:s16+$0x10] =	vst v22  }
0x2aa: {  	s10 =	sadd.s32 $0x2, s10;
	v22 =	vld [tilespmem:s0+$0x0];
	(erf) = vpow2.f32 v25;
	v20 =	vmul.f32 v20, v26;
	v25 =	vpop (erf);
	[tilespmem:s16+$0x20] =	vst v23;
	s16 =	smov.u32 s13;
	s13 =	smov.u32 s8  }
0x2ab: {  	p1 =	slt.u32 s10, $0xC6;
	v21 =	vmul.f32 $1.442695020e+00, v21;
	s8 =	smov.u32 s23;
	v23 =	vld [tilespmem:s0+$0xFFFFFFF0];
	[tilespmem:s16+$0xFFFFFFF0] =	vst v25;
	v26 =	vperm.xlane v25, v0  }
0x2ac: {  	v30 =	vperm.xlane v25, v1;
	v31 =	vperm.xlane v25, v2;
	v29 =	vld [tilespmem:s23+$0xFFFFFFF0];
	[tilespmem:s16+$0x30] =	vst v20  }
0x2ad: {  	v20 =	vperm.xlane v25, v3;
	v32 =	vld [tilespmem:s23+$0xFFFFFFB0];
	(erf) = vpow2.f32 v21;
	[tilespmem:s16+$0x40] =	vst v19  }
0x2ae: {  	v21 =	vmul.f32 v8, v26;
	v19 =	vperm.xlane v19, v2;
	v8 =	vmov v15;
	v33 =	vld [tilespmem:s23+$0xFFFFFFC0]  }
0x2af: {  	v30 =	vmul.f32 v6, v30;
	v26 =	vmul.f32 v9, v31;
	v6 =	vmovc v18;
	v34 =	vld [tilespmem:s23+$0xFFFFFFD0];
	v25 =	vadd.f32 v22, v27  }
.Ltmp8:
0x2b0: {  	v9 =	vmovc v17;
	v18 =	vmul.f32 v5, v20;
	v5 =	vmov v12;
	v27 =	vmul.f32 v11, v24;
	[tilespmem:s16+$0xFFFFFFB0] =	vst v21;
	v12 =	vld [tilespmem:s23+$0xFFFFFFE0];
	(pc) =	sbr.rel @p1 .LBB2_18-.Ltmp8, $4  }
0x2b1: {  	v22 =	vmul.f32 v10, v28;
	v11 =	vmovc v13;
	v21 =	vadd.f32 v23, v29;
	v29 =	vmul.f32 $2.000000030e-01, v25;
	v20 =	vld [tilespmem:s13+$0x30];
	[tilespmem:s16+$0xFFFFFFC0] =	vst v30  }
0x2b2: {  	v10 =	vmovc v14;
	vm1 =	vge.f32 v25, $0.0e+00;
	v23 =	vmul.f32 v7, v19;
	v7 =	vmovc v16;
	v13 =	vld [tilespmem:s23+$0x0];
	[tilespmem:s16+$0xFFFFFFD0] =	vst v26;
	v15 =	vmov v32  }
0x2b3: {  	vm0 =	vge.f32 v21, $0.0e+00;
	v24 =	vmul.f32 $2.000000030e-01, v21;
	v16 =	vsel vm1, v25, v29;
	v14 =	vld [tilespmem:s23+$0x10];
	v19 =	vpop (erf);
	[tilespmem:s16+$0xFFFFFFE0] =	vst v18  }
0x2b4: {  	s23 =	sadd.s32 $0xA0, s23;
	v18 =	vmovc v33;
	v25 =	vmul.f32 $1.442695020e+00, v16;
	v16 =	vld [tilespmem:s8+$0x20];
	v26 =	vperm.xlane v19, v3;
	[tilespmem:s16+$0x0] =	vst v27;
	v17 =	vmov v34  }
0x2b5: {  	v21 =	vsel vm0, v21, v24  }
0x2b6: {  	[tilespmem:s16+$0x10] =	vst v22;
	(erf) = vpow2.f32 v25;
	v21 =	vmul.f32 $1.442695020e+00, v21  }
0x2b7: {  	[tilespmem:s16+$0x20] =	vst v23;
	v57 =	vperm.xlane v19, v0;
	v20 =	vmul.f32 v20, v26;
	v52 =	vpop (erf)  }
0x2b8: {  	[tilespmem:s13+$0x40] =	vst v19;
	v53 =	vperm.xlane v52, v0;
	(erf) = vpow2.f32 v21  }
0x2b9: {  	[tilespmem:s13+$0xFFFFFFF0] =	vst v52;
	v54 =	vperm.xlane v52, v1;
	v11 =	vmul.f32 v11, v57  }
0x2ba: {  	v55 =	vperm.xlane v52, v2;
	[tilespmem:s13+$0x30] =	vst v20;
	v8 =	vmul.f32 v8, v53  }
0x2bb: {  	v56 =	vperm.xlane v52, v3;
	v6 =	vmul.f32 v6, v54;
	[tilespmem:s13+$0x0] =	vst v11  }
0x2bc: {  	v58 =	vperm.xlane v19, v1;
	v9 =	vmul.f32 v9, v55;
	[tilespmem:s13+$0xFFFFFFB0] =	vst v8  }
0x2bd: {  	v59 =	vld [tilespmem:s8+$0x30];
	v5 =	vmul.f32 v5, v56;
	[tilespmem:s13+$0xFFFFFFC0] =	vst v6;
	v6 =	vperm.xlane v19, v2  }
0x2be: {  	[tilespmem:s13+$0xFFFFFFD0] =	vst v9;
	v8 =	vmul.f32 v10, v58  }
0x2bf: {  	[tilespmem:s13+$0xFFFFFFE0] =	vst v5;
	v5 =	vmul.f32 v7, v6;
	v60 =	vpop (erf)  }
0x2c0: {  	[tilespmem:s13+$0x10] =	vst v8;
	v6 =	vperm.xlane v60, v3  }
0x2c1: {  	[tilespmem:s13+$0x20] =	vst v5;
	v63 =	vperm.xlane v60, v0;
	v7 =	vpop (erf)  }
0x2c2: {  	[tilespmem:s8+$0x40] =	vst v60;
	v6 =	vmul.f32 v59, v6;
	v5 =	vperm.xlane v7, v0  }
0x2c3: {  	[tilespmem:s8+$0xFFFFFFF0] =	vst v7;
	v61 =	vperm.xlane v7, v1;
	v8 =	vmul.f32 v13, v63  }
0x2c4: {  	v62 =	vperm.xlane v7, v2;
	[tilespmem:s8+$0x30] =	vst v6;
	v5 =	vmul.f32 v15, v5  }
0x2c5: {  	v6 =	vperm.xlane v7, v3;
	v7 =	vmul.f32 v18, v61;
	[tilespmem:s8+$0x0] =	vst v8  }
0x2c6: {  	v10 =	vmul.f32 v17, v62;
	[tilespmem:s8+$0xFFFFFFB0] =	vst v5;
	v5 =	vperm.xlane v60, v1  }
0x2c7: {  	v6 =	vmul.f32 v12, v6;
	[tilespmem:s8+$0xFFFFFFC0] =	vst v7;
	v7 =	vperm.xlane v60, v2  }
0x2c8: {  	[tilespmem:s8+$0xFFFFFFD0] =	vst v10;
	v5 =	vmul.f32 v14, v5  }
0x2c9: {  	[tilespmem:s8+$0xFFFFFFE0] =	vst v6;
	v6 =	vmul.f32 v16, v7  }
0x2ca: {  	[tilespmem:s8+$0x10] =	vst v5  }
0x2cb: {  	[tilespmem:s8+$0x20] =	vst v6  }
0x2cc: {  	_ =	swait.ge [sflag:s22], $0x3E80  }
0x2cd: {  	[sflag:s22] =	ssyncset.done $0x0  }
0x2ce: {  	[sflag:s22] =	ssyncadd.s32 $0xFFFFC180  }
0x2cf: {  	[spmem:s1] =	stream.indirect.scatter.add.f32 [tilespmem:s29], [sflag:$0x7], $0x50, s25, s25, $0xb8;
	[tilespmem:$0x1A900] =	vst v63  }
0x2d0: {  	_ =	swait.ge [sflag:s19], $0x3E80  }
0x2d1: {  	[sflag:s19] =	ssyncset.done $0x0  }
0x2d2: {  	[sflag:s19] =	ssyncadd.s32 $0xFFFFC180  }
0x2d3: {  	s0 =	stileid.u32;
	[bflag:$0x0] =	sbarrier.arrive $0xFFFF  }
0x2d4: {  	s0 =	sshll.u32 s0, $0x6;
	s23 =	rddreg [dreg:$0x9]  }
0x2d5: {  	s0 =	sor.u32 $0x1C0A, s0;
	s10 =	rddreg [dreg:$0xd];
	s26 =	sshrl.u32 s23, $0x3  }
0x2d6: {  	[hbm:s10], [sflag:s0] =	dma.local [spmem:s26], $0x1860  }
0x2d7: {  	_ =	swait.ge [sflag:s24], $0x1860  }
0x2d8: {  	[sflag:s24] =	ssyncset.done $0x0;
	s16 =	rddreg [dreg:$0x14]  }
0x2d9: {  	s10 =	rddreg [dreg:$0x12];
	[sflag:s24] =	ssyncadd.s32 $0xFFFFE7A0;
	s8 =	sshrl.u32 @!p0 s16, $0x3  }
0x2da: {  	[hbm:s10], [sflag:s0] =	dma.local @!p0 [spmem:s8], $0xA0  }
0x2db: {  	s0 =	simm.s32 @!p0 $0xA  }
0x2dc: {  	_ =	swait.ge @!p0 [sflag:s0], $0xA0  }
0x2dd: {  	s13 =	rddreg [dreg:$0x15]  }
0x2de: {  	s26 =	rddreg [dreg:$0x13];
	s10 =	sadd.s32 $0x1, s13  }
0x2df: {  	p1 =	sne.s32 s10, s26  }
.Ltmp9:
0x2e0: {  	_ = 	snop;
	(pc) =	sbr.rel @p1 .LBB2_1-.Ltmp9, $3  }
0x2e1: {  	_ =	sdelay $0x1  }
0x2e2: {  	[sflag:s0] =	ssyncset.done @!p0 $0x0  }
0x2e3: {  	[sflag:s0] =	ssyncadd.s32 @!p0 $0xFFFFFF60  }
0x2e4: {  	_ =	sfence.sel $0x180000  }
0x2e5: {  	[bflag:$0x0] =	sbarrier.arrive $0xFFFF  }
0x2e6: {  	_ =	strace $0x90000047  }
0x2e7: {  	[bflag:$0x2] =	sbarrier.arrive $0xFFFF  }
0x2e8: {  	s0 =	rddreg [dreg:$0x3]  }
0x2e9: {  	s0 =	sadd.s32 @!p0 $0x100000, s0  }
0x2ea: {  	[sflag:s0] =	ssyncadd.tile.s32 @!p0 $0x1;
	_ =	shalt  }
.Lfunc_end2:
_tile_overlayer_lowered:
.L_overlay_start_2:
0x2eb: {  	(tag) =	ssettag $0x2  }
0x2ec: {  	s0 =	rddreg [dreg:$0x0];
	s2 =	stileid.u32  }
0x2ed: {  	s1 =	rddreg [dreg:$0x1];
	p0 =	sne.s32 s2, $0x0  }
0x2ee: {  	s3 =	rddreg [dreg:$0x2];
	[bflag:$0x3] =	sbarrier.arrive $0xFFFF;
	s2 =	simm.s32 @!p0 $0x1C0A  }
0x2ef: {  	[timem:s3], [sflag:s2] =	dma.local @!p0 [hbm:s0], s1  }
0x2f0: {  	s0 =	simm.s32 @!p0 $0xA  }
0x2f1: {  	_ =	swait.ge @!p0 [sflag:s0], s1  }
0x2f2: {  	s1 =	ssub.s32 @!p0 $0x0, s1;
	[sflag:s0] =	ssyncset.done @!p0 $0x0  }
0x2f3: {  	[sflag:s0] =	ssyncadd.s32 @!p0 s1  }
0x2f4: {  	[bflag:$0x3] =	sbarrier.arrive $0xFFFF  }
0x2f5: {  	_ =	shalt  }

</sc_bundles>
